<compile_context>
chip_gen: v7x
topology: tpu7x:2x2x1
jax: 0.10.2.dev20260603
libtpu: 0.0.44.dev20260713+nightly
codegen_flags: <defaults>
</compile_context>

<pallas_src>
import functools

import jax
import jax.numpy as jnp
from jax import lax
from jax.experimental import pallas as pl
from jax.experimental.pallas import tpu as pltpu
from jax.experimental.pallas import tpu_sc as plsc

NC = 2
NS = 16
LANES = 16

_SC_PARAMS = pltpu.CompilerParams(needs_layout_passes=False,
                                  use_tc_tiling_on_sc=False)


def _leaky(x):
    return jnp.where(x > 0, x, 0.2 * x)


def _row_chunks(total, batch):
    out, off = [], 0
    while off < total:
        step = min(batch, total - off)
        out.append((off, step))
        off += step
    return out


def _zero_fill(zsrc, acc, s, ch, tail, n, batch):
    for off, step in _row_chunks(ch, batch):
        pltpu.sync_copy(zsrc.at[pl.ds(0, step)],
                        acc.at[pl.ds(s * ch + off, step)])
    if tail:
        @pl.when(s == 0)
        def _():
            pltpu.sync_copy(zsrc.at[pl.ds(0, tail)],
                            acc.at[pl.ds(NS * ch, tail)])


def _read_out(acc, dst_at, s, ch, tail, batch):
    for off, step in _row_chunks(ch, batch):
        pltpu.sync_copy(acc.at[pl.ds(s * ch + off, step)],
                        dst_at(s * ch + off, step))
    if tail:
        @pl.when(s == 0)
        def _():
            pltpu.sync_copy(acc.at[pl.ds(NS * ch, tail)],
                            dst_at(NS * ch, tail))


def _tc1_body(x_b, w1_b, asm_b, adm_b, hcat_b, sas_b, sad_b):
    h = jnp.dot(x_b[...], w1_b[...], preferred_element_type=jnp.float32)
    hcat_b[0] = h[:, :128]
    hcat_b[1] = h[:, 128:]
    sas_b[...] = jnp.dot(h, asm_b[...], preferred_element_type=jnp.float32)
    sad_b[...] = jnp.dot(h, adm_b[...], preferred_element_type=jnp.float32)


def _tc1(x, W1, As, Ad, bn):
    n, d_in = x.shape
    d_out = W1.shape[1]
    grid = n // bn
    return pl.pallas_call(
        _tc1_body,
        grid=(grid,),
        in_specs=[
            pl.BlockSpec((bn, d_in), lambda i: (i, 0)),
            pl.BlockSpec((d_in, d_out), lambda i: (0, 0)),
            pl.BlockSpec((d_out, 16), lambda i: (0, 0)),
            pl.BlockSpec((d_out, 16), lambda i: (0, 0)),
        ],
        out_specs=[
            pl.BlockSpec((2, bn, 128), lambda i: (0, i, 0)),
            pl.BlockSpec((bn, 16), lambda i: (i, 0)),
            pl.BlockSpec((bn, 16), lambda i: (i, 0)),
        ],
        out_shape=[
            jax.ShapeDtypeStruct((2, n, 128), jnp.float32),
            jax.ShapeDtypeStruct((n, 16), jnp.float32),
            jax.ShapeDtypeStruct((n, 16), jnp.float32),
        ],
    )(x, W1, As, Ad)


def _sc_a(src, dst, sas, sad, n, batch):
    e = src.shape[0]
    epw = e // (NC * NS)
    nb = epw // batch
    ch = (n // (8 * NS)) * 8
    tail = n - ch * NS
    mesh = plsc.VectorSubcoreMesh(core_axis_name="c", subcore_axis_name="s")

    @functools.partial(
        pl.kernel,
        mesh=mesh,
        compiler_params=_SC_PARAMS,
        out_type=(
            jax.ShapeDtypeStruct((e, 16), jnp.float32),
            jax.ShapeDtypeStruct((NC, n, 16), jnp.float32),
        ),
        scratch_types=[
            pltpu.VMEM((batch,), jnp.int32),
            pltpu.VMEM((batch,), jnp.int32),
            pltpu.VMEM((batch, 16), jnp.float32),
            pltpu.VMEM((batch, 16), jnp.float32),
            pltpu.VMEM((batch, 16), jnp.float32),
            pltpu.VMEM_SHARED((n, 16), jnp.float32),
            pltpu.SemaphoreType.DMA,
            pltpu.SemaphoreType.DMA,
        ],
    )
    def body(src_h, dst_h, sas_h, sad_h, ee_h, esum_h,
             srcb, dstb, asb, adb, sbuf, acc, sem1, sem2):
        c = lax.axis_index("c")
        s = lax.axis_index("s")
        wid = c * NS + s
        lane = lax.broadcasted_iota(jnp.int32, (LANES,), 0)

        def zrow(b, carry):
            sbuf[b] = jnp.zeros((LANES,), jnp.float32)
            return carry
        lax.fori_loop(0, batch, zrow, 0)
        _zero_fill(sbuf, acc, s, ch, tail, n, batch)
        plsc.subcore_barrier()

        def batch_body(i, carry):
            base = wid * epw + i * batch
            pltpu.sync_copy(src_h.at[pl.ds(base, batch)], srcb)
            pltpu.sync_copy(dst_h.at[pl.ds(base, batch)], dstb)
            cp1 = pltpu.async_copy(sas_h.at[srcb], asb, sem1)
            cp2 = pltpu.async_copy(sad_h.at[dstb], adb, sem2)
            cp1.wait()
            cp2.wait()

            def edge(b, carry2):
                ee = jnp.exp(_leaky(asb[b] + adb[b]))
                row = jnp.where(lane < 4, ee,
                                jnp.where(lane == 4, 1.0, 0.0))
                sbuf[b] = row
                return carry2
            lax.fori_loop(0, batch, edge, 0)

            pltpu.sync_copy(sbuf, acc.at[dstb], add=True)
            pltpu.sync_copy(sbuf, ee_h.at[pl.ds(base, batch)])
            return carry
        lax.fori_loop(0, nb, batch_body, 0)

        plsc.subcore_barrier()
        _read_out(acc, lambda o, st: esum_h.at[c, pl.ds(o, st)],
                  s, ch, tail, batch)

    return body(src, dst, sas, sad)


def _sc_b(src2, dst, ee, hcat2, n, batch):
    e = dst.shape[0]
    ept = e // NS
    nb = ept // batch
    ch = (n // (8 * NS)) * 8
    tail = n - ch * NS
    mesh = plsc.VectorSubcoreMesh(core_axis_name="c", subcore_axis_name="s")

    @functools.partial(
        pl.kernel,
        mesh=mesh,
        compiler_params=_SC_PARAMS,
        out_type=jax.ShapeDtypeStruct((NC, n, 128), jnp.float32),
        scratch_types=[
            pltpu.VMEM((batch,), jnp.int32),
            pltpu.VMEM((batch,), jnp.int32),
            pltpu.VMEM((batch, 16), jnp.float32),
            pltpu.VMEM((batch, 128), jnp.float32),
            pltpu.VMEM_SHARED((n, 128), jnp.float32),
            pltpu.SemaphoreType.DMA,
        ],
    )
    def body(src2_h, dst_h, ee_h, hcat2_h, msg_h,
             srcb, dstb, eeb, rows, acc, sem):
        c = lax.axis_index("c")
        s = lax.axis_index("s")

        def zrow(b, carry):
            for k in range(8):
                rows[b, pl.ds(k * LANES, LANES)] = jnp.zeros((LANES,),
                                                             jnp.float32)
            return carry
        lax.fori_loop(0, batch, zrow, 0)
        _zero_fill(rows, acc, s, ch, tail, n, batch)
        plsc.subcore_barrier()

        def batch_body(i, carry):
            base = s * ept + i * batch
            pltpu.sync_copy(src2_h.at[pl.ds(c * e + base, batch)], srcb)
            pltpu.sync_copy(dst_h.at[pl.ds(base, batch)], dstb)
            pltpu.sync_copy(ee_h.at[pl.ds(base, batch)], eeb)
            pltpu.async_copy(hcat2_h.at[srcb], rows, sem).wait()

            def edge(b, carry2):
                for hh in range(2):
                    col = 2 * c + hh
                    av = plsc.load_gather(
                        eeb, [jnp.broadcast_to(b, (LANES,)),
                              jnp.broadcast_to(col, (LANES,))])
                    for k in range(4):
                        sl = pl.ds(hh * 64 + k * LANES, LANES)
                        rows[b, sl] = rows[b, sl] * av
                return carry2
            lax.fori_loop(0, batch, edge, 0)

            pltpu.sync_copy(rows, acc.at[dstb], add=True)
            return carry
        lax.fori_loop(0, nb, batch_body, 0)

        plsc.subcore_barrier()
        _read_out(acc, lambda o, st: msg_h.at[c, pl.ds(o, st)],
                  s, ch, tail, batch)

    return body(src2, dst, ee, hcat2)


def _tc2_body(hcat_b, msg_b, esum_b, sas_b, sad_b, w2_b, b1_b,
              g2_b, dinv8_b):
    es = esum_b[0] + esum_b[1]
    eel = jnp.exp(_leaky(sas_b[...] + sad_b[...]))
    f = es + eel
    inv = 1.0 / (f + 1e-16)
    dinv = lax.rsqrt(f[:, 4:5])
    parts = []
    for hd in range(4):
        cc, hh = hd // 2, hd % 2
        msg_h = msg_b[cc][:, hh * 64:(hh + 1) * 64]
        h_h = hcat_b[cc][:, hh * 64:(hh + 1) * 64]
        parts.append((msg_h + h_h * eel[:, hd:hd + 1]) * inv[:, hd:hd + 1])
    a1 = jnp.maximum(jnp.concatenate(parts, axis=1) + b1_b[...], 0.0)
    h2 = jnp.dot(a1, w2_b[...], preferred_element_type=jnp.float32)
    g2_b[...] = h2 * dinv
    dinv8_b[...] = jnp.broadcast_to(dinv, (dinv.shape[0], 8))


def _tc2(hcat, msg, esum2, sas, sad, W2, b1, bn):
    n = sas.shape[0]
    grid = n // bn
    return pl.pallas_call(
        _tc2_body,
        grid=(grid,),
        in_specs=[
            pl.BlockSpec((2, bn, 128), lambda i: (0, i, 0)),
            pl.BlockSpec((2, bn, 128), lambda i: (0, i, 0)),
            pl.BlockSpec((2, bn, 16), lambda i: (0, i, 0)),
            pl.BlockSpec((bn, 16), lambda i: (i, 0)),
            pl.BlockSpec((bn, 16), lambda i: (i, 0)),
            pl.BlockSpec((256, 64), lambda i: (0, 0)),
            pl.BlockSpec((1, 256), lambda i: (0, 0)),
        ],
        out_specs=[
            pl.BlockSpec((bn, 64), lambda i: (i, 0)),
            pl.BlockSpec((bn, 8), lambda i: (i, 0)),
        ],
        out_shape=[
            jax.ShapeDtypeStruct((n, 64), jnp.float32),
            jax.ShapeDtypeStruct((n, 8), jnp.float32),
        ],
    )(hcat, msg, esum2, sas, sad, W2, b1)


def _sc_c(src, dst, g2, n, batch):
    e = src.shape[0]
    epw = e // (NC * NS)
    nb = epw // batch
    ch = (n // (8 * NS)) * 8
    tail = n - ch * NS
    mesh = plsc.VectorSubcoreMesh(core_axis_name="c", subcore_axis_name="s")

    @functools.partial(
        pl.kernel,
        mesh=mesh,
        compiler_params=_SC_PARAMS,
        out_type=jax.ShapeDtypeStruct((NC, n, 64), jnp.float32),
        scratch_types=[
            pltpu.VMEM((batch,), jnp.int32),
            pltpu.VMEM((batch,), jnp.int32),
            pltpu.VMEM((batch, 64), jnp.float32),
            pltpu.VMEM_SHARED((n, 64), jnp.float32),
            pltpu.SemaphoreType.DMA,
        ],
    )
    def body(src_h, dst_h, g2_h, out_h, srcb, dstb, rows, acc, sem):
        c = lax.axis_index("c")
        s = lax.axis_index("s")
        wid = c * NS + s

        def zrow(b, carry):
            for k in range(4):
                rows[b, pl.ds(k * LANES, LANES)] = jnp.zeros((LANES,),
                                                             jnp.float32)
            return carry
        lax.fori_loop(0, batch, zrow, 0)
        _zero_fill(rows, acc, s, ch, tail, n, batch)
        plsc.subcore_barrier()

        def batch_body(i, carry):
            base = wid * epw + i * batch
            pltpu.sync_copy(src_h.at[pl.ds(base, batch)], srcb)
            pltpu.sync_copy(dst_h.at[pl.ds(base, batch)], dstb)
            pltpu.async_copy(g2_h.at[srcb], rows, sem).wait()
            pltpu.sync_copy(rows, acc.at[dstb], add=True)
            return carry
        lax.fori_loop(0, nb, batch_body, 0)

        plsc.subcore_barrier()
        _read_out(acc, lambda o, st: out_h.at[c, pl.ds(o, st)],
                  s, ch, tail, batch)

    return body(src, dst, g2)


def _tc3_body(p_b, g2_b, dinv8_b, b2_b, wf1_b, bf1_b, wf2_b, bf2_b, out_b):
    dinv = dinv8_b[:, 0:1]
    t = jnp.maximum(dinv * (p_b[0] + p_b[1] + g2_b[...]) + b2_b[...], 0.0)
    u = jnp.maximum(
        jnp.dot(t, wf1_b[...], preferred_element_type=jnp.float32)
        + bf1_b[...], 0.0)
    v = jnp.dot(u, wf2_b[...], preferred_element_type=jnp.float32) + bf2_b[...]
    out_b[...] = jax.nn.sigmoid(v)


def _tc3(p, g2, dinv8, b2, Wf1, bf1, Wf2, bf2, bn):
    n = g2.shape[0]
    grid = n // bn
    return pl.pallas_call(
        _tc3_body,
        grid=(grid,),
        in_specs=[
            pl.BlockSpec((2, bn, 64), lambda i: (0, i, 0)),
            pl.BlockSpec((bn, 64), lambda i: (i, 0)),
            pl.BlockSpec((bn, 8), lambda i: (i, 0)),
            pl.BlockSpec((1, 64), lambda i: (0, 0)),
            pl.BlockSpec((64, 32), lambda i: (0, 0)),
            pl.BlockSpec((1, 32), lambda i: (0, 0)),
            pl.BlockSpec((32, 1), lambda i: (0, 0)),
            pl.BlockSpec((1, 1), lambda i: (0, 0)),
        ],
        out_specs=pl.BlockSpec((bn, 1), lambda i: (i, 0)),
        out_shape=jax.ShapeDtypeStruct((n, 1), jnp.float32),
    )(p, g2, dinv8, b2, Wf1, bf1, Wf2, bf2)


def kernel(x, edge_index, W1, a_src, a_dst, b1, W2, b2, Wf1, bf1, Wf2, bf2):
    n = x.shape[0]
    e = edge_index.shape[1]
    heads, hid = a_src.shape

    src = edge_index[0]
    dst = edge_index[1]
    src2 = jnp.concatenate([src, src + n])

    eye = jnp.eye(heads, 16, dtype=jnp.float32)
    As = (a_src[:, :, None] * eye[:, None, :]).reshape(heads * hid, 16)
    Ad = (a_dst[:, :, None] * eye[:, None, :]).reshape(heads * hid, 16)

    bn = 400
    hcat, sas, sad = _tc1(x, W1, As, Ad, bn)

    ee, esum2 = _sc_a(src, dst, sas, sad, n, 400)

    hcat2 = hcat.reshape(2 * n, 128)
    msg = _sc_b(src2, dst, ee, hcat2, n, 200)

    g2, dinv8 = _tc2(hcat, msg, esum2, sas, sad, W2,
                     b1.reshape(1, heads * hid), bn)

    p = _sc_c(src, dst, g2, n, 400)

    out = _tc3(p, g2, dinv8, b2.reshape(1, hid), Wf1, bf1.reshape(1, 32),
               Wf2, bf2.reshape(1, 1), bn)
    return out

# --- scband reference (transcript-rebuilt; emitter-appended) ---
"""Pipeline reference for scband-gnnmodel-31464930410955 (READ-ONLY COPY).

The authoritative reference and input builder live on the scoring server;
editing this copy changes nothing except your own understanding.
"""

import jax, jax.numpy as jnp
import numpy as np

N = 10000
E = 320000
D_IN = 128
HID = 64
HEADS = 4


def _add_self_loops(edge_index):
    loop = jnp.arange(N, dtype=edge_index.dtype)
    return jnp.concatenate([edge_index, jnp.stack([loop, loop])], axis=1)


def _gat_conv(x, edge_index, W, a_src, a_dst, b):
    # PyG-style GATConv with default add_self_loops=True, concat heads, LeakyReLU(0.2)
    ei = _add_self_loops(edge_index)
    src, dst = ei[0], ei[1]
    h = (x @ W).reshape(N, HEADS, HID)
    alpha_s = (h * a_src[None, :, :]).sum(-1)
    alpha_d = (h * a_dst[None, :, :]).sum(-1)
    e = jax.nn.leaky_relu(alpha_s[src] + alpha_d[dst], negative_slope=0.2)
    emax = jax.ops.segment_max(e, dst, num_segments=N)
    ee = jnp.exp(e - emax[dst])
    esum = jax.ops.segment_sum(ee, dst, num_segments=N)
    alpha = ee / (esum[dst] + 1e-16)
    msg = h[src] * alpha[:, :, None]
    out = jax.ops.segment_sum(msg, dst, num_segments=N)
    return out.reshape(N, HEADS * HID) + b


def _gcn_conv(x, edge_index, W, b):
    # PyG-style GCNConv with self loops and symmetric normalization
    ei = _add_self_loops(edge_index)
    src, dst = ei[0], ei[1]
    h = x @ W
    ones = jnp.ones(ei.shape[1], dtype=x.dtype)
    deg = jax.ops.segment_sum(ones, dst, num_segments=N)
    dinv = jnp.where(deg > 0, 1.0 / jnp.sqrt(deg), 0.0)
    norm = dinv[src] * dinv[dst]
    out = jax.ops.segment_sum(h[src] * norm[:, None], dst, num_segments=N)
    return out + b


def setup_inputs(seed: int = 0):
    key = jax.random.key(seed)
    ks = jax.random.split(key, 12)
    x = jax.random.normal(ks[0], (N, D_IN), dtype=jnp.float32)
    edge_index = jax.random.randint(ks[1], (2, E), 0, N, dtype=jnp.int32)
    W1 = jax.random.normal(ks[2], (D_IN, HEADS * HID), dtype=jnp.float32) / np.sqrt(D_IN)
    a_src = jax.random.normal(ks[3], (HEADS, HID), dtype=jnp.float32) / np.sqrt(HID)
    a_dst = jax.random.normal(ks[4], (HEADS, HID), dtype=jnp.float32) / np.sqrt(HID)
    b1 = jnp.zeros((HEADS * HID,), dtype=jnp.float32)
    W2 = jax.random.normal(ks[5], (HEADS * HID, HID), dtype=jnp.float32) / np.sqrt(HEADS * HID)
    b2 = jnp.zeros((HID,), dtype=jnp.float32)
    Wf1 = jax.random.normal(ks[6], (HID, HID // 2), dtype=jnp.float32) / np.sqrt(HID)
    bf1 = jnp.zeros((HID // 2,), dtype=jnp.float32)
    Wf2 = jax.random.normal(ks[7], (HID // 2, 1), dtype=jnp.float32) / np.sqrt(HID // 2)
    bf2 = jnp.zeros((1,), dtype=jnp.float32)
    return {"x": x, "edge_index": edge_index, "W1": W1, "a_src": a_src, "a_dst": a_dst, "b1": b1, "W2": W2, "b2": b2, "Wf1": Wf1, "bf1": bf1, "Wf2": Wf2, "bf2": bf2}


def reference(x, edge_index, W1, a_src, a_dst, b1, W2, b2, Wf1, bf1, Wf2, bf2):
    # Dropout is identity in eval mode.
    h = jax.nn.relu(_gat_conv(x, edge_index, W1, a_src, a_dst, b1))
    h = jax.nn.relu(_gcn_conv(h, edge_index, W2, b2))
    h = jax.nn.relu(h @ Wf1 + bf1)
    h = h @ Wf2 + bf2
    return jax.nn.sigmoid(h)

if __name__ == "__main__":
    import jax
    _d = setup_inputs()
    print(jax.jit(kernel)(*tuple(_d.values())))

</pallas_src>

<mosaic_0001>
#map = affine_map<(d0, d1) -> (0)>
#map1 = affine_map<(d0, d1) -> (0, 0)>
#map2 = affine_map<(d0, d1) -> (0, 0, 0)>
module attributes {stable_mosaic.version = 14 : i64} {
  func.func @body(%arg0: i32, %arg1: i32, %arg2: memref<320000xi32, #tpu.memory_space<hbm>>, %arg3: memref<320000xi32, #tpu.memory_space<hbm>>, %arg4: memref<10000x16xf32, #tpu.memory_space<hbm>>, %arg5: memref<10000x16xf32, #tpu.memory_space<hbm>>, %arg6: memref<320000x16xf32, #tpu.memory_space<hbm>>, %arg7: memref<2x10000x16xf32, #tpu.memory_space<hbm>>, %arg8: memref<400xi32, #tpu.memory_space<vmem>>, %arg9: memref<400xi32, #tpu.memory_space<vmem>>, %arg10: memref<400x16xf32, #tpu.memory_space<vmem>>, %arg11: memref<400x16xf32, #tpu.memory_space<vmem>>, %arg12: memref<400x16xf32, #tpu.memory_space<vmem>>, %arg13: memref<10000x16xf32, #tpu.memory_space<vmem_shared>>, %arg14: memref<!tpu.dma_semaphore, #tpu.memory_space<semaphore_mem>>, %arg15: memref<!tpu.dma_semaphore, #tpu.memory_space<semaphore_mem>>) attributes {dimension_semantics = [#tpu.dimension_semantics<core_parallel>, #tpu.dimension_semantics<subcore_parallel>], iteration_bounds = array<i64: 2, 16>, scalar_prefetch = 0 : i64, scratch_operands = 8 : i64, tpu.core_type = #tpu.core_type<sc_vector_subcore>, window_params = [{transform_indices = #map}, {transform_indices = #map}, {transform_indices = #map1}, {transform_indices = #map1}, {transform_indices = #map1}, {transform_indices = #map2}]} {
    %mul3A = arith.constant 16 : i32
    %mul3A_0 = arith.muli %arg0, %mul3A : i32
    %add3A = arith.addi %mul3A_0, %arg1 : i32
    %iota3A = tpu.iota {dimensions = array<i32: 0>} : vector<16xi32>
    %scan3A = arith.constant 0 : i32
    %scan3A_1 = arith.constant 0 : i32
    %scan3A_2 = arith.constant 400 : i32
    %scan3A_3 = arith.addi %scan3A_1, %scan3A_2 : i32
    %scan3A_4 = arith.constant 1 : i32
    scf.for %scan3A_44 = %scan3A_1 to %scan3A_3 step %scan3A_4  : i32 {
      %broadcast_in_dim3A = arith.constant 0.000000e+00 : f32
      %broadcast_in_dim3A_45 = vector.broadcast %broadcast_in_dim3A : f32 to vector<16xf32>
      %swap3A = arith.index_cast %scan3A_44 : i32 to index
      %swap3A_46 = arith.constant 0 : index
      %swap3A_47 = tpu.vector_load %arg12[%swap3A, %swap3A_46] {strides = array<i32>} : memref<400x16xf32, #tpu.memory_space<vmem>>, vector<16xf32>,
      tpu.vector_store %arg12[%swap3A, %swap3A_46], %broadcast_in_dim3A_45 {strides = array<i32>} : memref<400x16xf32, #tpu.memory_space<vmem>>, vector<16xf32>,
    }
    %scan3A_5 = arith.constant 400 : i32
    %mul3A_6 = arith.constant 624 : i32
    %mul3A_7 = arith.muli %arg1, %mul3A_6 : i32
    %add3A_8 = arith.constant 0 : i32
    %add3A_9 = arith.addi %mul3A_7, %add3A_8 : i32
    "tpu.region"() ({
      %run_scoped3A = tpu.sem_alloc : memref<!tpu.dma_semaphore, #tpu.memory_space<semaphore_mem>>
      %dma_start3A = arith.constant 0 : i32
      %dma_start3A_44 = arith.constant 0 : i32
      %dma_start3A_45 = tpu.memref_slice %arg12[%dma_start3A, %dma_start3A_44] : memref<400x16xf32, #tpu.memory_space<vmem>> -> memref<400x16xf32, #tpu.memory_space<vmem>>
      %dma_start3A_46 = arith.constant 0 : i32
      %dma_start3A_47 = tpu.memref_slice %arg13[%add3A_9, %dma_start3A_46] : memref<10000x16xf32, #tpu.memory_space<vmem_shared>> -> memref<400x16xf32, #tpu.memory_space<vmem_shared>>
      %dma_start3A_48 = arith.constant 0 : i32
      %dma_start3A_49 = tpu.memref_slice %arg13[%add3A_9, %dma_start3A_48] : memref<10000x16xf32, #tpu.memory_space<vmem_shared>> -> memref<400x16xf32, #tpu.memory_space<vmem_shared>>
      %dma_start3A_50 = arith.constant 0 : i32
      %dma_start3A_51 = arith.constant 0 : i32
      %dma_start3A_52 = tpu.memref_slice %arg12[%dma_start3A_50, %dma_start3A_51] : memref<400x16xf32, #tpu.memory_space<vmem>> -> memref<400x16xf32, #tpu.memory_space<vmem>>
      tpu.enqueue_dma source(%dma_start3A_52 : memref<400x16xf32, #tpu.memory_space<vmem>>) target(%dma_start3A_49 : memref<400x16xf32, #tpu.memory_space<vmem_shared>>) target_semaphore(%run_scoped3A : memref<!tpu.dma_semaphore, #tpu.memory_space<semaphore_mem>>)
      %dma_wait3A = arith.constant 0 : i32
      %dma_wait3A_53 = arith.constant 0 : i32
      %dma_wait3A_54 = tpu.memref_slice %arg12[%dma_wait3A, %dma_wait3A_53] : memref<400x16xf32, #tpu.memory_space<vmem>> -> memref<400x16xf32, #tpu.memory_space<vmem>>
      %dma_wait3A_55 = arith.constant 0 : i32
      %dma_wait3A_56 = tpu.memref_slice %arg13[%add3A_9, %dma_wait3A_55] : memref<10000x16xf32, #tpu.memory_space<vmem_shared>> -> memref<400x16xf32, #tpu.memory_space<vmem_shared>>
      %dma_wait3A_57 = arith.constant 0 : i32
      %dma_wait3A_58 = tpu.memref_slice %arg13[%add3A_9, %dma_wait3A_57] : memref<10000x16xf32, #tpu.memory_space<vmem_shared>> -> memref<400x16xf32, #tpu.memory_space<vmem_shared>>
      %dma_wait3A_59 = arith.constant 0 : i32
      %dma_wait3A_60 = arith.constant 0 : i32
      %dma_wait3A_61 = tpu.memref_slice %arg12[%dma_wait3A_59, %dma_wait3A_60] : memref<400x16xf32, #tpu.memory_space<vmem>> -> memref<400x16xf32, #tpu.memory_space<vmem>>
      tpu.wait_dma2 semaphore(%run_scoped3A : memref<!tpu.dma_semaphore, #tpu.memory_space<semaphore_mem>>) src(%dma_wait3A_61 : memref<400x16xf32, #tpu.memory_space<vmem>>) dst(%dma_wait3A_58 : memref<400x16xf32, #tpu.memory_space<vmem_shared>>)
      tpu.yield
    }) : () -> ()
    %mul3A_10 = arith.constant 624 : i32
    %mul3A_11 = arith.muli %arg1, %mul3A_10 : i32
    %add3A_12 = arith.constant 400 : i32
    %add3A_13 = arith.addi %mul3A_11, %add3A_12 : i32
    "tpu.region"() ({
      %run_scoped3A = tpu.sem_alloc : memref<!tpu.dma_semaphore, #tpu.memory_space<semaphore_mem>>
      %dma_start3A = arith.constant 0 : i32
      %dma_start3A_44 = arith.constant 0 : i32
      %dma_start3A_45 = tpu.memref_slice %arg12[%dma_start3A, %dma_start3A_44] : memref<400x16xf32, #tpu.memory_space<vmem>> -> memref<224x16xf32, #tpu.memory_space<vmem>>
      %dma_start3A_46 = arith.constant 0 : i32
      %dma_start3A_47 = tpu.memref_slice %arg13[%add3A_13, %dma_start3A_46] : memref<10000x16xf32, #tpu.memory_space<vmem_shared>> -> memref<224x16xf32, #tpu.memory_space<vmem_shared>>
      %dma_start3A_48 = arith.constant 0 : i32
      %dma_start3A_49 = tpu.memref_slice %arg13[%add3A_13, %dma_start3A_48] : memref<10000x16xf32, #tpu.memory_space<vmem_shared>> -> memref<224x16xf32, #tpu.memory_space<vmem_shared>>
      %dma_start3A_50 = arith.constant 0 : i32
      %dma_start3A_51 = arith.constant 0 : i32
      %dma_start3A_52 = tpu.memref_slice %arg12[%dma_start3A_50, %dma_start3A_51] : memref<400x16xf32, #tpu.memory_space<vmem>> -> memref<224x16xf32, #tpu.memory_space<vmem>>
      tpu.enqueue_dma source(%dma_start3A_52 : memref<224x16xf32, #tpu.memory_space<vmem>>) target(%dma_start3A_49 : memref<224x16xf32, #tpu.memory_space<vmem_shared>>) target_semaphore(%run_scoped3A : memref<!tpu.dma_semaphore, #tpu.memory_space<semaphore_mem>>)
      %dma_wait3A = arith.constant 0 : i32
      %dma_wait3A_53 = arith.constant 0 : i32
      %dma_wait3A_54 = tpu.memref_slice %arg12[%dma_wait3A, %dma_wait3A_53] : memref<400x16xf32, #tpu.memory_space<vmem>> -> memref<224x16xf32, #tpu.memory_space<vmem>>
      %dma_wait3A_55 = arith.constant 0 : i32
      %dma_wait3A_56 = tpu.memref_slice %arg13[%add3A_13, %dma_wait3A_55] : memref<10000x16xf32, #tpu.memory_space<vmem_shared>> -> memref<224x16xf32, #tpu.memory_space<vmem_shared>>
      %dma_wait3A_57 = arith.constant 0 : i32
      %dma_wait3A_58 = tpu.memref_slice %arg13[%add3A_13, %dma_wait3A_57] : memref<10000x16xf32, #tpu.memory_space<vmem_shared>> -> memref<224x16xf32, #tpu.memory_space<vmem_shared>>
      %dma_wait3A_59 = arith.constant 0 : i32
      %dma_wait3A_60 = arith.constant 0 : i32
      %dma_wait3A_61 = tpu.memref_slice %arg12[%dma_wait3A_59, %dma_wait3A_60] : memref<400x16xf32, #tpu.memory_space<vmem>> -> memref<224x16xf32, #tpu.memory_space<vmem>>
      tpu.wait_dma2 semaphore(%run_scoped3A : memref<!tpu.dma_semaphore, #tpu.memory_space<semaphore_mem>>) src(%dma_wait3A_61 : memref<224x16xf32, #tpu.memory_space<vmem>>) dst(%dma_wait3A_58 : memref<224x16xf32, #tpu.memory_space<vmem_shared>>)
      tpu.yield
    }) : () -> ()
    %eq3A = arith.constant 0 : i32
    %eq3A_14 = arith.cmpi eq, %arg1, %eq3A : i32
    %convert_element_type3A = arith.extui %eq3A_14 : i1 to i32
    %cond3A = arith.constant 0 : i32
    %cond3A_15 = arith.cmpi ne, %convert_element_type3A, %cond3A : i32
    scf.if %cond3A_15 {
      "tpu.region"() ({
        %run_scoped3A = tpu.sem_alloc : memref<!tpu.dma_semaphore, #tpu.memory_space<semaphore_mem>>
        %dma_start3A = arith.constant 0 : i32
        %dma_start3A_44 = arith.constant 0 : i32
        %dma_start3A_45 = tpu.memref_slice %arg12[%dma_start3A, %dma_start3A_44] : memref<400x16xf32, #tpu.memory_space<vmem>> -> memref<16x16xf32, #tpu.memory_space<vmem>>
        %dma_start3A_46 = arith.constant 9984 : i32
        %dma_start3A_47 = arith.constant 0 : i32
        %dma_start3A_48 = tpu.memref_slice %arg13[%dma_start3A_46, %dma_start3A_47] : memref<10000x16xf32, #tpu.memory_space<vmem_shared>> -> memref<16x16xf32, #tpu.memory_space<vmem_shared>>
        %dma_start3A_49 = arith.constant 9984 : i32
        %dma_start3A_50 = arith.constant 0 : i32
        %dma_start3A_51 = tpu.memref_slice %arg13[%dma_start3A_49, %dma_start3A_50] : memref<10000x16xf32, #tpu.memory_space<vmem_shared>> -> memref<16x16xf32, #tpu.memory_space<vmem_shared>>
        %dma_start3A_52 = arith.constant 0 : i32
        %dma_start3A_53 = arith.constant 0 : i32
        %dma_start3A_54 = tpu.memref_slice %arg12[%dma_start3A_52, %dma_start3A_53] : memref<400x16xf32, #tpu.memory_space<vmem>> -> memref<16x16xf32, #tpu.memory_space<vmem>>
        tpu.enqueue_dma source(%dma_start3A_54 : memref<16x16xf32, #tpu.memory_space<vmem>>) target(%dma_start3A_51 : memref<16x16xf32, #tpu.memory_space<vmem_shared>>) target_semaphore(%run_scoped3A : memref<!tpu.dma_semaphore, #tpu.memory_space<semaphore_mem>>)
        %dma_wait3A = arith.constant 0 : i32
        %dma_wait3A_55 = arith.constant 0 : i32
        %dma_wait3A_56 = tpu.memref_slice %arg12[%dma_wait3A, %dma_wait3A_55] : memref<400x16xf32, #tpu.memory_space<vmem>> -> memref<16x16xf32, #tpu.memory_space<vmem>>
        %dma_wait3A_57 = arith.constant 9984 : i32
        %dma_wait3A_58 = arith.constant 0 : i32
        %dma_wait3A_59 = tpu.memref_slice %arg13[%dma_wait3A_57, %dma_wait3A_58] : memref<10000x16xf32, #tpu.memory_space<vmem_shared>> -> memref<16x16xf32, #tpu.memory_space<vmem_shared>>
        %dma_wait3A_60 = arith.constant 9984 : i32
        %dma_wait3A_61 = arith.constant 0 : i32
        %dma_wait3A_62 = tpu.memref_slice %arg13[%dma_wait3A_60, %dma_wait3A_61] : memref<10000x16xf32, #tpu.memory_space<vmem_shared>> -> memref<16x16xf32, #tpu.memory_space<vmem_shared>>
        %dma_wait3A_63 = arith.constant 0 : i32
        %dma_wait3A_64 = arith.constant 0 : i32
        %dma_wait3A_65 = tpu.memref_slice %arg12[%dma_wait3A_63, %dma_wait3A_64] : memref<400x16xf32, #tpu.memory_space<vmem>> -> memref<16x16xf32, #tpu.memory_space<vmem>>
        tpu.wait_dma2 semaphore(%run_scoped3A : memref<!tpu.dma_semaphore, #tpu.memory_space<semaphore_mem>>) src(%dma_wait3A_65 : memref<16x16xf32, #tpu.memory_space<vmem>>) dst(%dma_wait3A_62 : memref<16x16xf32, #tpu.memory_space<vmem_shared>>)
        tpu.yield
      }) : () -> ()
    } else {
    }
    %barrier3A = arith.constant 0 : index
    tpu.barrier barrier_id(%barrier3A)
    %scan3A_16 = arith.constant 0 : i32
    %scan3A_17 = arith.constant 0 : i32
    %scan3A_18 = arith.constant 25 : i32
    %scan3A_19 = arith.addi %scan3A_17, %scan3A_18 : i32
    %scan3A_20 = arith.constant 1 : i32
    scf.for %scan3A_44 = %scan3A_17 to %scan3A_19 step %scan3A_20  : i32 {
      %mul3A_45 = arith.constant 10000 : i32
      %mul3A_46 = arith.muli %add3A, %mul3A_45 : i32
      %mul3A_47 = arith.constant 400 : i32
      %mul3A_48 = arith.muli %scan3A_44, %mul3A_47 : i32
      %add3A_49 = arith.addi %mul3A_46, %mul3A_48 : i32
      "tpu.region"() ({
        %run_scoped3A = tpu.sem_alloc : memref<!tpu.dma_semaphore, #tpu.memory_space<semaphore_mem>>
        %dma_start3A_66 = tpu.memref_slice %arg2[%add3A_49] : memref<320000xi32, #tpu.memory_space<hbm>> -> memref<400xi32, #tpu.memory_space<hbm>>
        %dma_start3A_67 = tpu.memref_slice %arg2[%add3A_49] : memref<320000xi32, #tpu.memory_space<hbm>> -> memref<400xi32, #tpu.memory_space<hbm>>
        tpu.enqueue_dma source(%dma_start3A_67 : memref<400xi32, #tpu.memory_space<hbm>>) target(%arg8 : memref<400xi32, #tpu.memory_space<vmem>>) target_semaphore(%run_scoped3A : memref<!tpu.dma_semaphore, #tpu.memory_space<semaphore_mem>>)
        %dma_wait3A_68 = tpu.memref_slice %arg2[%add3A_49] : memref<320000xi32, #tpu.memory_space<hbm>> -> memref<400xi32, #tpu.memory_space<hbm>>
        %dma_wait3A_69 = tpu.memref_slice %arg2[%add3A_49] : memref<320000xi32, #tpu.memory_space<hbm>> -> memref<400xi32, #tpu.memory_space<hbm>>
        tpu.wait_dma2 semaphore(%run_scoped3A : memref<!tpu.dma_semaphore, #tpu.memory_space<semaphore_mem>>) src(%dma_wait3A_69 : memref<400xi32, #tpu.memory_space<hbm>>) dst(%arg8 : memref<400xi32, #tpu.memory_space<vmem>>)
        tpu.yield
      }) : () -> ()
      "tpu.region"() ({
        %run_scoped3A = tpu.sem_alloc : memref<!tpu.dma_semaphore, #tpu.memory_space<semaphore_mem>>
        %dma_start3A_66 = tpu.memref_slice %arg3[%add3A_49] : memref<320000xi32, #tpu.memory_space<hbm>> -> memref<400xi32, #tpu.memory_space<hbm>>
        %dma_start3A_67 = tpu.memref_slice %arg3[%add3A_49] : memref<320000xi32, #tpu.memory_space<hbm>> -> memref<400xi32, #tpu.memory_space<hbm>>
        tpu.enqueue_dma source(%dma_start3A_67 : memref<400xi32, #tpu.memory_space<hbm>>) target(%arg9 : memref<400xi32, #tpu.memory_space<vmem>>) target_semaphore(%run_scoped3A : memref<!tpu.dma_semaphore, #tpu.memory_space<semaphore_mem>>)
        %dma_wait3A_68 = tpu.memref_slice %arg3[%add3A_49] : memref<320000xi32, #tpu.memory_space<hbm>> -> memref<400xi32, #tpu.memory_space<hbm>>
        %dma_wait3A_69 = tpu.memref_slice %arg3[%add3A_49] : memref<320000xi32, #tpu.memory_space<hbm>> -> memref<400xi32, #tpu.memory_space<hbm>>
        tpu.wait_dma2 semaphore(%run_scoped3A : memref<!tpu.dma_semaphore, #tpu.memory_space<semaphore_mem>>) src(%dma_wait3A_69 : memref<400xi32, #tpu.memory_space<hbm>>) dst(%arg9 : memref<400xi32, #tpu.memory_space<vmem>>)
        tpu.yield
      }) : () -> ()
      %dma_start3A = arith.constant 0 : i32
      %dma_start3A_50 = arith.constant 0 : i32
      %dma_start3A_51 = tpu.memref_slice %arg4[%dma_start3A, %dma_start3A_50] : memref<10000x16xf32, #tpu.memory_space<hbm>> -> memref<10000x16xf32, #tpu.memory_space<hbm>>
      tpu.enqueue_indirect_dma source(%dma_start3A_51 : memref<10000x16xf32, #tpu.memory_space<hbm>>) target(%arg10 : memref<400x16xf32, #tpu.memory_space<vmem>>) offsets(%arg8 : memref<400xi32, #tpu.memory_space<vmem>>) semaphore(%arg14 : memref<!tpu.dma_semaphore, #tpu.memory_space<semaphore_mem>>)
      %dma_start3A_52 = arith.constant 0 : i32
      %dma_start3A_53 = arith.constant 0 : i32
      %dma_start3A_54 = tpu.memref_slice %arg5[%dma_start3A_52, %dma_start3A_53] : memref<10000x16xf32, #tpu.memory_space<hbm>> -> memref<10000x16xf32, #tpu.memory_space<hbm>>
      tpu.enqueue_indirect_dma source(%dma_start3A_54 : memref<10000x16xf32, #tpu.memory_space<hbm>>) target(%arg11 : memref<400x16xf32, #tpu.memory_space<vmem>>) offsets(%arg9 : memref<400xi32, #tpu.memory_space<vmem>>) semaphore(%arg15 : memref<!tpu.dma_semaphore, #tpu.memory_space<semaphore_mem>>)
      %dma_wait3A = arith.constant 0 : i32
      %dma_wait3A_55 = arith.constant 0 : i32
      %dma_wait3A_56 = tpu.memref_slice %arg4[%dma_wait3A, %dma_wait3A_55] : memref<10000x16xf32, #tpu.memory_space<hbm>> -> memref<10000x16xf32, #tpu.memory_space<hbm>>
      tpu.wait_indirect_dma semaphore(%arg14 : memref<!tpu.dma_semaphore, #tpu.memory_space<semaphore_mem>>) src(%dma_wait3A_56 : memref<10000x16xf32, #tpu.memory_space<hbm>>) dst(%arg10 : memref<400x16xf32, #tpu.memory_space<vmem>>)
      %dma_wait3A_57 = arith.constant 0 : i32
      %dma_wait3A_58 = arith.constant 0 : i32
      %dma_wait3A_59 = tpu.memref_slice %arg5[%dma_wait3A_57, %dma_wait3A_58] : memref<10000x16xf32, #tpu.memory_space<hbm>> -> memref<10000x16xf32, #tpu.memory_space<hbm>>
      tpu.wait_indirect_dma semaphore(%arg15 : memref<!tpu.dma_semaphore, #tpu.memory_space<semaphore_mem>>) src(%dma_wait3A_59 : memref<10000x16xf32, #tpu.memory_space<hbm>>) dst(%arg11 : memref<400x16xf32, #tpu.memory_space<vmem>>)
      %scan3A_60 = arith.constant 0 : i32
      %scan3A_61 = arith.constant 0 : i32
      %scan3A_62 = arith.constant 400 : i32
      %scan3A_63 = arith.addi %scan3A_61, %scan3A_62 : i32
      %scan3A_64 = arith.constant 1 : i32
      scf.for %scan3A_66 = %scan3A_61 to %scan3A_63 step %scan3A_64  : i32 {
        %get3A = arith.index_cast %scan3A_66 : i32 to index
        %get3A_67 = arith.constant 0 : index
        %get3A_68 = tpu.vector_load %arg10[%get3A, %get3A_67] {strides = array<i32>} : memref<400x16xf32, #tpu.memory_space<vmem>>, vector<16xf32>,
        %get3A_69 = arith.index_cast %scan3A_66 : i32 to index
        %get3A_70 = arith.constant 0 : index
        %get3A_71 = tpu.vector_load %arg11[%get3A_69, %get3A_70] {strides = array<i32>} : memref<400x16xf32, #tpu.memory_space<vmem>>, vector<16xf32>,
        %add3A_72 = arith.addf %get3A_68, %get3A_71 : vector<16xf32>
        %gt3A = arith.constant 0.000000e+00 : f32
        %gt3A_73 = vector.broadcast %gt3A : f32 to vector<16xf32>
        %gt3A_74 = arith.cmpf ogt, %add3A_72, %gt3A_73 : vector<16xf32>
        %mul3A_75 = arith.constant 2.000000e-01 : f32
        %mul3A_76 = vector.broadcast %mul3A_75 : f32 to vector<16xf32>
        %mul3A_77 = arith.mulf %mul3A_76, %add3A_72 : vector<16xf32>
        %select_n3A = arith.select %gt3A_74, %add3A_72, %mul3A_77 : vector<16xi1>, vector<16xf32>
        %exp3A = math.exp %select_n3A : vector<16xf32>
        %lt3A = arith.constant 4 : i32
        %lt3A_78 = vector.broadcast %lt3A : i32 to vector<16xi32>
        %lt3A_79 = arith.cmpi slt, %iota3A, %lt3A_78 : vector<16xi32>
        %eq3A_80 = arith.constant 4 : i32
        %eq3A_81 = vector.broadcast %eq3A_80 : i32 to vector<16xi32>
        %eq3A_82 = arith.cmpi eq, %iota3A, %eq3A_81 : vector<16xi32>
        %jit3A = arith.constant 1.000000e+00 : f32
        %jit3A_83 = arith.constant 0.000000e+00 : f32
        %broadcast_in_dim3A = vector.broadcast %jit3A : f32 to vector<16xf32>
        %broadcast_in_dim3A_84 = vector.broadcast %jit3A_83 : f32 to vector<16xf32>
        %select_n3A_85 = arith.select %eq3A_82, %broadcast_in_dim3A, %broadcast_in_dim3A_84 : vector<16xi1>, vector<16xf32>
        %select_n3A_86 = arith.select %lt3A_79, %exp3A, %select_n3A_85 : vector<16xi1>, vector<16xf32>
        %swap3A = arith.index_cast %scan3A_66 : i32 to index
        %swap3A_87 = arith.constant 0 : index
        %swap3A_88 = tpu.vector_load %arg12[%swap3A, %swap3A_87] {strides = array<i32>} : memref<400x16xf32, #tpu.memory_space<vmem>>, vector<16xf32>,
        tpu.vector_store %arg12[%swap3A, %swap3A_87], %select_n3A_86 {strides = array<i32>} : memref<400x16xf32, #tpu.memory_space<vmem>>, vector<16xf32>,
      }
      %scan3A_65 = arith.constant 400 : i32
      "tpu.region"() ({
        %run_scoped3A = tpu.sem_alloc : memref<!tpu.dma_semaphore, #tpu.memory_space<semaphore_mem>>
        %dma_start3A_66 = arith.constant 0 : i32
        %dma_start3A_67 = arith.constant 0 : i32
        %dma_start3A_68 = tpu.memref_slice %arg13[%dma_start3A_66, %dma_start3A_67] : memref<10000x16xf32, #tpu.memory_space<vmem_shared>> -> memref<10000x16xf32, #tpu.memory_space<vmem_shared>>
        tpu.enqueue_indirect_dma source(%arg12 : memref<400x16xf32, #tpu.memory_space<vmem>>) target(%dma_start3A_68 : memref<10000x16xf32, #tpu.memory_space<vmem_shared>>) offsets(%arg9 : memref<400xi32, #tpu.memory_space<vmem>>) semaphore(%run_scoped3A : memref<!tpu.dma_semaphore, #tpu.memory_space<semaphore_mem>>) {add = true}
        %dma_wait3A_69 = arith.constant 0 : i32
        %dma_wait3A_70 = arith.constant 0 : i32
        %dma_wait3A_71 = tpu.memref_slice %arg13[%dma_wait3A_69, %dma_wait3A_70] : memref<10000x16xf32, #tpu.memory_space<vmem_shared>> -> memref<10000x16xf32, #tpu.memory_space<vmem_shared>>
        tpu.wait_indirect_dma semaphore(%run_scoped3A : memref<!tpu.dma_semaphore, #tpu.memory_space<semaphore_mem>>) src(%arg12 : memref<400x16xf32, #tpu.memory_space<vmem>>) dst(%dma_wait3A_71 : memref<10000x16xf32, #tpu.memory_space<vmem_shared>>)
        tpu.yield
      }) : () -> ()
      "tpu.region"() ({
        %run_scoped3A = tpu.sem_alloc : memref<!tpu.dma_semaphore, #tpu.memory_space<semaphore_mem>>
        %dma_start3A_66 = arith.constant 0 : i32
        %dma_start3A_67 = tpu.memref_slice %arg6[%add3A_49, %dma_start3A_66] : memref<320000x16xf32, #tpu.memory_space<hbm>> -> memref<400x16xf32, #tpu.memory_space<hbm>>
        %dma_start3A_68 = arith.constant 0 : i32
        %dma_start3A_69 = tpu.memref_slice %arg6[%add3A_49, %dma_start3A_68] : memref<320000x16xf32, #tpu.memory_space<hbm>> -> memref<400x16xf32, #tpu.memory_space<hbm>>
        tpu.enqueue_dma source(%arg12 : memref<400x16xf32, #tpu.memory_space<vmem>>) target(%dma_start3A_69 : memref<400x16xf32, #tpu.memory_space<hbm>>) target_semaphore(%run_scoped3A : memref<!tpu.dma_semaphore, #tpu.memory_space<semaphore_mem>>)
        %dma_wait3A_70 = arith.constant 0 : i32
        %dma_wait3A_71 = tpu.memref_slice %arg6[%add3A_49, %dma_wait3A_70] : memref<320000x16xf32, #tpu.memory_space<hbm>> -> memref<400x16xf32, #tpu.memory_space<hbm>>
        %dma_wait3A_72 = arith.constant 0 : i32
        %dma_wait3A_73 = tpu.memref_slice %arg6[%add3A_49, %dma_wait3A_72] : memref<320000x16xf32, #tpu.memory_space<hbm>> -> memref<400x16xf32, #tpu.memory_space<hbm>>
        tpu.wait_dma2 semaphore(%run_scoped3A : memref<!tpu.dma_semaphore, #tpu.memory_space<semaphore_mem>>) src(%arg12 : memref<400x16xf32, #tpu.memory_space<vmem>>) dst(%dma_wait3A_73 : memref<400x16xf32, #tpu.memory_space<hbm>>)
        tpu.yield
      }) : () -> ()
    }
    %scan3A_21 = arith.constant 25 : i32
    %barrier3A_22 = arith.constant 0 : index
    tpu.barrier barrier_id(%barrier3A_22)
    %mul3A_23 = arith.constant 624 : i32
    %mul3A_24 = arith.muli %arg1, %mul3A_23 : i32
    %add3A_25 = arith.constant 0 : i32
    %add3A_26 = arith.addi %mul3A_24, %add3A_25 : i32
    %mul3A_27 = arith.constant 624 : i32
    %mul3A_28 = arith.muli %arg1, %mul3A_27 : i32
    %add3A_29 = arith.constant 0 : i32
    %add3A_30 = arith.addi %mul3A_28, %add3A_29 : i32
    "tpu.region"() ({
      %run_scoped3A = tpu.sem_alloc : memref<!tpu.dma_semaphore, #tpu.memory_space<semaphore_mem>>
      %dma_start3A = arith.constant 0 : i32
      %dma_start3A_44 = tpu.memref_slice %arg7[%arg0, %add3A_30, %dma_start3A] : memref<2x10000x16xf32, #tpu.memory_space<hbm>> -> memref<1x400x16xf32, #tpu.memory_space<hbm>>
      %dma_start3A_45 = tpu.memref_squeeze %dma_start3A_44 : memref<1x400x16xf32, #tpu.memory_space<hbm>> -> memref<400x16xf32, #tpu.memory_space<hbm>>
      %dma_start3A_46 = arith.constant 0 : i32
      %dma_start3A_47 = tpu.memref_slice %arg13[%add3A_26, %dma_start3A_46] : memref<10000x16xf32, #tpu.memory_space<vmem_shared>> -> memref<400x16xf32, #tpu.memory_space<vmem_shared>>
      tpu.enqueue_dma source(%dma_start3A_47 : memref<400x16xf32, #tpu.memory_space<vmem_shared>>) target(%dma_start3A_45 : memref<400x16xf32, #tpu.memory_space<hbm>>) target_semaphore(%run_scoped3A : memref<!tpu.dma_semaphore, #tpu.memory_space<semaphore_mem>>)
      %dma_wait3A = arith.constant 0 : i32
      %dma_wait3A_48 = tpu.memref_slice %arg7[%arg0, %add3A_30, %dma_wait3A] : memref<2x10000x16xf32, #tpu.memory_space<hbm>> -> memref<1x400x16xf32, #tpu.memory_space<hbm>>
      %dma_wait3A_49 = tpu.memref_squeeze %dma_wait3A_48 : memref<1x400x16xf32, #tpu.memory_space<hbm>> -> memref<400x16xf32, #tpu.memory_space<hbm>>
      %dma_wait3A_50 = arith.constant 0 : i32
      %dma_wait3A_51 = tpu.memref_slice %arg13[%add3A_26, %dma_wait3A_50] : memref<10000x16xf32, #tpu.memory_space<vmem_shared>> -> memref<400x16xf32, #tpu.memory_space<vmem_shared>>
      tpu.wait_dma2 semaphore(%run_scoped3A : memref<!tpu.dma_semaphore, #tpu.memory_space<semaphore_mem>>) src(%dma_wait3A_51 : memref<400x16xf32, #tpu.memory_space<vmem_shared>>) dst(%dma_wait3A_49 : memref<400x16xf32, #tpu.memory_space<hbm>>)
      tpu.yield
    }) : () -> ()
    %mul3A_31 = arith.constant 624 : i32
    %mul3A_32 = arith.muli %arg1, %mul3A_31 : i32
    %add3A_33 = arith.constant 400 : i32
    %add3A_34 = arith.addi %mul3A_32, %add3A_33 : i32
    %mul3A_35 = arith.constant 624 : i32
    %mul3A_36 = arith.muli %arg1, %mul3A_35 : i32
    %add3A_37 = arith.constant 400 : i32
    %add3A_38 = arith.addi %mul3A_36, %add3A_37 : i32
    "tpu.region"() ({
      %run_scoped3A = tpu.sem_alloc : memref<!tpu.dma_semaphore, #tpu.memory_space<semaphore_mem>>
      %dma_start3A = arith.constant 0 : i32
      %dma_start3A_44 = tpu.memref_slice %arg7[%arg0, %add3A_38, %dma_start3A] : memref<2x10000x16xf32, #tpu.memory_space<hbm>> -> memref<1x224x16xf32, #tpu.memory_space<hbm>>
      %dma_start3A_45 = tpu.memref_squeeze %dma_start3A_44 : memref<1x224x16xf32, #tpu.memory_space<hbm>> -> memref<224x16xf32, #tpu.memory_space<hbm>>
      %dma_start3A_46 = arith.constant 0 : i32
      %dma_start3A_47 = tpu.memref_slice %arg13[%add3A_34, %dma_start3A_46] : memref<10000x16xf32, #tpu.memory_space<vmem_shared>> -> memref<224x16xf32, #tpu.memory_space<vmem_shared>>
      tpu.enqueue_dma source(%dma_start3A_47 : memref<224x16xf32, #tpu.memory_space<vmem_shared>>) target(%dma_start3A_45 : memref<224x16xf32, #tpu.memory_space<hbm>>) target_semaphore(%run_scoped3A : memref<!tpu.dma_semaphore, #tpu.memory_space<semaphore_mem>>)
      %dma_wait3A = arith.constant 0 : i32
      %dma_wait3A_48 = tpu.memref_slice %arg7[%arg0, %add3A_38, %dma_wait3A] : memref<2x10000x16xf32, #tpu.memory_space<hbm>> -> memref<1x224x16xf32, #tpu.memory_space<hbm>>
      %dma_wait3A_49 = tpu.memref_squeeze %dma_wait3A_48 : memref<1x224x16xf32, #tpu.memory_space<hbm>> -> memref<224x16xf32, #tpu.memory_space<hbm>>
      %dma_wait3A_50 = arith.constant 0 : i32
      %dma_wait3A_51 = tpu.memref_slice %arg13[%add3A_34, %dma_wait3A_50] : memref<10000x16xf32, #tpu.memory_space<vmem_shared>> -> memref<224x16xf32, #tpu.memory_space<vmem_shared>>
      tpu.wait_dma2 semaphore(%run_scoped3A : memref<!tpu.dma_semaphore, #tpu.memory_space<semaphore_mem>>) src(%dma_wait3A_51 : memref<224x16xf32, #tpu.memory_space<vmem_shared>>) dst(%dma_wait3A_49 : memref<224x16xf32, #tpu.memory_space<hbm>>)
      tpu.yield
    }) : () -> ()
    %eq3A_39 = arith.constant 0 : i32
    %eq3A_40 = arith.cmpi eq, %arg1, %eq3A_39 : i32
    %convert_element_type3A_41 = arith.extui %eq3A_40 : i1 to i32
    %cond3A_42 = arith.constant 0 : i32
    %cond3A_43 = arith.cmpi ne, %convert_element_type3A_41, %cond3A_42 : i32
    scf.if %cond3A_43 {
      "tpu.region"() ({
        %run_scoped3A = tpu.sem_alloc : memref<!tpu.dma_semaphore, #tpu.memory_space<semaphore_mem>>
        %dma_start3A = arith.constant 9984 : i32
        %dma_start3A_44 = arith.constant 0 : i32
        %dma_start3A_45 = tpu.memref_slice %arg7[%arg0, %dma_start3A, %dma_start3A_44] : memref<2x10000x16xf32, #tpu.memory_space<hbm>> -> memref<1x16x16xf32, #tpu.memory_space<hbm>>
        %dma_start3A_46 = tpu.memref_squeeze %dma_start3A_45 : memref<1x16x16xf32, #tpu.memory_space<hbm>> -> memref<16x16xf32, #tpu.memory_space<hbm>>
        %dma_start3A_47 = arith.constant 9984 : i32
        %dma_start3A_48 = arith.constant 0 : i32
        %dma_start3A_49 = tpu.memref_slice %arg13[%dma_start3A_47, %dma_start3A_48] : memref<10000x16xf32, #tpu.memory_space<vmem_shared>> -> memref<16x16xf32, #tpu.memory_space<vmem_shared>>
        tpu.enqueue_dma source(%dma_start3A_49 : memref<16x16xf32, #tpu.memory_space<vmem_shared>>) target(%dma_start3A_46 : memref<16x16xf32, #tpu.memory_space<hbm>>) target_semaphore(%run_scoped3A : memref<!tpu.dma_semaphore, #tpu.memory_space<semaphore_mem>>)
        %dma_wait3A = arith.constant 9984 : i32
        %dma_wait3A_50 = arith.constant 0 : i32
        %dma_wait3A_51 = tpu.memref_slice %arg7[%arg0, %dma_wait3A, %dma_wait3A_50] : memref<2x10000x16xf32, #tpu.memory_space<hbm>> -> memref<1x16x16xf32, #tpu.memory_space<hbm>>
        %dma_wait3A_52 = tpu.memref_squeeze %dma_wait3A_51 : memref<1x16x16xf32, #tpu.memory_space<hbm>> -> memref<16x16xf32, #tpu.memory_space<hbm>>
        %dma_wait3A_53 = arith.constant 9984 : i32
        %dma_wait3A_54 = arith.constant 0 : i32
        %dma_wait3A_55 = tpu.memref_slice %arg13[%dma_wait3A_53, %dma_wait3A_54] : memref<10000x16xf32, #tpu.memory_space<vmem_shared>> -> memref<16x16xf32, #tpu.memory_space<vmem_shared>>
        tpu.wait_dma2 semaphore(%run_scoped3A : memref<!tpu.dma_semaphore, #tpu.memory_space<semaphore_mem>>) src(%dma_wait3A_55 : memref<16x16xf32, #tpu.memory_space<vmem_shared>>) dst(%dma_wait3A_52 : memref<16x16xf32, #tpu.memory_space<hbm>>)
        tpu.yield
      }) : () -> ()
    } else {
    }
    return
  }
}

#map = affine_map<(d0, d1) -> (0)>
#map1 = affine_map<(d0, d1) -> (0, 0)>
#map2 = affine_map<(d0, d1) -> (0, 0, 0)>
module attributes {stable_mosaic.version = 14 : i64} {
  func.func @body(%arg0: i32, %arg1: i32, %arg2: memref<320000xi32, #tpu.memory_space<hbm>>, %arg3: memref<320000xi32, #tpu.memory_space<hbm>>, %arg4: memref<10000x64xf32, #tpu.memory_space<hbm>>, %arg5: memref<2x10000x64xf32, #tpu.memory_space<hbm>>, %arg6: memref<400xi32, #tpu.memory_space<vmem>>, %arg7: memref<400xi32, #tpu.memory_space<vmem>>, %arg8: memref<400x64xf32, #tpu.memory_space<vmem>>, %arg9: memref<10000x64xf32, #tpu.memory_space<vmem_shared>>, %arg10: memref<!tpu.dma_semaphore, #tpu.memory_space<semaphore_mem>>) attributes {dimension_semantics = [#tpu.dimension_semantics<core_parallel>, #tpu.dimension_semantics<subcore_parallel>], iteration_bounds = array<i64: 2, 16>, scalar_prefetch = 0 : i64, scratch_operands = 5 : i64, tpu.core_type = #tpu.core_type<sc_vector_subcore>, window_params = [{transform_indices = #map}, {transform_indices = #map}, {transform_indices = #map1}, {transform_indices = #map2}]} {
    %mul3A = arith.constant 16 : i32
    %mul3A_0 = arith.muli %arg0, %mul3A : i32
    %add3A = arith.addi %mul3A_0, %arg1 : i32
    %scan3A = arith.constant 0 : i32
    %scan3A_1 = arith.constant 0 : i32
    %scan3A_2 = arith.constant 400 : i32
    %scan3A_3 = arith.addi %scan3A_1, %scan3A_2 : i32
    %scan3A_4 = arith.constant 1 : i32
    scf.for %scan3A_44 = %scan3A_1 to %scan3A_3 step %scan3A_4  : i32 {
      %broadcast_in_dim3A = arith.constant 0.000000e+00 : f32
      %broadcast_in_dim3A_45 = vector.broadcast %broadcast_in_dim3A : f32 to vector<16xf32>
      %swap3A = arith.index_cast %scan3A_44 : i32 to index
      %swap3A_46 = arith.constant 0 : index
      %swap3A_47 = tpu.vector_load %arg8[%swap3A, %swap3A_46] {strides = array<i32>} : memref<400x64xf32, #tpu.memory_space<vmem>>, vector<16xf32>,
      tpu.vector_store %arg8[%swap3A, %swap3A_46], %broadcast_in_dim3A_45 {strides = array<i32>} : memref<400x64xf32, #tpu.memory_space<vmem>>, vector<16xf32>,
      %broadcast_in_dim3A_48 = arith.constant 0.000000e+00 : f32
      %broadcast_in_dim3A_49 = vector.broadcast %broadcast_in_dim3A_48 : f32 to vector<16xf32>
      %swap3A_50 = arith.index_cast %scan3A_44 : i32 to index
      %swap3A_51 = arith.constant 16 : index
      %swap3A_52 = tpu.vector_load %arg8[%swap3A_50, %swap3A_51] {strides = array<i32>} : memref<400x64xf32, #tpu.memory_space<vmem>>, vector<16xf32>,
      tpu.vector_store %arg8[%swap3A_50, %swap3A_51], %broadcast_in_dim3A_49 {strides = array<i32>} : memref<400x64xf32, #tpu.memory_space<vmem>>, vector<16xf32>,
      %broadcast_in_dim3A_53 = arith.constant 0.000000e+00 : f32
      %broadcast_in_dim3A_54 = vector.broadcast %broadcast_in_dim3A_53 : f32 to vector<16xf32>
      %swap3A_55 = arith.index_cast %scan3A_44 : i32 to index
      %swap3A_56 = arith.constant 32 : index
      %swap3A_57 = tpu.vector_load %arg8[%swap3A_55, %swap3A_56] {strides = array<i32>} : memref<400x64xf32, #tpu.memory_space<vmem>>, vector<16xf32>,
      tpu.vector_store %arg8[%swap3A_55, %swap3A_56], %broadcast_in_dim3A_54 {strides = array<i32>} : memref<400x64xf32, #tpu.memory_space<vmem>>, vector<16xf32>,
      %broadcast_in_dim3A_58 = arith.constant 0.000000e+00 : f32
      %broadcast_in_dim3A_59 = vector.broadcast %broadcast_in_dim3A_58 : f32 to vector<16xf32>
      %swap3A_60 = arith.index_cast %scan3A_44 : i32 to index
      %swap3A_61 = arith.constant 48 : index
      %swap3A_62 = tpu.vector_load %arg8[%swap3A_60, %swap3A_61] {strides = array<i32>} : memref<400x64xf32, #tpu.memory_space<vmem>>, vector<16xf32>,
      tpu.vector_store %arg8[%swap3A_60, %swap3A_61], %broadcast_in_dim3A_59 {strides = array<i32>} : memref<400x64xf32, #tpu.memory_space<vmem>>, vector<16xf32>,
    }
    %scan3A_5 = arith.constant 400 : i32
    %mul3A_6 = arith.constant 624 : i32
    %mul3A_7 = arith.muli %arg1, %mul3A_6 : i32
    %add3A_8 = arith.constant 0 : i32
    %add3A_9 = arith.addi %mul3A_7, %add3A_8 : i32
    "tpu.region"() ({
      %run_scoped3A = tpu.sem_alloc : memref<!tpu.dma_semaphore, #tpu.memory_space<semaphore_mem>>
      %dma_start3A = arith.constant 0 : i32
      %dma_start3A_44 = arith.constant 0 : i32
      %dma_start3A_45 = tpu.memref_slice %arg8[%dma_start3A, %dma_start3A_44] : memref<400x64xf32, #tpu.memory_space<vmem>> -> memref<400x64xf32, #tpu.memory_space<vmem>>
      %dma_start3A_46 = arith.constant 0 : i32
      %dma_start3A_47 = tpu.memref_slice %arg9[%add3A_9, %dma_start3A_46] : memref<10000x64xf32, #tpu.memory_space<vmem_shared>> -> memref<400x64xf32, #tpu.memory_space<vmem_shared>>
      %dma_start3A_48 = arith.constant 0 : i32
      %dma_start3A_49 = tpu.memref_slice %arg9[%add3A_9, %dma_start3A_48] : memref<10000x64xf32, #tpu.memory_space<vmem_shared>> -> memref<400x64xf32, #tpu.memory_space<vmem_shared>>
      %dma_start3A_50 = arith.constant 0 : i32
      %dma_start3A_51 = arith.constant 0 : i32
      %dma_start3A_52 = tpu.memref_slice %arg8[%dma_start3A_50, %dma_start3A_51] : memref<400x64xf32, #tpu.memory_space<vmem>> -> memref<400x64xf32, #tpu.memory_space<vmem>>
      tpu.enqueue_dma source(%dma_start3A_52 : memref<400x64xf32, #tpu.memory_space<vmem>>) target(%dma_start3A_49 : memref<400x64xf32, #tpu.memory_space<vmem_shared>>) target_semaphore(%run_scoped3A : memref<!tpu.dma_semaphore, #tpu.memory_space<semaphore_mem>>)
      %dma_wait3A = arith.constant 0 : i32
      %dma_wait3A_53 = arith.constant 0 : i32
      %dma_wait3A_54 = tpu.memref_slice %arg8[%dma_wait3A, %dma_wait3A_53] : memref<400x64xf32, #tpu.memory_space<vmem>> -> memref<400x64xf32, #tpu.memory_space<vmem>>
      %dma_wait3A_55 = arith.constant 0 : i32
      %dma_wait3A_56 = tpu.memref_slice %arg9[%add3A_9, %dma_wait3A_55] : memref<10000x64xf32, #tpu.memory_space<vmem_shared>> -> memref<400x64xf32, #tpu.memory_space<vmem_shared>>
      %dma_wait3A_57 = arith.constant 0 : i32
      %dma_wait3A_58 = tpu.memref_slice %arg9[%add3A_9, %dma_wait3A_57] : memref<10000x64xf32, #tpu.memory_space<vmem_shared>> -> memref<400x64xf32, #tpu.memory_space<vmem_shared>>
      %dma_wait3A_59 = arith.constant 0 : i32
      %dma_wait3A_60 = arith.constant 0 : i32
      %dma_wait3A_61 = tpu.memref_slice %arg8[%dma_wait3A_59, %dma_wait3A_60] : memref<400x64xf32, #tpu.memory_space<vmem>> -> memref<400x64xf32, #tpu.memory_space<vmem>>
      tpu.wait_dma2 semaphore(%run_scoped3A : memref<!tpu.dma_semaphore, #tpu.memory_space<semaphore_mem>>) src(%dma_wait3A_61 : memref<400x64xf32, #tpu.memory_space<vmem>>) dst(%dma_wait3A_58 : memref<400x64xf32, #tpu.memory_space<vmem_shared>>)
      tpu.yield
    }) : () -> ()
    %mul3A_10 = arith.constant 624 : i32
    %mul3A_11 = arith.muli %arg1, %mul3A_10 : i32
    %add3A_12 = arith.constant 400 : i32
    %add3A_13 = arith.addi %mul3A_11, %add3A_12 : i32
    "tpu.region"() ({
      %run_scoped3A = tpu.sem_alloc : memref<!tpu.dma_semaphore, #tpu.memory_space<semaphore_mem>>
      %dma_start3A = arith.constant 0 : i32
      %dma_start3A_44 = arith.constant 0 : i32
      %dma_start3A_45 = tpu.memref_slice %arg8[%dma_start3A, %dma_start3A_44] : memref<400x64xf32, #tpu.memory_space<vmem>> -> memref<224x64xf32, #tpu.memory_space<vmem>>
      %dma_start3A_46 = arith.constant 0 : i32
      %dma_start3A_47 = tpu.memref_slice %arg9[%add3A_13, %dma_start3A_46] : memref<10000x64xf32, #tpu.memory_space<vmem_shared>> -> memref<224x64xf32, #tpu.memory_space<vmem_shared>>
      %dma_start3A_48 = arith.constant 0 : i32
      %dma_start3A_49 = tpu.memref_slice %arg9[%add3A_13, %dma_start3A_48] : memref<10000x64xf32, #tpu.memory_space<vmem_shared>> -> memref<224x64xf32, #tpu.memory_space<vmem_shared>>
      %dma_start3A_50 = arith.constant 0 : i32
      %dma_start3A_51 = arith.constant 0 : i32
      %dma_start3A_52 = tpu.memref_slice %arg8[%dma_start3A_50, %dma_start3A_51] : memref<400x64xf32, #tpu.memory_space<vmem>> -> memref<224x64xf32, #tpu.memory_space<vmem>>
      tpu.enqueue_dma source(%dma_start3A_52 : memref<224x64xf32, #tpu.memory_space<vmem>>) target(%dma_start3A_49 : memref<224x64xf32, #tpu.memory_space<vmem_shared>>) target_semaphore(%run_scoped3A : memref<!tpu.dma_semaphore, #tpu.memory_space<semaphore_mem>>)
      %dma_wait3A = arith.constant 0 : i32
      %dma_wait3A_53 = arith.constant 0 : i32
      %dma_wait3A_54 = tpu.memref_slice %arg8[%dma_wait3A, %dma_wait3A_53] : memref<400x64xf32, #tpu.memory_space<vmem>> -> memref<224x64xf32, #tpu.memory_space<vmem>>
      %dma_wait3A_55 = arith.constant 0 : i32
      %dma_wait3A_56 = tpu.memref_slice %arg9[%add3A_13, %dma_wait3A_55] : memref<10000x64xf32, #tpu.memory_space<vmem_shared>> -> memref<224x64xf32, #tpu.memory_space<vmem_shared>>
      %dma_wait3A_57 = arith.constant 0 : i32
      %dma_wait3A_58 = tpu.memref_slice %arg9[%add3A_13, %dma_wait3A_57] : memref<10000x64xf32, #tpu.memory_space<vmem_shared>> -> memref<224x64xf32, #tpu.memory_space<vmem_shared>>
      %dma_wait3A_59 = arith.constant 0 : i32
      %dma_wait3A_60 = arith.constant 0 : i32
      %dma_wait3A_61 = tpu.memref_slice %arg8[%dma_wait3A_59, %dma_wait3A_60] : memref<400x64xf32, #tpu.memory_space<vmem>> -> memref<224x64xf32, #tpu.memory_space<vmem>>
      tpu.wait_dma2 semaphore(%run_scoped3A : memref<!tpu.dma_semaphore, #tpu.memory_space<semaphore_mem>>) src(%dma_wait3A_61 : memref<224x64xf32, #tpu.memory_space<vmem>>) dst(%dma_wait3A_58 : memref<224x64xf32, #tpu.memory_space<vmem_shared>>)
      tpu.yield
    }) : () -> ()
    %eq3A = arith.constant 0 : i32
    %eq3A_14 = arith.cmpi eq, %arg1, %eq3A : i32
    %convert_element_type3A = arith.extui %eq3A_14 : i1 to i32
    %cond3A = arith.constant 0 : i32
    %cond3A_15 = arith.cmpi ne, %convert_element_type3A, %cond3A : i32
    scf.if %cond3A_15 {
      "tpu.region"() ({
        %run_scoped3A = tpu.sem_alloc : memref<!tpu.dma_semaphore, #tpu.memory_space<semaphore_mem>>
        %dma_start3A = arith.constant 0 : i32
        %dma_start3A_44 = arith.constant 0 : i32
        %dma_start3A_45 = tpu.memref_slice %arg8[%dma_start3A, %dma_start3A_44] : memref<400x64xf32, #tpu.memory_space<vmem>> -> memref<16x64xf32, #tpu.memory_space<vmem>>
        %dma_start3A_46 = arith.constant 9984 : i32
        %dma_start3A_47 = arith.constant 0 : i32
        %dma_start3A_48 = tpu.memref_slice %arg9[%dma_start3A_46, %dma_start3A_47] : memref<10000x64xf32, #tpu.memory_space<vmem_shared>> -> memref<16x64xf32, #tpu.memory_space<vmem_shared>>
        %dma_start3A_49 = arith.constant 9984 : i32
        %dma_start3A_50 = arith.constant 0 : i32
        %dma_start3A_51 = tpu.memref_slice %arg9[%dma_start3A_49, %dma_start3A_50] : memref<10000x64xf32, #tpu.memory_space<vmem_shared>> -> memref<16x64xf32, #tpu.memory_space<vmem_shared>>
        %dma_start3A_52 = arith.constant 0 : i32
        %dma_start3A_53 = arith.constant 0 : i32
        %dma_start3A_54 = tpu.memref_slice %arg8[%dma_start3A_52, %dma_start3A_53] : memref<400x64xf32, #tpu.memory_space<vmem>> -> memref<16x64xf32, #tpu.memory_space<vmem>>
        tpu.enqueue_dma source(%dma_start3A_54 : memref<16x64xf32, #tpu.memory_space<vmem>>) target(%dma_start3A_51 : memref<16x64xf32, #tpu.memory_space<vmem_shared>>) target_semaphore(%run_scoped3A : memref<!tpu.dma_semaphore, #tpu.memory_space<semaphore_mem>>)
        %dma_wait3A = arith.constant 0 : i32
        %dma_wait3A_55 = arith.constant 0 : i32
        %dma_wait3A_56 = tpu.memref_slice %arg8[%dma_wait3A, %dma_wait3A_55] : memref<400x64xf32, #tpu.memory_space<vmem>> -> memref<16x64xf32, #tpu.memory_space<vmem>>
        %dma_wait3A_57 = arith.constant 9984 : i32
        %dma_wait3A_58 = arith.constant 0 : i32
        %dma_wait3A_59 = tpu.memref_slice %arg9[%dma_wait3A_57, %dma_wait3A_58] : memref<10000x64xf32, #tpu.memory_space<vmem_shared>> -> memref<16x64xf32, #tpu.memory_space<vmem_shared>>
        %dma_wait3A_60 = arith.constant 9984 : i32
        %dma_wait3A_61 = arith.constant 0 : i32
        %dma_wait3A_62 = tpu.memref_slice %arg9[%dma_wait3A_60, %dma_wait3A_61] : memref<10000x64xf32, #tpu.memory_space<vmem_shared>> -> memref<16x64xf32, #tpu.memory_space<vmem_shared>>
        %dma_wait3A_63 = arith.constant 0 : i32
        %dma_wait3A_64 = arith.constant 0 : i32
        %dma_wait3A_65 = tpu.memref_slice %arg8[%dma_wait3A_63, %dma_wait3A_64] : memref<400x64xf32, #tpu.memory_space<vmem>> -> memref<16x64xf32, #tpu.memory_space<vmem>>
        tpu.wait_dma2 semaphore(%run_scoped3A : memref<!tpu.dma_semaphore, #tpu.memory_space<semaphore_mem>>) src(%dma_wait3A_65 : memref<16x64xf32, #tpu.memory_space<vmem>>) dst(%dma_wait3A_62 : memref<16x64xf32, #tpu.memory_space<vmem_shared>>)
        tpu.yield
      }) : () -> ()
    } else {
    }
    %barrier3A = arith.constant 0 : index
    tpu.barrier barrier_id(%barrier3A)
    %scan3A_16 = arith.constant 0 : i32
    %scan3A_17 = arith.constant 0 : i32
    %scan3A_18 = arith.constant 25 : i32
    %scan3A_19 = arith.addi %scan3A_17, %scan3A_18 : i32
    %scan3A_20 = arith.constant 1 : i32
    scf.for %scan3A_44 = %scan3A_17 to %scan3A_19 step %scan3A_20  : i32 {
      %mul3A_45 = arith.constant 10000 : i32
      %mul3A_46 = arith.muli %add3A, %mul3A_45 : i32
      %mul3A_47 = arith.constant 400 : i32
      %mul3A_48 = arith.muli %scan3A_44, %mul3A_47 : i32
      %add3A_49 = arith.addi %mul3A_46, %mul3A_48 : i32
      "tpu.region"() ({
        %run_scoped3A = tpu.sem_alloc : memref<!tpu.dma_semaphore, #tpu.memory_space<semaphore_mem>>
        %dma_start3A_54 = tpu.memref_slice %arg2[%add3A_49] : memref<320000xi32, #tpu.memory_space<hbm>> -> memref<400xi32, #tpu.memory_space<hbm>>
        %dma_start3A_55 = tpu.memref_slice %arg2[%add3A_49] : memref<320000xi32, #tpu.memory_space<hbm>> -> memref<400xi32, #tpu.memory_space<hbm>>
        tpu.enqueue_dma source(%dma_start3A_55 : memref<400xi32, #tpu.memory_space<hbm>>) target(%arg6 : memref<400xi32, #tpu.memory_space<vmem>>) target_semaphore(%run_scoped3A : memref<!tpu.dma_semaphore, #tpu.memory_space<semaphore_mem>>)
        %dma_wait3A_56 = tpu.memref_slice %arg2[%add3A_49] : memref<320000xi32, #tpu.memory_space<hbm>> -> memref<400xi32, #tpu.memory_space<hbm>>
        %dma_wait3A_57 = tpu.memref_slice %arg2[%add3A_49] : memref<320000xi32, #tpu.memory_space<hbm>> -> memref<400xi32, #tpu.memory_space<hbm>>
        tpu.wait_dma2 semaphore(%run_scoped3A : memref<!tpu.dma_semaphore, #tpu.memory_space<semaphore_mem>>) src(%dma_wait3A_57 : memref<400xi32, #tpu.memory_space<hbm>>) dst(%arg6 : memref<400xi32, #tpu.memory_space<vmem>>)
        tpu.yield
      }) : () -> ()
      "tpu.region"() ({
        %run_scoped3A = tpu.sem_alloc : memref<!tpu.dma_semaphore, #tpu.memory_space<semaphore_mem>>
        %dma_start3A_54 = tpu.memref_slice %arg3[%add3A_49] : memref<320000xi32, #tpu.memory_space<hbm>> -> memref<400xi32, #tpu.memory_space<hbm>>
        %dma_start3A_55 = tpu.memref_slice %arg3[%add3A_49] : memref<320000xi32, #tpu.memory_space<hbm>> -> memref<400xi32, #tpu.memory_space<hbm>>
        tpu.enqueue_dma source(%dma_start3A_55 : memref<400xi32, #tpu.memory_space<hbm>>) target(%arg7 : memref<400xi32, #tpu.memory_space<vmem>>) target_semaphore(%run_scoped3A : memref<!tpu.dma_semaphore, #tpu.memory_space<semaphore_mem>>)
        %dma_wait3A_56 = tpu.memref_slice %arg3[%add3A_49] : memref<320000xi32, #tpu.memory_space<hbm>> -> memref<400xi32, #tpu.memory_space<hbm>>
        %dma_wait3A_57 = tpu.memref_slice %arg3[%add3A_49] : memref<320000xi32, #tpu.memory_space<hbm>> -> memref<400xi32, #tpu.memory_space<hbm>>
        tpu.wait_dma2 semaphore(%run_scoped3A : memref<!tpu.dma_semaphore, #tpu.memory_space<semaphore_mem>>) src(%dma_wait3A_57 : memref<400xi32, #tpu.memory_space<hbm>>) dst(%arg7 : memref<400xi32, #tpu.memory_space<vmem>>)
        tpu.yield
      }) : () -> ()
      %dma_start3A = arith.constant 0 : i32
      %dma_start3A_50 = arith.constant 0 : i32
      %dma_start3A_51 = tpu.memref_slice %arg4[%dma_start3A, %dma_start3A_50] : memref<10000x64xf32, #tpu.memory_space<hbm>> -> memref<10000x64xf32, #tpu.memory_space<hbm>>
      tpu.enqueue_indirect_dma source(%dma_start3A_51 : memref<10000x64xf32, #tpu.memory_space<hbm>>) target(%arg8 : memref<400x64xf32, #tpu.memory_space<vmem>>) offsets(%arg6 : memref<400xi32, #tpu.memory_space<vmem>>) semaphore(%arg10 : memref<!tpu.dma_semaphore, #tpu.memory_space<semaphore_mem>>)
      %dma_wait3A = arith.constant 0 : i32
      %dma_wait3A_52 = arith.constant 0 : i32
      %dma_wait3A_53 = tpu.memref_slice %arg4[%dma_wait3A, %dma_wait3A_52] : memref<10000x64xf32, #tpu.memory_space<hbm>> -> memref<10000x64xf32, #tpu.memory_space<hbm>>
      tpu.wait_indirect_dma semaphore(%arg10 : memref<!tpu.dma_semaphore, #tpu.memory_space<semaphore_mem>>) src(%dma_wait3A_53 : memref<10000x64xf32, #tpu.memory_space<hbm>>) dst(%arg8 : memref<400x64xf32, #tpu.memory_space<vmem>>)
      "tpu.region"() ({
        %run_scoped3A = tpu.sem_alloc : memref<!tpu.dma_semaphore, #tpu.memory_space<semaphore_mem>>
        %dma_start3A_54 = arith.constant 0 : i32
        %dma_start3A_55 = arith.constant 0 : i32
        %dma_start3A_56 = tpu.memref_slice %arg9[%dma_start3A_54, %dma_start3A_55] : memref<10000x64xf32, #tpu.memory_space<vmem_shared>> -> memref<10000x64xf32, #tpu.memory_space<vmem_shared>>
        tpu.enqueue_indirect_dma source(%arg8 : memref<400x64xf32, #tpu.memory_space<vmem>>) target(%dma_start3A_56 : memref<10000x64xf32, #tpu.memory_space<vmem_shared>>) offsets(%arg7 : memref<400xi32, #tpu.memory_space<vmem>>) semaphore(%run_scoped3A : memref<!tpu.dma_semaphore, #tpu.memory_space<semaphore_mem>>) {add = true}
        %dma_wait3A_57 = arith.constant 0 : i32
        %dma_wait3A_58 = arith.constant 0 : i32
        %dma_wait3A_59 = tpu.memref_slice %arg9[%dma_wait3A_57, %dma_wait3A_58] : memref<10000x64xf32, #tpu.memory_space<vmem_shared>> -> memref<10000x64xf32, #tpu.memory_space<vmem_shared>>
        tpu.wait_indirect_dma semaphore(%run_scoped3A : memref<!tpu.dma_semaphore, #tpu.memory_space<semaphore_mem>>) src(%arg8 : memref<400x64xf32, #tpu.memory_space<vmem>>) dst(%dma_wait3A_59 : memref<10000x64xf32, #tpu.memory_space<vmem_shared>>)
        tpu.yield
      }) : () -> ()
    }
    %scan3A_21 = arith.constant 25 : i32
    %barrier3A_22 = arith.constant 0 : index
    tpu.barrier barrier_id(%barrier3A_22)
    %mul3A_23 = arith.constant 624 : i32
    %mul3A_24 = arith.muli %arg1, %mul3A_23 : i32
    %add3A_25 = arith.constant 0 : i32
    %add3A_26 = arith.addi %mul3A_24, %add3A_25 : i32
    %mul3A_27 = arith.constant 624 : i32
    %mul3A_28 = arith.muli %arg1, %mul3A_27 : i32
    %add3A_29 = arith.constant 0 : i32
    %add3A_30 = arith.addi %mul3A_28, %add3A_29 : i32
    "tpu.region"() ({
      %run_scoped3A = tpu.sem_alloc : memref<!tpu.dma_semaphore, #tpu.memory_space<semaphore_mem>>
      %dma_start3A = arith.constant 0 : i32
      %dma_start3A_44 = tpu.memref_slice %arg5[%arg0, %add3A_30, %dma_start3A] : memref<2x10000x64xf32, #tpu.memory_space<hbm>> -> memref<1x400x64xf32, #tpu.memory_space<hbm>>
      %dma_start3A_45 = tpu.memref_squeeze %dma_start3A_44 : memref<1x400x64xf32, #tpu.memory_space<hbm>> -> memref<400x64xf32, #tpu.memory_space<hbm>>
      %dma_start3A_46 = arith.constant 0 : i32
      %dma_start3A_47 = tpu.memref_slice %arg9[%add3A_26, %dma_start3A_46] : memref<10000x64xf32, #tpu.memory_space<vmem_shared>> -> memref<400x64xf32, #tpu.memory_space<vmem_shared>>
      tpu.enqueue_dma source(%dma_start3A_47 : memref<400x64xf32, #tpu.memory_space<vmem_shared>>) target(%dma_start3A_45 : memref<400x64xf32, #tpu.memory_space<hbm>>) target_semaphore(%run_scoped3A : memref<!tpu.dma_semaphore, #tpu.memory_space<semaphore_mem>>)
      %dma_wait3A = arith.constant 0 : i32
      %dma_wait3A_48 = tpu.memref_slice %arg5[%arg0, %add3A_30, %dma_wait3A] : memref<2x10000x64xf32, #tpu.memory_space<hbm>> -> memref<1x400x64xf32, #tpu.memory_space<hbm>>
      %dma_wait3A_49 = tpu.memref_squeeze %dma_wait3A_48 : memref<1x400x64xf32, #tpu.memory_space<hbm>> -> memref<400x64xf32, #tpu.memory_space<hbm>>
      %dma_wait3A_50 = arith.constant 0 : i32
      %dma_wait3A_51 = tpu.memref_slice %arg9[%add3A_26, %dma_wait3A_50] : memref<10000x64xf32, #tpu.memory_space<vmem_shared>> -> memref<400x64xf32, #tpu.memory_space<vmem_shared>>
      tpu.wait_dma2 semaphore(%run_scoped3A : memref<!tpu.dma_semaphore, #tpu.memory_space<semaphore_mem>>) src(%dma_wait3A_51 : memref<400x64xf32, #tpu.memory_space<vmem_shared>>) dst(%dma_wait3A_49 : memref<400x64xf32, #tpu.memory_space<hbm>>)
      tpu.yield
    }) : () -> ()
    %mul3A_31 = arith.constant 624 : i32
    %mul3A_32 = arith.muli %arg1, %mul3A_31 : i32
    %add3A_33 = arith.constant 400 : i32
    %add3A_34 = arith.addi %mul3A_32, %add3A_33 : i32
    %mul3A_35 = arith.constant 624 : i32
    %mul3A_36 = arith.muli %arg1, %mul3A_35 : i32
    %add3A_37 = arith.constant 400 : i32
    %add3A_38 = arith.addi %mul3A_36, %add3A_37 : i32
    "tpu.region"() ({
      %run_scoped3A = tpu.sem_alloc : memref<!tpu.dma_semaphore, #tpu.memory_space<semaphore_mem>>
      %dma_start3A = arith.constant 0 : i32
      %dma_start3A_44 = tpu.memref_slice %arg5[%arg0, %add3A_38, %dma_start3A] : memref<2x10000x64xf32, #tpu.memory_space<hbm>> -> memref<1x224x64xf32, #tpu.memory_space<hbm>>
      %dma_start3A_45 = tpu.memref_squeeze %dma_start3A_44 : memref<1x224x64xf32, #tpu.memory_space<hbm>> -> memref<224x64xf32, #tpu.memory_space<hbm>>
      %dma_start3A_46 = arith.constant 0 : i32
      %dma_start3A_47 = tpu.memref_slice %arg9[%add3A_34, %dma_start3A_46] : memref<10000x64xf32, #tpu.memory_space<vmem_shared>> -> memref<224x64xf32, #tpu.memory_space<vmem_shared>>
      tpu.enqueue_dma source(%dma_start3A_47 : memref<224x64xf32, #tpu.memory_space<vmem_shared>>) target(%dma_start3A_45 : memref<224x64xf32, #tpu.memory_space<hbm>>) target_semaphore(%run_scoped3A : memref<!tpu.dma_semaphore, #tpu.memory_space<semaphore_mem>>)
      %dma_wait3A = arith.constant 0 : i32
      %dma_wait3A_48 = tpu.memref_slice %arg5[%arg0, %add3A_38, %dma_wait3A] : memref<2x10000x64xf32, #tpu.memory_space<hbm>> -> memref<1x224x64xf32, #tpu.memory_space<hbm>>
      %dma_wait3A_49 = tpu.memref_squeeze %dma_wait3A_48 : memref<1x224x64xf32, #tpu.memory_space<hbm>> -> memref<224x64xf32, #tpu.memory_space<hbm>>
      %dma_wait3A_50 = arith.constant 0 : i32
      %dma_wait3A_51 = tpu.memref_slice %arg9[%add3A_34, %dma_wait3A_50] : memref<10000x64xf32, #tpu.memory_space<vmem_shared>> -> memref<224x64xf32, #tpu.memory_space<vmem_shared>>
      tpu.wait_dma2 semaphore(%run_scoped3A : memref<!tpu.dma_semaphore, #tpu.memory_space<semaphore_mem>>) src(%dma_wait3A_51 : memref<224x64xf32, #tpu.memory_space<vmem_shared>>) dst(%dma_wait3A_49 : memref<224x64xf32, #tpu.memory_space<hbm>>)
      tpu.yield
    }) : () -> ()
    %eq3A_39 = arith.constant 0 : i32
    %eq3A_40 = arith.cmpi eq, %arg1, %eq3A_39 : i32
    %convert_element_type3A_41 = arith.extui %eq3A_40 : i1 to i32
    %cond3A_42 = arith.constant 0 : i32
    %cond3A_43 = arith.cmpi ne, %convert_element_type3A_41, %cond3A_42 : i32
    scf.if %cond3A_43 {
      "tpu.region"() ({
        %run_scoped3A = tpu.sem_alloc : memref<!tpu.dma_semaphore, #tpu.memory_space<semaphore_mem>>
        %dma_start3A = arith.constant 9984 : i32
        %dma_start3A_44 = arith.constant 0 : i32
        %dma_start3A_45 = tpu.memref_slice %arg5[%arg0, %dma_start3A, %dma_start3A_44] : memref<2x10000x64xf32, #tpu.memory_space<hbm>> -> memref<1x16x64xf32, #tpu.memory_space<hbm>>
        %dma_start3A_46 = tpu.memref_squeeze %dma_start3A_45 : memref<1x16x64xf32, #tpu.memory_space<hbm>> -> memref<16x64xf32, #tpu.memory_space<hbm>>
        %dma_start3A_47 = arith.constant 9984 : i32
        %dma_start3A_48 = arith.constant 0 : i32
        %dma_start3A_49 = tpu.memref_slice %arg9[%dma_start3A_47, %dma_start3A_48] : memref<10000x64xf32, #tpu.memory_space<vmem_shared>> -> memref<16x64xf32, #tpu.memory_space<vmem_shared>>
        tpu.enqueue_dma source(%dma_start3A_49 : memref<16x64xf32, #tpu.memory_space<vmem_shared>>) target(%dma_start3A_46 : memref<16x64xf32, #tpu.memory_space<hbm>>) target_semaphore(%run_scoped3A : memref<!tpu.dma_semaphore, #tpu.memory_space<semaphore_mem>>)
        %dma_wait3A = arith.constant 9984 : i32
        %dma_wait3A_50 = arith.constant 0 : i32
        %dma_wait3A_51 = tpu.memref_slice %arg5[%arg0, %dma_wait3A, %dma_wait3A_50] : memref<2x10000x64xf32, #tpu.memory_space<hbm>> -> memref<1x16x64xf32, #tpu.memory_space<hbm>>
        %dma_wait3A_52 = tpu.memref_squeeze %dma_wait3A_51 : memref<1x16x64xf32, #tpu.memory_space<hbm>> -> memref<16x64xf32, #tpu.memory_space<hbm>>
        %dma_wait3A_53 = arith.constant 9984 : i32
        %dma_wait3A_54 = arith.constant 0 : i32
        %dma_wait3A_55 = tpu.memref_slice %arg9[%dma_wait3A_53, %dma_wait3A_54] : memref<10000x64xf32, #tpu.memory_space<vmem_shared>> -> memref<16x64xf32, #tpu.memory_space<vmem_shared>>
        tpu.wait_dma2 semaphore(%run_scoped3A : memref<!tpu.dma_semaphore, #tpu.memory_space<semaphore_mem>>) src(%dma_wait3A_55 : memref<16x64xf32, #tpu.memory_space<vmem_shared>>) dst(%dma_wait3A_52 : memref<16x64xf32, #tpu.memory_space<hbm>>)
        tpu.yield
      }) : () -> ()
    } else {
    }
    return
  }
}

#map = affine_map<(d0, d1) -> (0)>
#map1 = affine_map<(d0, d1) -> (0, 0)>
#map2 = affine_map<(d0, d1) -> (0, 0, 0)>
module attributes {stable_mosaic.version = 14 : i64} {
  func.func @body(%arg0: i32, %arg1: i32, %arg2: memref<640000xi32, #tpu.memory_space<hbm>>, %arg3: memref<320000xi32, #tpu.memory_space<hbm>>, %arg4: memref<320000x16xf32, #tpu.memory_space<hbm>>, %arg5: memref<20000x128xf32, #tpu.memory_space<hbm>>, %arg6: memref<2x10000x128xf32, #tpu.memory_space<hbm>>, %arg7: memref<200xi32, #tpu.memory_space<vmem>>, %arg8: memref<200xi32, #tpu.memory_space<vmem>>, %arg9: memref<200x16xf32, #tpu.memory_space<vmem>>, %arg10: memref<200x128xf32, #tpu.memory_space<vmem>>, %arg11: memref<10000x128xf32, #tpu.memory_space<vmem_shared>>, %arg12: memref<!tpu.dma_semaphore, #tpu.memory_space<semaphore_mem>>) attributes {dimension_semantics = [#tpu.dimension_semantics<core_parallel>, #tpu.dimension_semantics<subcore_parallel>], iteration_bounds = array<i64: 2, 16>, scalar_prefetch = 0 : i64, scratch_operands = 6 : i64, tpu.core_type = #tpu.core_type<sc_vector_subcore>, window_params = [{transform_indices = #map}, {transform_indices = #map}, {transform_indices = #map1}, {transform_indices = #map1}, {transform_indices = #map2}]} {
    %scan3A = arith.constant 0 : i32
    %scan3A_0 = arith.constant 0 : i32
    %scan3A_1 = arith.constant 200 : i32
    %scan3A_2 = arith.addi %scan3A_0, %scan3A_1 : i32
    %scan3A_3 = arith.constant 1 : i32
    scf.for %scan3A_65 = %scan3A_0 to %scan3A_2 step %scan3A_3  : i32 {
      %broadcast_in_dim3A = arith.constant 0.000000e+00 : f32
      %broadcast_in_dim3A_66 = vector.broadcast %broadcast_in_dim3A : f32 to vector<16xf32>
      %swap3A = arith.index_cast %scan3A_65 : i32 to index
      %swap3A_67 = arith.constant 0 : index
      %swap3A_68 = tpu.vector_load %arg10[%swap3A, %swap3A_67] {strides = array<i32>} : memref<200x128xf32, #tpu.memory_space<vmem>>, vector<16xf32>,
      tpu.vector_store %arg10[%swap3A, %swap3A_67], %broadcast_in_dim3A_66 {strides = array<i32>} : memref<200x128xf32, #tpu.memory_space<vmem>>, vector<16xf32>,
      %broadcast_in_dim3A_69 = arith.constant 0.000000e+00 : f32
      %broadcast_in_dim3A_70 = vector.broadcast %broadcast_in_dim3A_69 : f32 to vector<16xf32>
      %swap3A_71 = arith.index_cast %scan3A_65 : i32 to index
      %swap3A_72 = arith.constant 16 : index
      %swap3A_73 = tpu.vector_load %arg10[%swap3A_71, %swap3A_72] {strides = array<i32>} : memref<200x128xf32, #tpu.memory_space<vmem>>, vector<16xf32>,
      tpu.vector_store %arg10[%swap3A_71, %swap3A_72], %broadcast_in_dim3A_70 {strides = array<i32>} : memref<200x128xf32, #tpu.memory_space<vmem>>, vector<16xf32>,
      %broadcast_in_dim3A_74 = arith.constant 0.000000e+00 : f32
      %broadcast_in_dim3A_75 = vector.broadcast %broadcast_in_dim3A_74 : f32 to vector<16xf32>
      %swap3A_76 = arith.index_cast %scan3A_65 : i32 to index
      %swap3A_77 = arith.constant 32 : index
      %swap3A_78 = tpu.vector_load %arg10[%swap3A_76, %swap3A_77] {strides = array<i32>} : memref<200x128xf32, #tpu.memory_space<vmem>>, vector<16xf32>,
      tpu.vector_store %arg10[%swap3A_76, %swap3A_77], %broadcast_in_dim3A_75 {strides = array<i32>} : memref<200x128xf32, #tpu.memory_space<vmem>>, vector<16xf32>,
      %broadcast_in_dim3A_79 = arith.constant 0.000000e+00 : f32
      %broadcast_in_dim3A_80 = vector.broadcast %broadcast_in_dim3A_79 : f32 to vector<16xf32>
      %swap3A_81 = arith.index_cast %scan3A_65 : i32 to index
      %swap3A_82 = arith.constant 48 : index
      %swap3A_83 = tpu.vector_load %arg10[%swap3A_81, %swap3A_82] {strides = array<i32>} : memref<200x128xf32, #tpu.memory_space<vmem>>, vector<16xf32>,
      tpu.vector_store %arg10[%swap3A_81, %swap3A_82], %broadcast_in_dim3A_80 {strides = array<i32>} : memref<200x128xf32, #tpu.memory_space<vmem>>, vector<16xf32>,
      %broadcast_in_dim3A_84 = arith.constant 0.000000e+00 : f32
      %broadcast_in_dim3A_85 = vector.broadcast %broadcast_in_dim3A_84 : f32 to vector<16xf32>
      %swap3A_86 = arith.index_cast %scan3A_65 : i32 to index
      %swap3A_87 = arith.constant 64 : index
      %swap3A_88 = tpu.vector_load %arg10[%swap3A_86, %swap3A_87] {strides = array<i32>} : memref<200x128xf32, #tpu.memory_space<vmem>>, vector<16xf32>,
      tpu.vector_store %arg10[%swap3A_86, %swap3A_87], %broadcast_in_dim3A_85 {strides = array<i32>} : memref<200x128xf32, #tpu.memory_space<vmem>>, vector<16xf32>,
      %broadcast_in_dim3A_89 = arith.constant 0.000000e+00 : f32
      %broadcast_in_dim3A_90 = vector.broadcast %broadcast_in_dim3A_89 : f32 to vector<16xf32>
      %swap3A_91 = arith.index_cast %scan3A_65 : i32 to index
      %swap3A_92 = arith.constant 80 : index
      %swap3A_93 = tpu.vector_load %arg10[%swap3A_91, %swap3A_92] {strides = array<i32>} : memref<200x128xf32, #tpu.memory_space<vmem>>, vector<16xf32>,
      tpu.vector_store %arg10[%swap3A_91, %swap3A_92], %broadcast_in_dim3A_90 {strides = array<i32>} : memref<200x128xf32, #tpu.memory_space<vmem>>, vector<16xf32>,
      %broadcast_in_dim3A_94 = arith.constant 0.000000e+00 : f32
      %broadcast_in_dim3A_95 = vector.broadcast %broadcast_in_dim3A_94 : f32 to vector<16xf32>
      %swap3A_96 = arith.index_cast %scan3A_65 : i32 to index
      %swap3A_97 = arith.constant 96 : index
      %swap3A_98 = tpu.vector_load %arg10[%swap3A_96, %swap3A_97] {strides = array<i32>} : memref<200x128xf32, #tpu.memory_space<vmem>>, vector<16xf32>,
      tpu.vector_store %arg10[%swap3A_96, %swap3A_97], %broadcast_in_dim3A_95 {strides = array<i32>} : memref<200x128xf32, #tpu.memory_space<vmem>>, vector<16xf32>,
      %broadcast_in_dim3A_99 = arith.constant 0.000000e+00 : f32
      %broadcast_in_dim3A_100 = vector.broadcast %broadcast_in_dim3A_99 : f32 to vector<16xf32>
      %swap3A_101 = arith.index_cast %scan3A_65 : i32 to index
      %swap3A_102 = arith.constant 112 : index
      %swap3A_103 = tpu.vector_load %arg10[%swap3A_101, %swap3A_102] {strides = array<i32>} : memref<200x128xf32, #tpu.memory_space<vmem>>, vector<16xf32>,
      tpu.vector_store %arg10[%swap3A_101, %swap3A_102], %broadcast_in_dim3A_100 {strides = array<i32>} : memref<200x128xf32, #tpu.memory_space<vmem>>, vector<16xf32>,
    }
    %scan3A_4 = arith.constant 200 : i32
    %mul3A = arith.constant 624 : i32
    %mul3A_5 = arith.muli %arg1, %mul3A : i32
    %add3A = arith.constant 0 : i32
    %add3A_6 = arith.addi %mul3A_5, %add3A : i32
    "tpu.region"() ({
      %run_scoped3A = tpu.sem_alloc : memref<!tpu.dma_semaphore, #tpu.memory_space<semaphore_mem>>
      %dma_start3A = arith.constant 0 : i32
      %dma_start3A_65 = arith.constant 0 : i32
      %dma_start3A_66 = tpu.memref_slice %arg10[%dma_start3A, %dma_start3A_65] : memref<200x128xf32, #tpu.memory_space<vmem>> -> memref<200x128xf32, #tpu.memory_space<vmem>>
      %dma_start3A_67 = arith.constant 0 : i32
      %dma_start3A_68 = tpu.memref_slice %arg11[%add3A_6, %dma_start3A_67] : memref<10000x128xf32, #tpu.memory_space<vmem_shared>> -> memref<200x128xf32, #tpu.memory_space<vmem_shared>>
      %dma_start3A_69 = arith.constant 0 : i32
      %dma_start3A_70 = tpu.memref_slice %arg11[%add3A_6, %dma_start3A_69] : memref<10000x128xf32, #tpu.memory_space<vmem_shared>> -> memref<200x128xf32, #tpu.memory_space<vmem_shared>>
      %dma_start3A_71 = arith.constant 0 : i32
      %dma_start3A_72 = arith.constant 0 : i32
      %dma_start3A_73 = tpu.memref_slice %arg10[%dma_start3A_71, %dma_start3A_72] : memref<200x128xf32, #tpu.memory_space<vmem>> -> memref<200x128xf32, #tpu.memory_space<vmem>>
      tpu.enqueue_dma source(%dma_start3A_73 : memref<200x128xf32, #tpu.memory_space<vmem>>) target(%dma_start3A_70 : memref<200x128xf32, #tpu.memory_space<vmem_shared>>) target_semaphore(%run_scoped3A : memref<!tpu.dma_semaphore, #tpu.memory_space<semaphore_mem>>)
      %dma_wait3A = arith.constant 0 : i32
      %dma_wait3A_74 = arith.constant 0 : i32
      %dma_wait3A_75 = tpu.memref_slice %arg10[%dma_wait3A, %dma_wait3A_74] : memref<200x128xf32, #tpu.memory_space<vmem>> -> memref<200x128xf32, #tpu.memory_space<vmem>>
      %dma_wait3A_76 = arith.constant 0 : i32
      %dma_wait3A_77 = tpu.memref_slice %arg11[%add3A_6, %dma_wait3A_76] : memref<10000x128xf32, #tpu.memory_space<vmem_shared>> -> memref<200x128xf32, #tpu.memory_space<vmem_shared>>
      %dma_wait3A_78 = arith.constant 0 : i32
      %dma_wait3A_79 = tpu.memref_slice %arg11[%add3A_6, %dma_wait3A_78] : memref<10000x128xf32, #tpu.memory_space<vmem_shared>> -> memref<200x128xf32, #tpu.memory_space<vmem_shared>>
      %dma_wait3A_80 = arith.constant 0 : i32
      %dma_wait3A_81 = arith.constant 0 : i32
      %dma_wait3A_82 = tpu.memref_slice %arg10[%dma_wait3A_80, %dma_wait3A_81] : memref<200x128xf32, #tpu.memory_space<vmem>> -> memref<200x128xf32, #tpu.memory_space<vmem>>
      tpu.wait_dma2 semaphore(%run_scoped3A : memref<!tpu.dma_semaphore, #tpu.memory_space<semaphore_mem>>) src(%dma_wait3A_82 : memref<200x128xf32, #tpu.memory_space<vmem>>) dst(%dma_wait3A_79 : memref<200x128xf32, #tpu.memory_space<vmem_shared>>)
      tpu.yield
    }) : () -> ()
    %mul3A_7 = arith.constant 624 : i32
    %mul3A_8 = arith.muli %arg1, %mul3A_7 : i32
    %add3A_9 = arith.constant 200 : i32
    %add3A_10 = arith.addi %mul3A_8, %add3A_9 : i32
    "tpu.region"() ({
      %run_scoped3A = tpu.sem_alloc : memref<!tpu.dma_semaphore, #tpu.memory_space<semaphore_mem>>
      %dma_start3A = arith.constant 0 : i32
      %dma_start3A_65 = arith.constant 0 : i32
      %dma_start3A_66 = tpu.memref_slice %arg10[%dma_start3A, %dma_start3A_65] : memref<200x128xf32, #tpu.memory_space<vmem>> -> memref<200x128xf32, #tpu.memory_space<vmem>>
      %dma_start3A_67 = arith.constant 0 : i32
      %dma_start3A_68 = tpu.memref_slice %arg11[%add3A_10, %dma_start3A_67] : memref<10000x128xf32, #tpu.memory_space<vmem_shared>> -> memref<200x128xf32, #tpu.memory_space<vmem_shared>>
      %dma_start3A_69 = arith.constant 0 : i32
      %dma_start3A_70 = tpu.memref_slice %arg11[%add3A_10, %dma_start3A_69] : memref<10000x128xf32, #tpu.memory_space<vmem_shared>> -> memref<200x128xf32, #tpu.memory_space<vmem_shared>>
      %dma_start3A_71 = arith.constant 0 : i32
      %dma_start3A_72 = arith.constant 0 : i32
      %dma_start3A_73 = tpu.memref_slice %arg10[%dma_start3A_71, %dma_start3A_72] : memref<200x128xf32, #tpu.memory_space<vmem>> -> memref<200x128xf32, #tpu.memory_space<vmem>>
      tpu.enqueue_dma source(%dma_start3A_73 : memref<200x128xf32, #tpu.memory_space<vmem>>) target(%dma_start3A_70 : memref<200x128xf32, #tpu.memory_space<vmem_shared>>) target_semaphore(%run_scoped3A : memref<!tpu.dma_semaphore, #tpu.memory_space<semaphore_mem>>)
      %dma_wait3A = arith.constant 0 : i32
      %dma_wait3A_74 = arith.constant 0 : i32
      %dma_wait3A_75 = tpu.memref_slice %arg10[%dma_wait3A, %dma_wait3A_74] : memref<200x128xf32, #tpu.memory_space<vmem>> -> memref<200x128xf32, #tpu.memory_space<vmem>>
      %dma_wait3A_76 = arith.constant 0 : i32
      %dma_wait3A_77 = tpu.memref_slice %arg11[%add3A_10, %dma_wait3A_76] : memref<10000x128xf32, #tpu.memory_space<vmem_shared>> -> memref<200x128xf32, #tpu.memory_space<vmem_shared>>
      %dma_wait3A_78 = arith.constant 0 : i32
      %dma_wait3A_79 = tpu.memref_slice %arg11[%add3A_10, %dma_wait3A_78] : memref<10000x128xf32, #tpu.memory_space<vmem_shared>> -> memref<200x128xf32, #tpu.memory_space<vmem_shared>>
      %dma_wait3A_80 = arith.constant 0 : i32
      %dma_wait3A_81 = arith.constant 0 : i32
      %dma_wait3A_82 = tpu.memref_slice %arg10[%dma_wait3A_80, %dma_wait3A_81] : memref<200x128xf32, #tpu.memory_space<vmem>> -> memref<200x128xf32, #tpu.memory_space<vmem>>
      tpu.wait_dma2 semaphore(%run_scoped3A : memref<!tpu.dma_semaphore, #tpu.memory_space<semaphore_mem>>) src(%dma_wait3A_82 : memref<200x128xf32, #tpu.memory_space<vmem>>) dst(%dma_wait3A_79 : memref<200x128xf32, #tpu.memory_space<vmem_shared>>)
      tpu.yield
    }) : () -> ()
    %mul3A_11 = arith.constant 624 : i32
    %mul3A_12 = arith.muli %arg1, %mul3A_11 : i32
    %add3A_13 = arith.constant 400 : i32
    %add3A_14 = arith.addi %mul3A_12, %add3A_13 : i32
    "tpu.region"() ({
      %run_scoped3A = tpu.sem_alloc : memref<!tpu.dma_semaphore, #tpu.memory_space<semaphore_mem>>
      %dma_start3A = arith.constant 0 : i32
      %dma_start3A_65 = arith.constant 0 : i32
      %dma_start3A_66 = tpu.memref_slice %arg10[%dma_start3A, %dma_start3A_65] : memref<200x128xf32, #tpu.memory_space<vmem>> -> memref<200x128xf32, #tpu.memory_space<vmem>>
      %dma_start3A_67 = arith.constant 0 : i32
      %dma_start3A_68 = tpu.memref_slice %arg11[%add3A_14, %dma_start3A_67] : memref<10000x128xf32, #tpu.memory_space<vmem_shared>> -> memref<200x128xf32, #tpu.memory_space<vmem_shared>>
      %dma_start3A_69 = arith.constant 0 : i32
      %dma_start3A_70 = tpu.memref_slice %arg11[%add3A_14, %dma_start3A_69] : memref<10000x128xf32, #tpu.memory_space<vmem_shared>> -> memref<200x128xf32, #tpu.memory_space<vmem_shared>>
      %dma_start3A_71 = arith.constant 0 : i32
      %dma_start3A_72 = arith.constant 0 : i32
      %dma_start3A_73 = tpu.memref_slice %arg10[%dma_start3A_71, %dma_start3A_72] : memref<200x128xf32, #tpu.memory_space<vmem>> -> memref<200x128xf32, #tpu.memory_space<vmem>>
      tpu.enqueue_dma source(%dma_start3A_73 : memref<200x128xf32, #tpu.memory_space<vmem>>) target(%dma_start3A_70 : memref<200x128xf32, #tpu.memory_space<vmem_shared>>) target_semaphore(%run_scoped3A : memref<!tpu.dma_semaphore, #tpu.memory_space<semaphore_mem>>)
      %dma_wait3A = arith.constant 0 : i32
      %dma_wait3A_74 = arith.constant 0 : i32
      %dma_wait3A_75 = tpu.memref_slice %arg10[%dma_wait3A, %dma_wait3A_74] : memref<200x128xf32, #tpu.memory_space<vmem>> -> memref<200x128xf32, #tpu.memory_space<vmem>>
      %dma_wait3A_76 = arith.constant 0 : i32
      %dma_wait3A_77 = tpu.memref_slice %arg11[%add3A_14, %dma_wait3A_76] : memref<10000x128xf32, #tpu.memory_space<vmem_shared>> -> memref<200x128xf32, #tpu.memory_space<vmem_shared>>
      %dma_wait3A_78 = arith.constant 0 : i32
      %dma_wait3A_79 = tpu.memref_slice %arg11[%add3A_14, %dma_wait3A_78] : memref<10000x128xf32, #tpu.memory_space<vmem_shared>> -> memref<200x128xf32, #tpu.memory_space<vmem_shared>>
      %dma_wait3A_80 = arith.constant 0 : i32
      %dma_wait3A_81 = arith.constant 0 : i32
      %dma_wait3A_82 = tpu.memref_slice %arg10[%dma_wait3A_80, %dma_wait3A_81] : memref<200x128xf32, #tpu.memory_space<vmem>> -> memref<200x128xf32, #tpu.memory_space<vmem>>
      tpu.wait_dma2 semaphore(%run_scoped3A : memref<!tpu.dma_semaphore, #tpu.memory_space<semaphore_mem>>) src(%dma_wait3A_82 : memref<200x128xf32, #tpu.memory_space<vmem>>) dst(%dma_wait3A_79 : memref<200x128xf32, #tpu.memory_space<vmem_shared>>)
      tpu.yield
    }) : () -> ()
    %mul3A_15 = arith.constant 624 : i32
    %mul3A_16 = arith.muli %arg1, %mul3A_15 : i32
    %add3A_17 = arith.constant 600 : i32
    %add3A_18 = arith.addi %mul3A_16, %add3A_17 : i32
    "tpu.region"() ({
      %run_scoped3A = tpu.sem_alloc : memref<!tpu.dma_semaphore, #tpu.memory_space<semaphore_mem>>
      %dma_start3A = arith.constant 0 : i32
      %dma_start3A_65 = arith.constant 0 : i32
      %dma_start3A_66 = tpu.memref_slice %arg10[%dma_start3A, %dma_start3A_65] : memref<200x128xf32, #tpu.memory_space<vmem>> -> memref<24x128xf32, #tpu.memory_space<vmem>>
      %dma_start3A_67 = arith.constant 0 : i32
      %dma_start3A_68 = tpu.memref_slice %arg11[%add3A_18, %dma_start3A_67] : memref<10000x128xf32, #tpu.memory_space<vmem_shared>> -> memref<24x128xf32, #tpu.memory_space<vmem_shared>>
      %dma_start3A_69 = arith.constant 0 : i32
      %dma_start3A_70 = tpu.memref_slice %arg11[%add3A_18, %dma_start3A_69] : memref<10000x128xf32, #tpu.memory_space<vmem_shared>> -> memref<24x128xf32, #tpu.memory_space<vmem_shared>>
      %dma_start3A_71 = arith.constant 0 : i32
      %dma_start3A_72 = arith.constant 0 : i32
      %dma_start3A_73 = tpu.memref_slice %arg10[%dma_start3A_71, %dma_start3A_72] : memref<200x128xf32, #tpu.memory_space<vmem>> -> memref<24x128xf32, #tpu.memory_space<vmem>>
      tpu.enqueue_dma source(%dma_start3A_73 : memref<24x128xf32, #tpu.memory_space<vmem>>) target(%dma_start3A_70 : memref<24x128xf32, #tpu.memory_space<vmem_shared>>) target_semaphore(%run_scoped3A : memref<!tpu.dma_semaphore, #tpu.memory_space<semaphore_mem>>)
      %dma_wait3A = arith.constant 0 : i32
      %dma_wait3A_74 = arith.constant 0 : i32
      %dma_wait3A_75 = tpu.memref_slice %arg10[%dma_wait3A, %dma_wait3A_74] : memref<200x128xf32, #tpu.memory_space<vmem>> -> memref<24x128xf32, #tpu.memory_space<vmem>>
      %dma_wait3A_76 = arith.constant 0 : i32
      %dma_wait3A_77 = tpu.memref_slice %arg11[%add3A_18, %dma_wait3A_76] : memref<10000x128xf32, #tpu.memory_space<vmem_shared>> -> memref<24x128xf32, #tpu.memory_space<vmem_shared>>
      %dma_wait3A_78 = arith.constant 0 : i32
      %dma_wait3A_79 = tpu.memref_slice %arg11[%add3A_18, %dma_wait3A_78] : memref<10000x128xf32, #tpu.memory_space<vmem_shared>> -> memref<24x128xf32, #tpu.memory_space<vmem_shared>>
      %dma_wait3A_80 = arith.constant 0 : i32
      %dma_wait3A_81 = arith.constant 0 : i32
      %dma_wait3A_82 = tpu.memref_slice %arg10[%dma_wait3A_80, %dma_wait3A_81] : memref<200x128xf32, #tpu.memory_space<vmem>> -> memref<24x128xf32, #tpu.memory_space<vmem>>
      tpu.wait_dma2 semaphore(%run_scoped3A : memref<!tpu.dma_semaphore, #tpu.memory_space<semaphore_mem>>) src(%dma_wait3A_82 : memref<24x128xf32, #tpu.memory_space<vmem>>) dst(%dma_wait3A_79 : memref<24x128xf32, #tpu.memory_space<vmem_shared>>)
      tpu.yield
    }) : () -> ()
    %eq3A = arith.constant 0 : i32
    %eq3A_19 = arith.cmpi eq, %arg1, %eq3A : i32
    %convert_element_type3A = arith.extui %eq3A_19 : i1 to i32
    %cond3A = arith.constant 0 : i32
    %cond3A_20 = arith.cmpi ne, %convert_element_type3A, %cond3A : i32
    scf.if %cond3A_20 {
      "tpu.region"() ({
        %run_scoped3A = tpu.sem_alloc : memref<!tpu.dma_semaphore, #tpu.memory_space<semaphore_mem>>
        %dma_start3A = arith.constant 0 : i32
        %dma_start3A_65 = arith.constant 0 : i32
        %dma_start3A_66 = tpu.memref_slice %arg10[%dma_start3A, %dma_start3A_65] : memref<200x128xf32, #tpu.memory_space<vmem>> -> memref<16x128xf32, #tpu.memory_space<vmem>>
        %dma_start3A_67 = arith.constant 9984 : i32
        %dma_start3A_68 = arith.constant 0 : i32
        %dma_start3A_69 = tpu.memref_slice %arg11[%dma_start3A_67, %dma_start3A_68] : memref<10000x128xf32, #tpu.memory_space<vmem_shared>> -> memref<16x128xf32, #tpu.memory_space<vmem_shared>>
        %dma_start3A_70 = arith.constant 9984 : i32
        %dma_start3A_71 = arith.constant 0 : i32
        %dma_start3A_72 = tpu.memref_slice %arg11[%dma_start3A_70, %dma_start3A_71] : memref<10000x128xf32, #tpu.memory_space<vmem_shared>> -> memref<16x128xf32, #tpu.memory_space<vmem_shared>>
        %dma_start3A_73 = arith.constant 0 : i32
        %dma_start3A_74 = arith.constant 0 : i32
        %dma_start3A_75 = tpu.memref_slice %arg10[%dma_start3A_73, %dma_start3A_74] : memref<200x128xf32, #tpu.memory_space<vmem>> -> memref<16x128xf32, #tpu.memory_space<vmem>>
        tpu.enqueue_dma source(%dma_start3A_75 : memref<16x128xf32, #tpu.memory_space<vmem>>) target(%dma_start3A_72 : memref<16x128xf32, #tpu.memory_space<vmem_shared>>) target_semaphore(%run_scoped3A : memref<!tpu.dma_semaphore, #tpu.memory_space<semaphore_mem>>)
        %dma_wait3A = arith.constant 0 : i32
        %dma_wait3A_76 = arith.constant 0 : i32
        %dma_wait3A_77 = tpu.memref_slice %arg10[%dma_wait3A, %dma_wait3A_76] : memref<200x128xf32, #tpu.memory_space<vmem>> -> memref<16x128xf32, #tpu.memory_space<vmem>>
        %dma_wait3A_78 = arith.constant 9984 : i32
        %dma_wait3A_79 = arith.constant 0 : i32
        %dma_wait3A_80 = tpu.memref_slice %arg11[%dma_wait3A_78, %dma_wait3A_79] : memref<10000x128xf32, #tpu.memory_space<vmem_shared>> -> memref<16x128xf32, #tpu.memory_space<vmem_shared>>
        %dma_wait3A_81 = arith.constant 9984 : i32
        %dma_wait3A_82 = arith.constant 0 : i32
        %dma_wait3A_83 = tpu.memref_slice %arg11[%dma_wait3A_81, %dma_wait3A_82] : memref<10000x128xf32, #tpu.memory_space<vmem_shared>> -> memref<16x128xf32, #tpu.memory_space<vmem_shared>>
        %dma_wait3A_84 = arith.constant 0 : i32
        %dma_wait3A_85 = arith.constant 0 : i32
        %dma_wait3A_86 = tpu.memref_slice %arg10[%dma_wait3A_84, %dma_wait3A_85] : memref<200x128xf32, #tpu.memory_space<vmem>> -> memref<16x128xf32, #tpu.memory_space<vmem>>
        tpu.wait_dma2 semaphore(%run_scoped3A : memref<!tpu.dma_semaphore, #tpu.memory_space<semaphore_mem>>) src(%dma_wait3A_86 : memref<16x128xf32, #tpu.memory_space<vmem>>) dst(%dma_wait3A_83 : memref<16x128xf32, #tpu.memory_space<vmem_shared>>)
        tpu.yield
      }) : () -> ()
    } else {
    }
    %barrier3A = arith.constant 0 : index
    tpu.barrier barrier_id(%barrier3A)
    %scan3A_21 = arith.constant 0 : i32
    %scan3A_22 = arith.constant 0 : i32
    %scan3A_23 = arith.constant 100 : i32
    %scan3A_24 = arith.addi %scan3A_22, %scan3A_23 : i32
    %scan3A_25 = arith.constant 1 : i32
    scf.for %scan3A_65 = %scan3A_22 to %scan3A_24 step %scan3A_25  : i32 {
      %mul3A_66 = arith.constant 20000 : i32
      %mul3A_67 = arith.muli %arg1, %mul3A_66 : i32
      %mul3A_68 = arith.constant 200 : i32
      %mul3A_69 = arith.muli %scan3A_65, %mul3A_68 : i32
      %add3A_70 = arith.addi %mul3A_67, %mul3A_69 : i32
      %mul3A_71 = arith.constant 320000 : i32
      %mul3A_72 = arith.muli %arg0, %mul3A_71 : i32
      %add3A_73 = arith.addi %mul3A_72, %add3A_70 : i32
      "tpu.region"() ({
        %run_scoped3A = tpu.sem_alloc : memref<!tpu.dma_semaphore, #tpu.memory_space<semaphore_mem>>
        %dma_start3A_84 = tpu.memref_slice %arg2[%add3A_73] : memref<640000xi32, #tpu.memory_space<hbm>> -> memref<200xi32, #tpu.memory_space<hbm>>
        %dma_start3A_85 = tpu.memref_slice %arg2[%add3A_73] : memref<640000xi32, #tpu.memory_space<hbm>> -> memref<200xi32, #tpu.memory_space<hbm>>
        tpu.enqueue_dma source(%dma_start3A_85 : memref<200xi32, #tpu.memory_space<hbm>>) target(%arg7 : memref<200xi32, #tpu.memory_space<vmem>>) target_semaphore(%run_scoped3A : memref<!tpu.dma_semaphore, #tpu.memory_space<semaphore_mem>>)
        %dma_wait3A_86 = tpu.memref_slice %arg2[%add3A_73] : memref<640000xi32, #tpu.memory_space<hbm>> -> memref<200xi32, #tpu.memory_space<hbm>>
        %dma_wait3A_87 = tpu.memref_slice %arg2[%add3A_73] : memref<640000xi32, #tpu.memory_space<hbm>> -> memref<200xi32, #tpu.memory_space<hbm>>
        tpu.wait_dma2 semaphore(%run_scoped3A : memref<!tpu.dma_semaphore, #tpu.memory_space<semaphore_mem>>) src(%dma_wait3A_87 : memref<200xi32, #tpu.memory_space<hbm>>) dst(%arg7 : memref<200xi32, #tpu.memory_space<vmem>>)
        tpu.yield
      }) : () -> ()
      "tpu.region"() ({
        %run_scoped3A = tpu.sem_alloc : memref<!tpu.dma_semaphore, #tpu.memory_space<semaphore_mem>>
        %dma_start3A_84 = tpu.memref_slice %arg3[%add3A_70] : memref<320000xi32, #tpu.memory_space<hbm>> -> memref<200xi32, #tpu.memory_space<hbm>>
        %dma_start3A_85 = tpu.memref_slice %arg3[%add3A_70] : memref<320000xi32, #tpu.memory_space<hbm>> -> memref<200xi32, #tpu.memory_space<hbm>>
        tpu.enqueue_dma source(%dma_start3A_85 : memref<200xi32, #tpu.memory_space<hbm>>) target(%arg8 : memref<200xi32, #tpu.memory_space<vmem>>) target_semaphore(%run_scoped3A : memref<!tpu.dma_semaphore, #tpu.memory_space<semaphore_mem>>)
        %dma_wait3A_86 = tpu.memref_slice %arg3[%add3A_70] : memref<320000xi32, #tpu.memory_space<hbm>> -> memref<200xi32, #tpu.memory_space<hbm>>
        %dma_wait3A_87 = tpu.memref_slice %arg3[%add3A_70] : memref<320000xi32, #tpu.memory_space<hbm>> -> memref<200xi32, #tpu.memory_space<hbm>>
        tpu.wait_dma2 semaphore(%run_scoped3A : memref<!tpu.dma_semaphore, #tpu.memory_space<semaphore_mem>>) src(%dma_wait3A_87 : memref<200xi32, #tpu.memory_space<hbm>>) dst(%arg8 : memref<200xi32, #tpu.memory_space<vmem>>)
        tpu.yield
      }) : () -> ()
      "tpu.region"() ({
        %run_scoped3A = tpu.sem_alloc : memref<!tpu.dma_semaphore, #tpu.memory_space<semaphore_mem>>
        %dma_start3A_84 = arith.constant 0 : i32
        %dma_start3A_85 = tpu.memref_slice %arg4[%add3A_70, %dma_start3A_84] : memref<320000x16xf32, #tpu.memory_space<hbm>> -> memref<200x16xf32, #tpu.memory_space<hbm>>
        %dma_start3A_86 = arith.constant 0 : i32
        %dma_start3A_87 = tpu.memref_slice %arg4[%add3A_70, %dma_start3A_86] : memref<320000x16xf32, #tpu.memory_space<hbm>> -> memref<200x16xf32, #tpu.memory_space<hbm>>
        tpu.enqueue_dma source(%dma_start3A_87 : memref<200x16xf32, #tpu.memory_space<hbm>>) target(%arg9 : memref<200x16xf32, #tpu.memory_space<vmem>>) target_semaphore(%run_scoped3A : memref<!tpu.dma_semaphore, #tpu.memory_space<semaphore_mem>>)
        %dma_wait3A_88 = arith.constant 0 : i32
        %dma_wait3A_89 = tpu.memref_slice %arg4[%add3A_70, %dma_wait3A_88] : memref<320000x16xf32, #tpu.memory_space<hbm>> -> memref<200x16xf32, #tpu.memory_space<hbm>>
        %dma_wait3A_90 = arith.constant 0 : i32
        %dma_wait3A_91 = tpu.memref_slice %arg4[%add3A_70, %dma_wait3A_90] : memref<320000x16xf32, #tpu.memory_space<hbm>> -> memref<200x16xf32, #tpu.memory_space<hbm>>
        tpu.wait_dma2 semaphore(%run_scoped3A : memref<!tpu.dma_semaphore, #tpu.memory_space<semaphore_mem>>) src(%dma_wait3A_91 : memref<200x16xf32, #tpu.memory_space<hbm>>) dst(%arg9 : memref<200x16xf32, #tpu.memory_space<vmem>>)
        tpu.yield
      }) : () -> ()
      %dma_start3A = arith.constant 0 : i32
      %dma_start3A_74 = arith.constant 0 : i32
      %dma_start3A_75 = tpu.memref_slice %arg5[%dma_start3A, %dma_start3A_74] : memref<20000x128xf32, #tpu.memory_space<hbm>> -> memref<20000x128xf32, #tpu.memory_space<hbm>>
      tpu.enqueue_indirect_dma source(%dma_start3A_75 : memref<20000x128xf32, #tpu.memory_space<hbm>>) target(%arg10 : memref<200x128xf32, #tpu.memory_space<vmem>>) offsets(%arg7 : memref<200xi32, #tpu.memory_space<vmem>>) semaphore(%arg12 : memref<!tpu.dma_semaphore, #tpu.memory_space<semaphore_mem>>)
      %dma_wait3A = arith.constant 0 : i32
      %dma_wait3A_76 = arith.constant 0 : i32
      %dma_wait3A_77 = tpu.memref_slice %arg5[%dma_wait3A, %dma_wait3A_76] : memref<20000x128xf32, #tpu.memory_space<hbm>> -> memref<20000x128xf32, #tpu.memory_space<hbm>>
      tpu.wait_indirect_dma semaphore(%arg12 : memref<!tpu.dma_semaphore, #tpu.memory_space<semaphore_mem>>) src(%dma_wait3A_77 : memref<20000x128xf32, #tpu.memory_space<hbm>>) dst(%arg10 : memref<200x128xf32, #tpu.memory_space<vmem>>)
      %scan3A_78 = arith.constant 0 : i32
      %scan3A_79 = arith.constant 0 : i32
      %scan3A_80 = arith.constant 200 : i32
      %scan3A_81 = arith.addi %scan3A_79, %scan3A_80 : i32
      %scan3A_82 = arith.constant 1 : i32
      scf.for %scan3A_84 = %scan3A_79 to %scan3A_81 step %scan3A_82  : i32 {
        %mul3A_85 = arith.constant 2 : i32
        %mul3A_86 = arith.muli %mul3A_85, %arg0 : i32
        %add3A_87 = arith.constant 0 : i32
        %add3A_88 = arith.addi %mul3A_86, %add3A_87 : i32
        %broadcast_in_dim3A = vector.broadcast %scan3A_84 : i32 to vector<16xi32>
        %broadcast_in_dim3A_89 = vector.broadcast %add3A_88 : i32 to vector<16xi32>
        %gather3A = tpu.vector_load_idx %arg9[%broadcast_in_dim3A, %broadcast_in_dim3A_89] : memref<200x16xf32, #tpu.memory_space<vmem>>[vector<16xi32>, vector<16xi32>], vector<16xf32>,
        %get3A = arith.index_cast %scan3A_84 : i32 to index
        %get3A_90 = arith.constant 0 : index
        %get3A_91 = tpu.vector_load %arg10[%get3A, %get3A_90] {strides = array<i32>} : memref<200x128xf32, #tpu.memory_space<vmem>>, vector<16xf32>,
        %mul3A_92 = arith.mulf %get3A_91, %gather3A : vector<16xf32>
        %swap3A = arith.index_cast %scan3A_84 : i32 to index
        %swap3A_93 = arith.constant 0 : index
        %swap3A_94 = tpu.vector_load %arg10[%swap3A, %swap3A_93] {strides = array<i32>} : memref<200x128xf32, #tpu.memory_space<vmem>>, vector<16xf32>,
        tpu.vector_store %arg10[%swap3A, %swap3A_93], %mul3A_92 {strides = array<i32>} : memref<200x128xf32, #tpu.memory_space<vmem>>, vector<16xf32>,
        %get3A_95 = arith.index_cast %scan3A_84 : i32 to index
        %get3A_96 = arith.constant 16 : index
        %get3A_97 = tpu.vector_load %arg10[%get3A_95, %get3A_96] {strides = array<i32>} : memref<200x128xf32, #tpu.memory_space<vmem>>, vector<16xf32>,
        %mul3A_98 = arith.mulf %get3A_97, %gather3A : vector<16xf32>
        %swap3A_99 = arith.index_cast %scan3A_84 : i32 to index
        %swap3A_100 = arith.constant 16 : index
        %swap3A_101 = tpu.vector_load %arg10[%swap3A_99, %swap3A_100] {strides = array<i32>} : memref<200x128xf32, #tpu.memory_space<vmem>>, vector<16xf32>,
        tpu.vector_store %arg10[%swap3A_99, %swap3A_100], %mul3A_98 {strides = array<i32>} : memref<200x128xf32, #tpu.memory_space<vmem>>, vector<16xf32>,
        %get3A_102 = arith.index_cast %scan3A_84 : i32 to index
        %get3A_103 = arith.constant 32 : index
        %get3A_104 = tpu.vector_load %arg10[%get3A_102, %get3A_103] {strides = array<i32>} : memref<200x128xf32, #tpu.memory_space<vmem>>, vector<16xf32>,
        %mul3A_105 = arith.mulf %get3A_104, %gather3A : vector<16xf32>
        %swap3A_106 = arith.index_cast %scan3A_84 : i32 to index
        %swap3A_107 = arith.constant 32 : index
        %swap3A_108 = tpu.vector_load %arg10[%swap3A_106, %swap3A_107] {strides = array<i32>} : memref<200x128xf32, #tpu.memory_space<vmem>>, vector<16xf32>,
        tpu.vector_store %arg10[%swap3A_106, %swap3A_107], %mul3A_105 {strides = array<i32>} : memref<200x128xf32, #tpu.memory_space<vmem>>, vector<16xf32>,
        %get3A_109 = arith.index_cast %scan3A_84 : i32 to index
        %get3A_110 = arith.constant 48 : index
        %get3A_111 = tpu.vector_load %arg10[%get3A_109, %get3A_110] {strides = array<i32>} : memref<200x128xf32, #tpu.memory_space<vmem>>, vector<16xf32>,
        %mul3A_112 = arith.mulf %get3A_111, %gather3A : vector<16xf32>
        %swap3A_113 = arith.index_cast %scan3A_84 : i32 to index
        %swap3A_114 = arith.constant 48 : index
        %swap3A_115 = tpu.vector_load %arg10[%swap3A_113, %swap3A_114] {strides = array<i32>} : memref<200x128xf32, #tpu.memory_space<vmem>>, vector<16xf32>,
        tpu.vector_store %arg10[%swap3A_113, %swap3A_114], %mul3A_112 {strides = array<i32>} : memref<200x128xf32, #tpu.memory_space<vmem>>, vector<16xf32>,
        %mul3A_116 = arith.constant 2 : i32
        %mul3A_117 = arith.muli %mul3A_116, %arg0 : i32
        %add3A_118 = arith.constant 1 : i32
        %add3A_119 = arith.addi %mul3A_117, %add3A_118 : i32
        %broadcast_in_dim3A_120 = vector.broadcast %scan3A_84 : i32 to vector<16xi32>
        %broadcast_in_dim3A_121 = vector.broadcast %add3A_119 : i32 to vector<16xi32>
        %gather3A_122 = tpu.vector_load_idx %arg9[%broadcast_in_dim3A_120, %broadcast_in_dim3A_121] : memref<200x16xf32, #tpu.memory_space<vmem>>[vector<16xi32>, vector<16xi32>], vector<16xf32>,
        %get3A_123 = arith.index_cast %scan3A_84 : i32 to index
        %get3A_124 = arith.constant 64 : index
        %get3A_125 = tpu.vector_load %arg10[%get3A_123, %get3A_124] {strides = array<i32>} : memref<200x128xf32, #tpu.memory_space<vmem>>, vector<16xf32>,
        %mul3A_126 = arith.mulf %get3A_125, %gather3A_122 : vector<16xf32>
        %swap3A_127 = arith.index_cast %scan3A_84 : i32 to index
        %swap3A_128 = arith.constant 64 : index
        %swap3A_129 = tpu.vector_load %arg10[%swap3A_127, %swap3A_128] {strides = array<i32>} : memref<200x128xf32, #tpu.memory_space<vmem>>, vector<16xf32>,
        tpu.vector_store %arg10[%swap3A_127, %swap3A_128], %mul3A_126 {strides = array<i32>} : memref<200x128xf32, #tpu.memory_space<vmem>>, vector<16xf32>,
        %get3A_130 = arith.index_cast %scan3A_84 : i32 to index
        %get3A_131 = arith.constant 80 : index
        %get3A_132 = tpu.vector_load %arg10[%get3A_130, %get3A_131] {strides = array<i32>} : memref<200x128xf32, #tpu.memory_space<vmem>>, vector<16xf32>,
        %mul3A_133 = arith.mulf %get3A_132, %gather3A_122 : vector<16xf32>
        %swap3A_134 = arith.index_cast %scan3A_84 : i32 to index
        %swap3A_135 = arith.constant 80 : index
        %swap3A_136 = tpu.vector_load %arg10[%swap3A_134, %swap3A_135] {strides = array<i32>} : memref<200x128xf32, #tpu.memory_space<vmem>>, vector<16xf32>,
        tpu.vector_store %arg10[%swap3A_134, %swap3A_135], %mul3A_133 {strides = array<i32>} : memref<200x128xf32, #tpu.memory_space<vmem>>, vector<16xf32>,
        %get3A_137 = arith.index_cast %scan3A_84 : i32 to index
        %get3A_138 = arith.constant 96 : index
        %get3A_139 = tpu.vector_load %arg10[%get3A_137, %get3A_138] {strides = array<i32>} : memref<200x128xf32, #tpu.memory_space<vmem>>, vector<16xf32>,
        %mul3A_140 = arith.mulf %get3A_139, %gather3A_122 : vector<16xf32>
        %swap3A_141 = arith.index_cast %scan3A_84 : i32 to index
        %swap3A_142 = arith.constant 96 : index
        %swap3A_143 = tpu.vector_load %arg10[%swap3A_141, %swap3A_142] {strides = array<i32>} : memref<200x128xf32, #tpu.memory_space<vmem>>, vector<16xf32>,
        tpu.vector_store %arg10[%swap3A_141, %swap3A_142], %mul3A_140 {strides = array<i32>} : memref<200x128xf32, #tpu.memory_space<vmem>>, vector<16xf32>,
        %get3A_144 = arith.index_cast %scan3A_84 : i32 to index
        %get3A_145 = arith.constant 112 : index
        %get3A_146 = tpu.vector_load %arg10[%get3A_144, %get3A_145] {strides = array<i32>} : memref<200x128xf32, #tpu.memory_space<vmem>>, vector<16xf32>,
        %mul3A_147 = arith.mulf %get3A_146, %gather3A_122 : vector<16xf32>
        %swap3A_148 = arith.index_cast %scan3A_84 : i32 to index
        %swap3A_149 = arith.constant 112 : index
        %swap3A_150 = tpu.vector_load %arg10[%swap3A_148, %swap3A_149] {strides = array<i32>} : memref<200x128xf32, #tpu.memory_space<vmem>>, vector<16xf32>,
        tpu.vector_store %arg10[%swap3A_148, %swap3A_149], %mul3A_147 {strides = array<i32>} : memref<200x128xf32, #tpu.memory_space<vmem>>, vector<16xf32>,
      }
      %scan3A_83 = arith.constant 200 : i32
      "tpu.region"() ({
        %run_scoped3A = tpu.sem_alloc : memref<!tpu.dma_semaphore, #tpu.memory_space<semaphore_mem>>
        %dma_start3A_84 = arith.constant 0 : i32
        %dma_start3A_85 = arith.constant 0 : i32
        %dma_start3A_86 = tpu.memref_slice %arg11[%dma_start3A_84, %dma_start3A_85] : memref<10000x128xf32, #tpu.memory_space<vmem_shared>> -> memref<10000x128xf32, #tpu.memory_space<vmem_shared>>
        tpu.enqueue_indirect_dma source(%arg10 : memref<200x128xf32, #tpu.memory_space<vmem>>) target(%dma_start3A_86 : memref<10000x128xf32, #tpu.memory_space<vmem_shared>>) offsets(%arg8 : memref<200xi32, #tpu.memory_space<vmem>>) semaphore(%run_scoped3A : memref<!tpu.dma_semaphore, #tpu.memory_space<semaphore_mem>>) {add = true}
        %dma_wait3A_87 = arith.constant 0 : i32
        %dma_wait3A_88 = arith.constant 0 : i32
        %dma_wait3A_89 = tpu.memref_slice %arg11[%dma_wait3A_87, %dma_wait3A_88] : memref<10000x128xf32, #tpu.memory_space<vmem_shared>> -> memref<10000x128xf32, #tpu.memory_space<vmem_shared>>
        tpu.wait_indirect_dma semaphore(%run_scoped3A : memref<!tpu.dma_semaphore, #tpu.memory_space<semaphore_mem>>) src(%arg10 : memref<200x128xf32, #tpu.memory_space<vmem>>) dst(%dma_wait3A_89 : memref<10000x128xf32, #tpu.memory_space<vmem_shared>>)
        tpu.yield
      }) : () -> ()
    }
    %scan3A_26 = arith.constant 100 : i32
    %barrier3A_27 = arith.constant 0 : index
    tpu.barrier barrier_id(%barrier3A_27)
    %mul3A_28 = arith.constant 624 : i32
    %mul3A_29 = arith.muli %arg1, %mul3A_28 : i32
    %add3A_30 = arith.constant 0 : i32
    %add3A_31 = arith.addi %mul3A_29, %add3A_30 : i32
    %mul3A_32 = arith.constant 624 : i32
    %mul3A_33 = arith.muli %arg1, %mul3A_32 : i32
    %add3A_34 = arith.constant 0 : i32
    %add3A_35 = arith.addi %mul3A_33, %add3A_34 : i32
    "tpu.region"() ({
      %run_scoped3A = tpu.sem_alloc : memref<!tpu.dma_semaphore, #tpu.memory_space<semaphore_mem>>
      %dma_start3A = arith.constant 0 : i32
      %dma_start3A_65 = tpu.memref_slice %arg6[%arg0, %add3A_35, %dma_start3A] : memref<2x10000x128xf32, #tpu.memory_space<hbm>> -> memref<1x200x128xf32, #tpu.memory_space<hbm>>
      %dma_start3A_66 = tpu.memref_squeeze %dma_start3A_65 : memref<1x200x128xf32, #tpu.memory_space<hbm>> -> memref<200x128xf32, #tpu.memory_space<hbm>>
      %dma_start3A_67 = arith.constant 0 : i32
      %dma_start3A_68 = tpu.memref_slice %arg11[%add3A_31, %dma_start3A_67] : memref<10000x128xf32, #tpu.memory_space<vmem_shared>> -> memref<200x128xf32, #tpu.memory_space<vmem_shared>>
      tpu.enqueue_dma source(%dma_start3A_68 : memref<200x128xf32, #tpu.memory_space<vmem_shared>>) target(%dma_start3A_66 : memref<200x128xf32, #tpu.memory_space<hbm>>) target_semaphore(%run_scoped3A : memref<!tpu.dma_semaphore, #tpu.memory_space<semaphore_mem>>)
      %dma_wait3A = arith.constant 0 : i32
      %dma_wait3A_69 = tpu.memref_slice %arg6[%arg0, %add3A_35, %dma_wait3A] : memref<2x10000x128xf32, #tpu.memory_space<hbm>> -> memref<1x200x128xf32, #tpu.memory_space<hbm>>
      %dma_wait3A_70 = tpu.memref_squeeze %dma_wait3A_69 : memref<1x200x128xf32, #tpu.memory_space<hbm>> -> memref<200x128xf32, #tpu.memory_space<hbm>>
      %dma_wait3A_71 = arith.constant 0 : i32
      %dma_wait3A_72 = tpu.memref_slice %arg11[%add3A_31, %dma_wait3A_71] : memref<10000x128xf32, #tpu.memory_space<vmem_shared>> -> memref<200x128xf32, #tpu.memory_space<vmem_shared>>
      tpu.wait_dma2 semaphore(%run_scoped3A : memref<!tpu.dma_semaphore, #tpu.memory_space<semaphore_mem>>) src(%dma_wait3A_72 : memref<200x128xf32, #tpu.memory_space<vmem_shared>>) dst(%dma_wait3A_70 : memref<200x128xf32, #tpu.memory_space<hbm>>)
      tpu.yield
    }) : () -> ()
    %mul3A_36 = arith.constant 624 : i32
    %mul3A_37 = arith.muli %arg1, %mul3A_36 : i32
    %add3A_38 = arith.constant 200 : i32
    %add3A_39 = arith.addi %mul3A_37, %add3A_38 : i32
    %mul3A_40 = arith.constant 624 : i32
    %mul3A_41 = arith.muli %arg1, %mul3A_40 : i32
    %add3A_42 = arith.constant 200 : i32
    %add3A_43 = arith.addi %mul3A_41, %add3A_42 : i32
    "tpu.region"() ({
      %run_scoped3A = tpu.sem_alloc : memref<!tpu.dma_semaphore, #tpu.memory_space<semaphore_mem>>
      %dma_start3A = arith.constant 0 : i32
      %dma_start3A_65 = tpu.memref_slice %arg6[%arg0, %add3A_43, %dma_start3A] : memref<2x10000x128xf32, #tpu.memory_space<hbm>> -> memref<1x200x128xf32, #tpu.memory_space<hbm>>
      %dma_start3A_66 = tpu.memref_squeeze %dma_start3A_65 : memref<1x200x128xf32, #tpu.memory_space<hbm>> -> memref<200x128xf32, #tpu.memory_space<hbm>>
      %dma_start3A_67 = arith.constant 0 : i32
      %dma_start3A_68 = tpu.memref_slice %arg11[%add3A_39, %dma_start3A_67] : memref<10000x128xf32, #tpu.memory_space<vmem_shared>> -> memref<200x128xf32, #tpu.memory_space<vmem_shared>>
      tpu.enqueue_dma source(%dma_start3A_68 : memref<200x128xf32, #tpu.memory_space<vmem_shared>>) target(%dma_start3A_66 : memref<200x128xf32, #tpu.memory_space<hbm>>) target_semaphore(%run_scoped3A : memref<!tpu.dma_semaphore, #tpu.memory_space<semaphore_mem>>)
      %dma_wait3A = arith.constant 0 : i32
      %dma_wait3A_69 = tpu.memref_slice %arg6[%arg0, %add3A_43, %dma_wait3A] : memref<2x10000x128xf32, #tpu.memory_space<hbm>> -> memref<1x200x128xf32, #tpu.memory_space<hbm>>
      %dma_wait3A_70 = tpu.memref_squeeze %dma_wait3A_69 : memref<1x200x128xf32, #tpu.memory_space<hbm>> -> memref<200x128xf32, #tpu.memory_space<hbm>>
      %dma_wait3A_71 = arith.constant 0 : i32
      %dma_wait3A_72 = tpu.memref_slice %arg11[%add3A_39, %dma_wait3A_71] : memref<10000x128xf32, #tpu.memory_space<vmem_shared>> -> memref<200x128xf32, #tpu.memory_space<vmem_shared>>
      tpu.wait_dma2 semaphore(%run_scoped3A : memref<!tpu.dma_semaphore, #tpu.memory_space<semaphore_mem>>) src(%dma_wait3A_72 : memref<200x128xf32, #tpu.memory_space<vmem_shared>>) dst(%dma_wait3A_70 : memref<200x128xf32, #tpu.memory_space<hbm>>)
      tpu.yield
    }) : () -> ()
    %mul3A_44 = arith.constant 624 : i32
    %mul3A_45 = arith.muli %arg1, %mul3A_44 : i32
    %add3A_46 = arith.constant 400 : i32
    %add3A_47 = arith.addi %mul3A_45, %add3A_46 : i32
    %mul3A_48 = arith.constant 624 : i32
    %mul3A_49 = arith.muli %arg1, %mul3A_48 : i32
    %add3A_50 = arith.constant 400 : i32
    %add3A_51 = arith.addi %mul3A_49, %add3A_50 : i32
    "tpu.region"() ({
      %run_scoped3A = tpu.sem_alloc : memref<!tpu.dma_semaphore, #tpu.memory_space<semaphore_mem>>
      %dma_start3A = arith.constant 0 : i32
      %dma_start3A_65 = tpu.memref_slice %arg6[%arg0, %add3A_51, %dma_start3A] : memref<2x10000x128xf32, #tpu.memory_space<hbm>> -> memref<1x200x128xf32, #tpu.memory_space<hbm>>
      %dma_start3A_66 = tpu.memref_squeeze %dma_start3A_65 : memref<1x200x128xf32, #tpu.memory_space<hbm>> -> memref<200x128xf32, #tpu.memory_space<hbm>>
      %dma_start3A_67 = arith.constant 0 : i32
      %dma_start3A_68 = tpu.memref_slice %arg11[%add3A_47, %dma_start3A_67] : memref<10000x128xf32, #tpu.memory_space<vmem_shared>> -> memref<200x128xf32, #tpu.memory_space<vmem_shared>>
      tpu.enqueue_dma source(%dma_start3A_68 : memref<200x128xf32, #tpu.memory_space<vmem_shared>>) target(%dma_start3A_66 : memref<200x128xf32, #tpu.memory_space<hbm>>) target_semaphore(%run_scoped3A : memref<!tpu.dma_semaphore, #tpu.memory_space<semaphore_mem>>)
      %dma_wait3A = arith.constant 0 : i32
      %dma_wait3A_69 = tpu.memref_slice %arg6[%arg0, %add3A_51, %dma_wait3A] : memref<2x10000x128xf32, #tpu.memory_space<hbm>> -> memref<1x200x128xf32, #tpu.memory_space<hbm>>
      %dma_wait3A_70 = tpu.memref_squeeze %dma_wait3A_69 : memref<1x200x128xf32, #tpu.memory_space<hbm>> -> memref<200x128xf32, #tpu.memory_space<hbm>>
      %dma_wait3A_71 = arith.constant 0 : i32
      %dma_wait3A_72 = tpu.memref_slice %arg11[%add3A_47, %dma_wait3A_71] : memref<10000x128xf32, #tpu.memory_space<vmem_shared>> -> memref<200x128xf32, #tpu.memory_space<vmem_shared>>
      tpu.wait_dma2 semaphore(%run_scoped3A : memref<!tpu.dma_semaphore, #tpu.memory_space<semaphore_mem>>) src(%dma_wait3A_72 : memref<200x128xf32, #tpu.memory_space<vmem_shared>>) dst(%dma_wait3A_70 : memref<200x128xf32, #tpu.memory_space<hbm>>)
      tpu.yield
    }) : () -> ()
    %mul3A_52 = arith.constant 624 : i32
    %mul3A_53 = arith.muli %arg1, %mul3A_52 : i32
    %add3A_54 = arith.constant 600 : i32
    %add3A_55 = arith.addi %mul3A_53, %add3A_54 : i32
    %mul3A_56 = arith.constant 624 : i32
    %mul3A_57 = arith.muli %arg1, %mul3A_56 : i32
    %add3A_58 = arith.constant 600 : i32
    %add3A_59 = arith.addi %mul3A_57, %add3A_58 : i32
    "tpu.region"() ({
      %run_scoped3A = tpu.sem_alloc : memref<!tpu.dma_semaphore, #tpu.memory_space<semaphore_mem>>
      %dma_start3A = arith.constant 0 : i32
      %dma_start3A_65 = tpu.memref_slice %arg6[%arg0, %add3A_59, %dma_start3A] : memref<2x10000x128xf32, #tpu.memory_space<hbm>> -> memref<1x24x128xf32, #tpu.memory_space<hbm>>
      %dma_start3A_66 = tpu.memref_squeeze %dma_start3A_65 : memref<1x24x128xf32, #tpu.memory_space<hbm>> -> memref<24x128xf32, #tpu.memory_space<hbm>>
      %dma_start3A_67 = arith.constant 0 : i32
      %dma_start3A_68 = tpu.memref_slice %arg11[%add3A_55, %dma_start3A_67] : memref<10000x128xf32, #tpu.memory_space<vmem_shared>> -> memref<24x128xf32, #tpu.memory_space<vmem_shared>>
      tpu.enqueue_dma source(%dma_start3A_68 : memref<24x128xf32, #tpu.memory_space<vmem_shared>>) target(%dma_start3A_66 : memref<24x128xf32, #tpu.memory_space<hbm>>) target_semaphore(%run_scoped3A : memref<!tpu.dma_semaphore, #tpu.memory_space<semaphore_mem>>)
      %dma_wait3A = arith.constant 0 : i32
      %dma_wait3A_69 = tpu.memref_slice %arg6[%arg0, %add3A_59, %dma_wait3A] : memref<2x10000x128xf32, #tpu.memory_space<hbm>> -> memref<1x24x128xf32, #tpu.memory_space<hbm>>
      %dma_wait3A_70 = tpu.memref_squeeze %dma_wait3A_69 : memref<1x24x128xf32, #tpu.memory_space<hbm>> -> memref<24x128xf32, #tpu.memory_space<hbm>>
      %dma_wait3A_71 = arith.constant 0 : i32
      %dma_wait3A_72 = tpu.memref_slice %arg11[%add3A_55, %dma_wait3A_71] : memref<10000x128xf32, #tpu.memory_space<vmem_shared>> -> memref<24x128xf32, #tpu.memory_space<vmem_shared>>
      tpu.wait_dma2 semaphore(%run_scoped3A : memref<!tpu.dma_semaphore, #tpu.memory_space<semaphore_mem>>) src(%dma_wait3A_72 : memref<24x128xf32, #tpu.memory_space<vmem_shared>>) dst(%dma_wait3A_70 : memref<24x128xf32, #tpu.memory_space<hbm>>)
      tpu.yield
    }) : () -> ()
    %eq3A_60 = arith.constant 0 : i32
    %eq3A_61 = arith.cmpi eq, %arg1, %eq3A_60 : i32
    %convert_element_type3A_62 = arith.extui %eq3A_61 : i1 to i32
    %cond3A_63 = arith.constant 0 : i32
    %cond3A_64 = arith.cmpi ne, %convert_element_type3A_62, %cond3A_63 : i32
    scf.if %cond3A_64 {
      "tpu.region"() ({
        %run_scoped3A = tpu.sem_alloc : memref<!tpu.dma_semaphore, #tpu.memory_space<semaphore_mem>>
        %dma_start3A = arith.constant 9984 : i32
        %dma_start3A_65 = arith.constant 0 : i32
        %dma_start3A_66 = tpu.memref_slice %arg6[%arg0, %dma_start3A, %dma_start3A_65] : memref<2x10000x128xf32, #tpu.memory_space<hbm>> -> memref<1x16x128xf32, #tpu.memory_space<hbm>>
        %dma_start3A_67 = tpu.memref_squeeze %dma_start3A_66 : memref<1x16x128xf32, #tpu.memory_space<hbm>> -> memref<16x128xf32, #tpu.memory_space<hbm>>
        %dma_start3A_68 = arith.constant 9984 : i32
        %dma_start3A_69 = arith.constant 0 : i32
        %dma_start3A_70 = tpu.memref_slice %arg11[%dma_start3A_68, %dma_start3A_69] : memref<10000x128xf32, #tpu.memory_space<vmem_shared>> -> memref<16x128xf32, #tpu.memory_space<vmem_shared>>
        tpu.enqueue_dma source(%dma_start3A_70 : memref<16x128xf32, #tpu.memory_space<vmem_shared>>) target(%dma_start3A_67 : memref<16x128xf32, #tpu.memory_space<hbm>>) target_semaphore(%run_scoped3A : memref<!tpu.dma_semaphore, #tpu.memory_space<semaphore_mem>>)
        %dma_wait3A = arith.constant 9984 : i32
        %dma_wait3A_71 = arith.constant 0 : i32
        %dma_wait3A_72 = tpu.memref_slice %arg6[%arg0, %dma_wait3A, %dma_wait3A_71] : memref<2x10000x128xf32, #tpu.memory_space<hbm>> -> memref<1x16x128xf32, #tpu.memory_space<hbm>>
        %dma_wait3A_73 = tpu.memref_squeeze %dma_wait3A_72 : memref<1x16x128xf32, #tpu.memory_space<hbm>> -> memref<16x128xf32, #tpu.memory_space<hbm>>
        %dma_wait3A_74 = arith.constant 9984 : i32
        %dma_wait3A_75 = arith.constant 0 : i32
        %dma_wait3A_76 = tpu.memref_slice %arg11[%dma_wait3A_74, %dma_wait3A_75] : memref<10000x128xf32, #tpu.memory_space<vmem_shared>> -> memref<16x128xf32, #tpu.memory_space<vmem_shared>>
        tpu.wait_dma2 semaphore(%run_scoped3A : memref<!tpu.dma_semaphore, #tpu.memory_space<semaphore_mem>>) src(%dma_wait3A_76 : memref<16x128xf32, #tpu.memory_space<vmem_shared>>) dst(%dma_wait3A_73 : memref<16x128xf32, #tpu.memory_space<hbm>>)
        tpu.yield
      }) : () -> ()
    } else {
    }
    return
  }
}

module attributes {stable_mosaic.version = 14 : i64} {
  func.func @_tc1_body(%arg0: i32, %arg1: memref<400x128xf32, #tpu.memory_space<vmem>>, %arg2: memref<128x256xf32, #tpu.memory_space<vmem>>, %arg3: memref<256x16xf32, #tpu.memory_space<vmem>>, %arg4: memref<256x16xf32, #tpu.memory_space<vmem>>, %arg5: memref<2x400x128xf32, #tpu.memory_space<vmem>>, %arg6: memref<400x16xf32, #tpu.memory_space<vmem>>, %arg7: memref<400x16xf32, #tpu.memory_space<vmem>>) attributes {dimension_semantics = [#tpu.dimension_semantics<arbitrary>], iteration_bounds = array<i64: 25>, scalar_prefetch = 0 : i64, scratch_operands = 0 : i64, tpu.core_type = #tpu.core_type<tc>, window_params = [{transform_indices = @transform_0, window_bounds = array<i64: 400, 128>}, {pipeline_mode = #tpu.pipeline_mode<synchronous>, transform_indices = @transform_1, window_bounds = array<i64: 128, 256>}, {pipeline_mode = #tpu.pipeline_mode<synchronous>, transform_indices = @transform_2, window_bounds = array<i64: 256, 16>}, {pipeline_mode = #tpu.pipeline_mode<synchronous>, transform_indices = @transform_3, window_bounds = array<i64: 256, 16>}, {transform_indices = @transform_4, window_bounds = array<i64: 2, 400, 128>}, {transform_indices = @transform_5, window_bounds = array<i64: 400, 16>}, {transform_indices = @transform_6, window_bounds = array<i64: 400, 16>}]} {
    %get3A = arith.constant 0 : index
    %get3A_0 = arith.constant 0 : index
    %get3A_1 = vector.load %arg1[%get3A, %get3A_0] : memref<400x128xf32, #tpu.memory_space<vmem>>, vector<400x128xf32>
    %get3A_2 = arith.constant 0 : index
    %get3A_3 = arith.constant 0 : index
    %get3A_4 = vector.load %arg2[%get3A_2, %get3A_3] : memref<128x256xf32, #tpu.memory_space<vmem>>, vector<128x256xf32>
    %dot_general3A = arith.constant dense<0.000000e+00> : vector<400x256xf32>
    %dot_general3A_5 = tpu.matmul %get3A_1, %get3A_4, %dot_general3A {dimension_numbers = #tpu.dot_dimension_numbers<[1], [0], [0], [1], [0, 0, 1, 1], [], []>, transpose_lhs_hint = false} : vector<400x128xf32>, vector<128x256xf32>, vector<400x256xf32> -> vector<400x256xf32>
    %slice3A = vector.extract_strided_slice %dot_general3A_5 {offsets = [0, 0], sizes = [400, 128], strides = [1, 1]} : vector<400x256xf32> to vector<400x128xf32>
    %swap3A = arith.constant 0 : index
    %swap3A_6 = arith.constant 0 : index
    %swap3A_7 = arith.constant 0 : index
    %swap3A_8 = vector.load %arg5[%swap3A, %swap3A_6, %swap3A_7] : memref<2x400x128xf32, #tpu.memory_space<vmem>>, vector<1x400x128xf32>
    %swap3A_9 = vector.shape_cast %swap3A_8 : vector<1x400x128xf32> to vector<400x128xf32>
    %swap3A_10 = vector.shape_cast %slice3A : vector<400x128xf32> to vector<1x400x128xf32>
    tpu.vector_store %arg5[%swap3A, %swap3A_6, %swap3A_7], %swap3A_10 {strides = array<i32>} : memref<2x400x128xf32, #tpu.memory_space<vmem>>, vector<1x400x128xf32>,
    %slice3A_11 = vector.extract_strided_slice %dot_general3A_5 {offsets = [0, 128], sizes = [400, 128], strides = [1, 1]} : vector<400x256xf32> to vector<400x128xf32>
    %swap3A_12 = arith.constant 1 : index
    %swap3A_13 = arith.constant 0 : index
    %swap3A_14 = arith.constant 0 : index
    %swap3A_15 = vector.load %arg5[%swap3A_12, %swap3A_13, %swap3A_14] : memref<2x400x128xf32, #tpu.memory_space<vmem>>, vector<1x400x128xf32>
    %swap3A_16 = vector.shape_cast %swap3A_15 : vector<1x400x128xf32> to vector<400x128xf32>
    %swap3A_17 = vector.shape_cast %slice3A_11 : vector<400x128xf32> to vector<1x400x128xf32>
    tpu.vector_store %arg5[%swap3A_12, %swap3A_13, %swap3A_14], %swap3A_17 {strides = array<i32>} : memref<2x400x128xf32, #tpu.memory_space<vmem>>, vector<1x400x128xf32>,
    %get3A_18 = arith.constant 0 : index
    %get3A_19 = arith.constant 0 : index
    %get3A_20 = vector.load %arg3[%get3A_18, %get3A_19] : memref<256x16xf32, #tpu.memory_space<vmem>>, vector<256x16xf32>
    %dot_general3A_21 = arith.constant dense<0.000000e+00> : vector<400x16xf32>
    %dot_general3A_22 = tpu.matmul %dot_general3A_5, %get3A_20, %dot_general3A_21 {dimension_numbers = #tpu.dot_dimension_numbers<[1], [0], [0], [1], [0, 0, 1, 1], [], []>, transpose_lhs_hint = false} : vector<400x256xf32>, vector<256x16xf32>, vector<400x16xf32> -> vector<400x16xf32>
    %swap3A_23 = arith.constant 0 : index
    %swap3A_24 = arith.constant 0 : index
    %swap3A_25 = vector.load %arg6[%swap3A_23, %swap3A_24] : memref<400x16xf32, #tpu.memory_space<vmem>>, vector<400x16xf32>
    tpu.vector_store %arg6[%swap3A_23, %swap3A_24], %dot_general3A_22 {strides = array<i32>} : memref<400x16xf32, #tpu.memory_space<vmem>>, vector<400x16xf32>,
    %get3A_26 = arith.constant 0 : index
    %get3A_27 = arith.constant 0 : index
    %get3A_28 = vector.load %arg4[%get3A_26, %get3A_27] : memref<256x16xf32, #tpu.memory_space<vmem>>, vector<256x16xf32>
    %dot_general3A_29 = arith.constant dense<0.000000e+00> : vector<400x16xf32>
    %dot_general3A_30 = tpu.matmul %dot_general3A_5, %get3A_28, %dot_general3A_29 {dimension_numbers = #tpu.dot_dimension_numbers<[1], [0], [0], [1], [0, 0, 1, 1], [], []>, transpose_lhs_hint = false} : vector<400x256xf32>, vector<256x16xf32>, vector<400x16xf32> -> vector<400x16xf32>
    %swap3A_31 = arith.constant 0 : index
    %swap3A_32 = arith.constant 0 : index
    %swap3A_33 = vector.load %arg7[%swap3A_31, %swap3A_32] : memref<400x16xf32, #tpu.memory_space<vmem>>, vector<400x16xf32>
    tpu.vector_store %arg7[%swap3A_31, %swap3A_32], %dot_general3A_30 {strides = array<i32>} : memref<400x16xf32, #tpu.memory_space<vmem>>, vector<400x16xf32>,
    return
  }
  func.func @transform_0(%arg0: i32) -> (i32, i32) {
    %c0_i32 = arith.constant 0 : i32
    %c0_i32_0 = arith.constant 0 : i32
    return %arg0, %c0_i32 : i32, i32
  }
  func.func @transform_1(%arg0: i32) -> (i32, i32) {
    %c0_i32 = arith.constant 0 : i32
    %c0_i32_0 = arith.constant 0 : i32
    %c0_i32_1 = arith.constant 0 : i32
    return %c0_i32, %c0_i32_0 : i32, i32
  }
  func.func @transform_2(%arg0: i32) -> (i32, i32) {
    %c0_i32 = arith.constant 0 : i32
    %c0_i32_0 = arith.constant 0 : i32
    %c0_i32_1 = arith.constant 0 : i32
    return %c0_i32, %c0_i32_0 : i32, i32
  }
  func.func @transform_3(%arg0: i32) -> (i32, i32) {
    %c0_i32 = arith.constant 0 : i32
    %c0_i32_0 = arith.constant 0 : i32
    %c0_i32_1 = arith.constant 0 : i32
    return %c0_i32, %c0_i32_0 : i32, i32
  }
  func.func @transform_4(%arg0: i32) -> (i32, i32, i32) {
    %c0_i32 = arith.constant 0 : i32
    %c0_i32_0 = arith.constant 0 : i32
    %c0_i32_1 = arith.constant 0 : i32
    return %c0_i32, %arg0, %c0_i32_0 : i32, i32, i32
  }
  func.func @transform_5(%arg0: i32) -> (i32, i32) {
    %c0_i32 = arith.constant 0 : i32
    %c0_i32_0 = arith.constant 0 : i32
    return %arg0, %c0_i32 : i32, i32
  }
  func.func @transform_6(%arg0: i32) -> (i32, i32) {
    %c0_i32 = arith.constant 0 : i32
    %c0_i32_0 = arith.constant 0 : i32
    return %arg0, %c0_i32 : i32, i32
  }
}

module attributes {stable_mosaic.version = 14 : i64} {
  func.func @_tc2_body(%arg0: i32, %arg1: memref<2x400x128xf32, #tpu.memory_space<vmem>>, %arg2: memref<2x400x128xf32, #tpu.memory_space<vmem>>, %arg3: memref<2x400x16xf32, #tpu.memory_space<vmem>>, %arg4: memref<400x16xf32, #tpu.memory_space<vmem>>, %arg5: memref<400x16xf32, #tpu.memory_space<vmem>>, %arg6: memref<256x64xf32, #tpu.memory_space<vmem>>, %arg7: memref<1x256xf32, #tpu.memory_space<vmem>>, %arg8: memref<400x64xf32, #tpu.memory_space<vmem>>, %arg9: memref<400x8xf32, #tpu.memory_space<vmem>>) attributes {dimension_semantics = [#tpu.dimension_semantics<arbitrary>], iteration_bounds = array<i64: 25>, scalar_prefetch = 0 : i64, scratch_operands = 0 : i64, tpu.core_type = #tpu.core_type<tc>, window_params = [{transform_indices = @transform_0, window_bounds = array<i64: 2, 400, 128>}, {transform_indices = @transform_1, window_bounds = array<i64: 2, 400, 128>}, {transform_indices = @transform_2, window_bounds = array<i64: 2, 400, 16>}, {transform_indices = @transform_3, window_bounds = array<i64: 400, 16>}, {transform_indices = @transform_4, window_bounds = array<i64: 400, 16>}, {pipeline_mode = #tpu.pipeline_mode<synchronous>, transform_indices = @transform_5, window_bounds = array<i64: 256, 64>}, {pipeline_mode = #tpu.pipeline_mode<synchronous>, transform_indices = @transform_6, window_bounds = array<i64: 1, 256>}, {transform_indices = @transform_7, window_bounds = array<i64: 400, 64>}, {transform_indices = @transform_8, window_bounds = array<i64: 400, 8>}]} {
    %get3A = arith.constant 0 : index
    %get3A_0 = arith.constant 0 : index
    %get3A_1 = arith.constant 0 : index
    %get3A_2 = vector.load %arg3[%get3A, %get3A_0, %get3A_1] : memref<2x400x16xf32, #tpu.memory_space<vmem>>, vector<1x400x16xf32>
    %get3A_3 = vector.shape_cast %get3A_2 : vector<1x400x16xf32> to vector<400x16xf32>
    %get3A_4 = arith.constant 1 : index
    %get3A_5 = arith.constant 0 : index
    %get3A_6 = arith.constant 0 : index
    %get3A_7 = vector.load %arg3[%get3A_4, %get3A_5, %get3A_6] : memref<2x400x16xf32, #tpu.memory_space<vmem>>, vector<1x400x16xf32>
    %get3A_8 = vector.shape_cast %get3A_7 : vector<1x400x16xf32> to vector<400x16xf32>
    %add3A = arith.addf %get3A_3, %get3A_8 : vector<400x16xf32>
    %get3A_9 = arith.constant 0 : index
    %get3A_10 = arith.constant 0 : index
    %get3A_11 = vector.load %arg4[%get3A_9, %get3A_10] : memref<400x16xf32, #tpu.memory_space<vmem>>, vector<400x16xf32>
    %get3A_12 = arith.constant 0 : index
    %get3A_13 = arith.constant 0 : index
    %get3A_14 = vector.load %arg5[%get3A_12, %get3A_13] : memref<400x16xf32, #tpu.memory_space<vmem>>, vector<400x16xf32>
    %add3A_15 = arith.addf %get3A_11, %get3A_14 : vector<400x16xf32>
    %gt3A = arith.constant 0.000000e+00 : f32
    %gt3A_16 = vector.broadcast %gt3A : f32 to vector<400x16xf32>
    %gt3A_17 = arith.cmpf ogt, %add3A_15, %gt3A_16 : vector<400x16xf32>
    %mul3A = arith.constant 2.000000e-01 : f32
    %mul3A_18 = vector.broadcast %mul3A : f32 to vector<400x16xf32>
    %mul3A_19 = arith.mulf %mul3A_18, %add3A_15 : vector<400x16xf32>
    %select_n3A = arith.select %gt3A_17, %add3A_15, %mul3A_19 : vector<400x16xi1>, vector<400x16xf32>
    %exp3A = math.exp %select_n3A : vector<400x16xf32>
    %add3A_20 = arith.addf %add3A, %exp3A : vector<400x16xf32>
    %add3A_21 = arith.constant 1.000000e-16 : f32
    %add3A_22 = vector.broadcast %add3A_21 : f32 to vector<400x16xf32>
    %add3A_23 = arith.addf %add3A_20, %add3A_22 : vector<400x16xf32>
    %div3A = arith.constant 1.000000e+00 : f32
    %div3A_24 = vector.broadcast %div3A : f32 to vector<400x16xf32>
    %div3A_25 = arith.divf %div3A_24, %add3A_23 : vector<400x16xf32>
    %slice3A = vector.extract_strided_slice %add3A_20 {offsets = [0, 4], sizes = [400, 1], strides = [1, 1]} : vector<400x16xf32> to vector<400x1xf32>
    %rsqrt3A = math.rsqrt %slice3A : vector<400x1xf32>
    %get3A_26 = arith.constant 0 : index
    %get3A_27 = arith.constant 0 : index
    %get3A_28 = arith.constant 0 : index
    %get3A_29 = vector.load %arg2[%get3A_26, %get3A_27, %get3A_28] : memref<2x400x128xf32, #tpu.memory_space<vmem>>, vector<1x400x128xf32>
    %get3A_30 = vector.shape_cast %get3A_29 : vector<1x400x128xf32> to vector<400x128xf32>
    %slice3A_31 = vector.extract_strided_slice %get3A_30 {offsets = [0, 0], sizes = [400, 64], strides = [1, 1]} : vector<400x128xf32> to vector<400x64xf32>
    %get3A_32 = arith.constant 0 : index
    %get3A_33 = arith.constant 0 : index
    %get3A_34 = arith.constant 0 : index
    %get3A_35 = vector.load %arg1[%get3A_32, %get3A_33, %get3A_34] : memref<2x400x128xf32, #tpu.memory_space<vmem>>, vector<1x400x128xf32>
    %get3A_36 = vector.shape_cast %get3A_35 : vector<1x400x128xf32> to vector<400x128xf32>
    %slice3A_37 = vector.extract_strided_slice %get3A_36 {offsets = [0, 0], sizes = [400, 64], strides = [1, 1]} : vector<400x128xf32> to vector<400x64xf32>
    %slice3A_38 = vector.extract_strided_slice %exp3A {offsets = [0, 0], sizes = [400, 1], strides = [1, 1]} : vector<400x16xf32> to vector<400x1xf32>
    %mul3A_39 = vector.broadcast %slice3A_38 : vector<400x1xf32> to vector<400x64xf32>
    %mul3A_40 = arith.mulf %slice3A_37, %mul3A_39 : vector<400x64xf32>
    %add3A_41 = arith.addf %slice3A_31, %mul3A_40 : vector<400x64xf32>
    %slice3A_42 = vector.extract_strided_slice %div3A_25 {offsets = [0, 0], sizes = [400, 1], strides = [1, 1]} : vector<400x16xf32> to vector<400x1xf32>
    %mul3A_43 = vector.broadcast %slice3A_42 : vector<400x1xf32> to vector<400x64xf32>
    %mul3A_44 = arith.mulf %add3A_41, %mul3A_43 : vector<400x64xf32>
    %get3A_45 = arith.constant 0 : index
    %get3A_46 = arith.constant 0 : index
    %get3A_47 = arith.constant 0 : index
    %get3A_48 = vector.load %arg2[%get3A_45, %get3A_46, %get3A_47] : memref<2x400x128xf32, #tpu.memory_space<vmem>>, vector<1x400x128xf32>
    %get3A_49 = vector.shape_cast %get3A_48 : vector<1x400x128xf32> to vector<400x128xf32>
    %slice3A_50 = vector.extract_strided_slice %get3A_49 {offsets = [0, 64], sizes = [400, 64], strides = [1, 1]} : vector<400x128xf32> to vector<400x64xf32>
    %get3A_51 = arith.constant 0 : index
    %get3A_52 = arith.constant 0 : index
    %get3A_53 = arith.constant 0 : index
    %get3A_54 = vector.load %arg1[%get3A_51, %get3A_52, %get3A_53] : memref<2x400x128xf32, #tpu.memory_space<vmem>>, vector<1x400x128xf32>
    %get3A_55 = vector.shape_cast %get3A_54 : vector<1x400x128xf32> to vector<400x128xf32>
    %slice3A_56 = vector.extract_strided_slice %get3A_55 {offsets = [0, 64], sizes = [400, 64], strides = [1, 1]} : vector<400x128xf32> to vector<400x64xf32>
    %slice3A_57 = vector.extract_strided_slice %exp3A {offsets = [0, 1], sizes = [400, 1], strides = [1, 1]} : vector<400x16xf32> to vector<400x1xf32>
    %mul3A_58 = vector.broadcast %slice3A_57 : vector<400x1xf32> to vector<400x64xf32>
    %mul3A_59 = arith.mulf %slice3A_56, %mul3A_58 : vector<400x64xf32>
    %add3A_60 = arith.addf %slice3A_50, %mul3A_59 : vector<400x64xf32>
    %slice3A_61 = vector.extract_strided_slice %div3A_25 {offsets = [0, 1], sizes = [400, 1], strides = [1, 1]} : vector<400x16xf32> to vector<400x1xf32>
    %mul3A_62 = vector.broadcast %slice3A_61 : vector<400x1xf32> to vector<400x64xf32>
    %mul3A_63 = arith.mulf %add3A_60, %mul3A_62 : vector<400x64xf32>
    %get3A_64 = arith.constant 1 : index
    %get3A_65 = arith.constant 0 : index
    %get3A_66 = arith.constant 0 : index
    %get3A_67 = vector.load %arg2[%get3A_64, %get3A_65, %get3A_66] : memref<2x400x128xf32, #tpu.memory_space<vmem>>, vector<1x400x128xf32>
    %get3A_68 = vector.shape_cast %get3A_67 : vector<1x400x128xf32> to vector<400x128xf32>
    %slice3A_69 = vector.extract_strided_slice %get3A_68 {offsets = [0, 0], sizes = [400, 64], strides = [1, 1]} : vector<400x128xf32> to vector<400x64xf32>
    %get3A_70 = arith.constant 1 : index
    %get3A_71 = arith.constant 0 : index
    %get3A_72 = arith.constant 0 : index
    %get3A_73 = vector.load %arg1[%get3A_70, %get3A_71, %get3A_72] : memref<2x400x128xf32, #tpu.memory_space<vmem>>, vector<1x400x128xf32>
    %get3A_74 = vector.shape_cast %get3A_73 : vector<1x400x128xf32> to vector<400x128xf32>
    %slice3A_75 = vector.extract_strided_slice %get3A_74 {offsets = [0, 0], sizes = [400, 64], strides = [1, 1]} : vector<400x128xf32> to vector<400x64xf32>
    %slice3A_76 = vector.extract_strided_slice %exp3A {offsets = [0, 2], sizes = [400, 1], strides = [1, 1]} : vector<400x16xf32> to vector<400x1xf32>
    %mul3A_77 = vector.broadcast %slice3A_76 : vector<400x1xf32> to vector<400x64xf32>
    %mul3A_78 = arith.mulf %slice3A_75, %mul3A_77 : vector<400x64xf32>
    %add3A_79 = arith.addf %slice3A_69, %mul3A_78 : vector<400x64xf32>
    %slice3A_80 = vector.extract_strided_slice %div3A_25 {offsets = [0, 2], sizes = [400, 1], strides = [1, 1]} : vector<400x16xf32> to vector<400x1xf32>
    %mul3A_81 = vector.broadcast %slice3A_80 : vector<400x1xf32> to vector<400x64xf32>
    %mul3A_82 = arith.mulf %add3A_79, %mul3A_81 : vector<400x64xf32>
    %get3A_83 = arith.constant 1 : index
    %get3A_84 = arith.constant 0 : index
    %get3A_85 = arith.constant 0 : index
    %get3A_86 = vector.load %arg2[%get3A_83, %get3A_84, %get3A_85] : memref<2x400x128xf32, #tpu.memory_space<vmem>>, vector<1x400x128xf32>
    %get3A_87 = vector.shape_cast %get3A_86 : vector<1x400x128xf32> to vector<400x128xf32>
    %slice3A_88 = vector.extract_strided_slice %get3A_87 {offsets = [0, 64], sizes = [400, 64], strides = [1, 1]} : vector<400x128xf32> to vector<400x64xf32>
    %get3A_89 = arith.constant 1 : index
    %get3A_90 = arith.constant 0 : index
    %get3A_91 = arith.constant 0 : index
    %get3A_92 = vector.load %arg1[%get3A_89, %get3A_90, %get3A_91] : memref<2x400x128xf32, #tpu.memory_space<vmem>>, vector<1x400x128xf32>
    %get3A_93 = vector.shape_cast %get3A_92 : vector<1x400x128xf32> to vector<400x128xf32>
    %slice3A_94 = vector.extract_strided_slice %get3A_93 {offsets = [0, 64], sizes = [400, 64], strides = [1, 1]} : vector<400x128xf32> to vector<400x64xf32>
    %slice3A_95 = vector.extract_strided_slice %exp3A {offsets = [0, 3], sizes = [400, 1], strides = [1, 1]} : vector<400x16xf32> to vector<400x1xf32>
    %mul3A_96 = vector.broadcast %slice3A_95 : vector<400x1xf32> to vector<400x64xf32>
    %mul3A_97 = arith.mulf %slice3A_94, %mul3A_96 : vector<400x64xf32>
    %add3A_98 = arith.addf %slice3A_88, %mul3A_97 : vector<400x64xf32>
    %slice3A_99 = vector.extract_strided_slice %div3A_25 {offsets = [0, 3], sizes = [400, 1], strides = [1, 1]} : vector<400x16xf32> to vector<400x1xf32>
    %mul3A_100 = vector.broadcast %slice3A_99 : vector<400x1xf32> to vector<400x64xf32>
    %mul3A_101 = arith.mulf %add3A_98, %mul3A_100 : vector<400x64xf32>
    %concatenate3A = tpu.concatenate %mul3A_44, %mul3A_63, %mul3A_82, %mul3A_101 in 1 : vector<400x64xf32>, vector<400x64xf32>, vector<400x64xf32>, vector<400x64xf32> -> vector<400x256xf32>
    %get3A_102 = arith.constant 0 : index
    %get3A_103 = arith.constant 0 : index
    %get3A_104 = vector.load %arg7[%get3A_102, %get3A_103] : memref<1x256xf32, #tpu.memory_space<vmem>>, vector<1x256xf32>
    %add3A_105 = vector.broadcast %get3A_104 : vector<1x256xf32> to vector<400x256xf32>
    %add3A_106 = arith.addf %concatenate3A, %add3A_105 : vector<400x256xf32>
    %max3A = arith.constant 0.000000e+00 : f32
    %max3A_107 = vector.broadcast %max3A : f32 to vector<400x256xf32>
    %max3A_108 = arith.maximumf %add3A_106, %max3A_107 : vector<400x256xf32>
    %get3A_109 = arith.constant 0 : index
    %get3A_110 = arith.constant 0 : index
    %get3A_111 = vector.load %arg6[%get3A_109, %get3A_110] : memref<256x64xf32, #tpu.memory_space<vmem>>, vector<256x64xf32>
    %dot_general3A = arith.constant dense<0.000000e+00> : vector<400x64xf32>
    %dot_general3A_112 = tpu.matmul %max3A_108, %get3A_111, %dot_general3A {dimension_numbers = #tpu.dot_dimension_numbers<[1], [0], [0], [1], [0, 0, 1, 1], [], []>, transpose_lhs_hint = false} : vector<400x256xf32>, vector<256x64xf32>, vector<400x64xf32> -> vector<400x64xf32>
    %mul3A_113 = vector.broadcast %rsqrt3A : vector<400x1xf32> to vector<400x64xf32>
    %mul3A_114 = arith.mulf %dot_general3A_112, %mul3A_113 : vector<400x64xf32>
    %swap3A = arith.constant 0 : index
    %swap3A_115 = arith.constant 0 : index
    %swap3A_116 = vector.load %arg8[%swap3A, %swap3A_115] : memref<400x64xf32, #tpu.memory_space<vmem>>, vector<400x64xf32>
    tpu.vector_store %arg8[%swap3A, %swap3A_115], %mul3A_114 {strides = array<i32>} : memref<400x64xf32, #tpu.memory_space<vmem>>, vector<400x64xf32>,
    %broadcast_in_dim3A = vector.shape_cast %rsqrt3A : vector<400x1xf32> to vector<400x1xf32>
    %broadcast_in_dim3A_117 = vector.broadcast %broadcast_in_dim3A : vector<400x1xf32> to vector<400x8xf32>
    %swap3A_118 = arith.constant 0 : index
    %swap3A_119 = arith.constant 0 : index
    %swap3A_120 = vector.load %arg9[%swap3A_118, %swap3A_119] : memref<400x8xf32, #tpu.memory_space<vmem>>, vector<400x8xf32>
    tpu.vector_store %arg9[%swap3A_118, %swap3A_119], %broadcast_in_dim3A_117 {strides = array<i32>} : memref<400x8xf32, #tpu.memory_space<vmem>>, vector<400x8xf32>,
    return
  }
  func.func @transform_0(%arg0: i32) -> (i32, i32, i32) {
    %c0_i32 = arith.constant 0 : i32
    %c0_i32_0 = arith.constant 0 : i32
    %c0_i32_1 = arith.constant 0 : i32
    return %c0_i32, %arg0, %c0_i32_0 : i32, i32, i32
  }
  func.func @transform_1(%arg0: i32) -> (i32, i32, i32) {
    %c0_i32 = arith.constant 0 : i32
    %c0_i32_0 = arith.constant 0 : i32
    %c0_i32_1 = arith.constant 0 : i32
    return %c0_i32, %arg0, %c0_i32_0 : i32, i32, i32
  }
  func.func @transform_2(%arg0: i32) -> (i32, i32, i32) {
    %c0_i32 = arith.constant 0 : i32
    %c0_i32_0 = arith.constant 0 : i32
    %c0_i32_1 = arith.constant 0 : i32
    return %c0_i32, %arg0, %c0_i32_0 : i32, i32, i32
  }
  func.func @transform_3(%arg0: i32) -> (i32, i32) {
    %c0_i32 = arith.constant 0 : i32
    %c0_i32_0 = arith.constant 0 : i32
    return %arg0, %c0_i32 : i32, i32
  }
  func.func @transform_4(%arg0: i32) -> (i32, i32) {
    %c0_i32 = arith.constant 0 : i32
    %c0_i32_0 = arith.constant 0 : i32
    return %arg0, %c0_i32 : i32, i32
  }
  func.func @transform_5(%arg0: i32) -> (i32, i32) {
    %c0_i32 = arith.constant 0 : i32
    %c0_i32_0 = arith.constant 0 : i32
    %c0_i32_1 = arith.constant 0 : i32
    return %c0_i32, %c0_i32_0 : i32, i32
  }
  func.func @transform_6(%arg0: i32) -> (i32, i32) {
    %c0_i32 = arith.constant 0 : i32
    %c0_i32_0 = arith.constant 0 : i32
    %c0_i32_1 = arith.constant 0 : i32
    return %c0_i32, %c0_i32_0 : i32, i32
  }
  func.func @transform_7(%arg0: i32) -> (i32, i32) {
    %c0_i32 = arith.constant 0 : i32
    %c0_i32_0 = arith.constant 0 : i32
    return %arg0, %c0_i32 : i32, i32
  }
  func.func @transform_8(%arg0: i32) -> (i32, i32) {
    %c0_i32 = arith.constant 0 : i32
    %c0_i32_0 = arith.constant 0 : i32
    return %arg0, %c0_i32 : i32, i32
  }
}

module attributes {stable_mosaic.version = 14 : i64} {
  func.func @_tc3_body(%arg0: i32, %arg1: memref<2x400x64xf32, #tpu.memory_space<vmem>>, %arg2: memref<400x64xf32, #tpu.memory_space<vmem>>, %arg3: memref<400x8xf32, #tpu.memory_space<vmem>>, %arg4: memref<1x64xf32, #tpu.memory_space<vmem>>, %arg5: memref<64x32xf32, #tpu.memory_space<vmem>>, %arg6: memref<1x32xf32, #tpu.memory_space<vmem>>, %arg7: memref<32x1xf32, #tpu.memory_space<vmem>>, %arg8: memref<1x1xf32, #tpu.memory_space<vmem>>, %arg9: memref<400x1xf32, #tpu.memory_space<vmem>>) attributes {dimension_semantics = [#tpu.dimension_semantics<arbitrary>], iteration_bounds = array<i64: 25>, scalar_prefetch = 0 : i64, scratch_operands = 0 : i64, tpu.core_type = #tpu.core_type<tc>, window_params = [{transform_indices = @transform_0, window_bounds = array<i64: 2, 400, 64>}, {transform_indices = @transform_1, window_bounds = array<i64: 400, 64>}, {transform_indices = @transform_2, window_bounds = array<i64: 400, 8>}, {pipeline_mode = #tpu.pipeline_mode<synchronous>, transform_indices = @transform_3, window_bounds = array<i64: 1, 64>}, {pipeline_mode = #tpu.pipeline_mode<synchronous>, transform_indices = @transform_4, window_bounds = array<i64: 64, 32>}, {pipeline_mode = #tpu.pipeline_mode<synchronous>, transform_indices = @transform_5, window_bounds = array<i64: 1, 32>}, {pipeline_mode = #tpu.pipeline_mode<synchronous>, transform_indices = @transform_6, window_bounds = array<i64: 32, 1>}, {pipeline_mode = #tpu.pipeline_mode<synchronous>, transform_indices = @transform_7, window_bounds = array<i64: 1, 1>}, {transform_indices = @transform_8, window_bounds = array<i64: 400, 1>}]} {
    %get3A = arith.constant 0 : index
    %get3A_0 = arith.constant 0 : index
    %get3A_1 = vector.load %arg3[%get3A, %get3A_0] : memref<400x8xf32, #tpu.memory_space<vmem>>, vector<400x1xf32>
    %get3A_2 = arith.constant 0 : index
    %get3A_3 = arith.constant 0 : index
    %get3A_4 = arith.constant 0 : index
    %get3A_5 = vector.load %arg1[%get3A_2, %get3A_3, %get3A_4] : memref<2x400x64xf32, #tpu.memory_space<vmem>>, vector<1x400x64xf32>
    %get3A_6 = vector.shape_cast %get3A_5 : vector<1x400x64xf32> to vector<400x64xf32>
    %get3A_7 = arith.constant 1 : index
    %get3A_8 = arith.constant 0 : index
    %get3A_9 = arith.constant 0 : index
    %get3A_10 = vector.load %arg1[%get3A_7, %get3A_8, %get3A_9] : memref<2x400x64xf32, #tpu.memory_space<vmem>>, vector<1x400x64xf32>
    %get3A_11 = vector.shape_cast %get3A_10 : vector<1x400x64xf32> to vector<400x64xf32>
    %add3A = arith.addf %get3A_6, %get3A_11 : vector<400x64xf32>
    %get3A_12 = arith.constant 0 : index
    %get3A_13 = arith.constant 0 : index
    %get3A_14 = vector.load %arg2[%get3A_12, %get3A_13] : memref<400x64xf32, #tpu.memory_space<vmem>>, vector<400x64xf32>
    %add3A_15 = arith.addf %add3A, %get3A_14 : vector<400x64xf32>
    %mul3A = vector.broadcast %get3A_1 : vector<400x1xf32> to vector<400x64xf32>
    %mul3A_16 = arith.mulf %mul3A, %add3A_15 : vector<400x64xf32>
    %get3A_17 = arith.constant 0 : index
    %get3A_18 = arith.constant 0 : index
    %get3A_19 = vector.load %arg4[%get3A_17, %get3A_18] : memref<1x64xf32, #tpu.memory_space<vmem>>, vector<1x64xf32>
    %add3A_20 = vector.broadcast %get3A_19 : vector<1x64xf32> to vector<400x64xf32>
    %add3A_21 = arith.addf %mul3A_16, %add3A_20 : vector<400x64xf32>
    %max3A = arith.constant 0.000000e+00 : f32
    %max3A_22 = vector.broadcast %max3A : f32 to vector<400x64xf32>
    %max3A_23 = arith.maximumf %add3A_21, %max3A_22 : vector<400x64xf32>
    %get3A_24 = arith.constant 0 : index
    %get3A_25 = arith.constant 0 : index
    %get3A_26 = vector.load %arg5[%get3A_24, %get3A_25] : memref<64x32xf32, #tpu.memory_space<vmem>>, vector<64x32xf32>
    %dot_general3A = arith.constant dense<0.000000e+00> : vector<400x32xf32>
    %dot_general3A_27 = tpu.matmul %max3A_23, %get3A_26, %dot_general3A {dimension_numbers = #tpu.dot_dimension_numbers<[1], [0], [0], [1], [0, 0, 1, 1], [], []>, transpose_lhs_hint = false} : vector<400x64xf32>, vector<64x32xf32>, vector<400x32xf32> -> vector<400x32xf32>
    %get3A_28 = arith.constant 0 : index
    %get3A_29 = arith.constant 0 : index
    %get3A_30 = vector.load %arg6[%get3A_28, %get3A_29] : memref<1x32xf32, #tpu.memory_space<vmem>>, vector<1x32xf32>
    %add3A_31 = vector.broadcast %get3A_30 : vector<1x32xf32> to vector<400x32xf32>
    %add3A_32 = arith.addf %dot_general3A_27, %add3A_31 : vector<400x32xf32>
    %max3A_33 = arith.constant 0.000000e+00 : f32
    %max3A_34 = vector.broadcast %max3A_33 : f32 to vector<400x32xf32>
    %max3A_35 = arith.maximumf %add3A_32, %max3A_34 : vector<400x32xf32>
    %get3A_36 = arith.constant 0 : index
    %get3A_37 = arith.constant 0 : index
    %get3A_38 = vector.load %arg7[%get3A_36, %get3A_37] : memref<32x1xf32, #tpu.memory_space<vmem>>, vector<32x1xf32>
    %dot_general3A_39 = arith.constant dense<0.000000e+00> : vector<400x1xf32>
    %dot_general3A_40 = tpu.matmul %max3A_35, %get3A_38, %dot_general3A_39 {dimension_numbers = #tpu.dot_dimension_numbers<[1], [0], [0], [1], [0, 0, 1, 1], [], []>, transpose_lhs_hint = false} : vector<400x32xf32>, vector<32x1xf32>, vector<400x1xf32> -> vector<400x1xf32>
    %get3A_41 = arith.constant 0 : index
    %get3A_42 = arith.constant 0 : index
    %get3A_43 = vector.load %arg8[%get3A_41, %get3A_42] : memref<1x1xf32, #tpu.memory_space<vmem>>, vector<1x1xf32>
    %add3A_44 = vector.broadcast %get3A_43 : vector<1x1xf32> to vector<400x1xf32>
    %add3A_45 = arith.addf %dot_general3A_40, %add3A_44 : vector<400x1xf32>
    %logistic3A = arith.negf %add3A_45 : vector<400x1xf32>
    %logistic3A_46 = math.exp %logistic3A : vector<400x1xf32>
    %logistic3A_47 = arith.constant 1.000000e+00 : f32
    %logistic3A_48 = vector.broadcast %logistic3A_47 : f32 to vector<400x1xf32>
    %logistic3A_49 = arith.addf %logistic3A_48, %logistic3A_46 : vector<400x1xf32>
    %logistic3A_50 = arith.divf %logistic3A_48, %logistic3A_49 : vector<400x1xf32>
    %swap3A = arith.constant 0 : index
    %swap3A_51 = arith.constant 0 : index
    %swap3A_52 = vector.load %arg9[%swap3A, %swap3A_51] : memref<400x1xf32, #tpu.memory_space<vmem>>, vector<400x1xf32>
    tpu.vector_store %arg9[%swap3A, %swap3A_51], %logistic3A_50 {strides = array<i32>} : memref<400x1xf32, #tpu.memory_space<vmem>>, vector<400x1xf32>,
    return
  }
  func.func @transform_0(%arg0: i32) -> (i32, i32, i32) {
    %c0_i32 = arith.constant 0 : i32
    %c0_i32_0 = arith.constant 0 : i32
    %c0_i32_1 = arith.constant 0 : i32
    return %c0_i32, %arg0, %c0_i32_0 : i32, i32, i32
  }
  func.func @transform_1(%arg0: i32) -> (i32, i32) {
    %c0_i32 = arith.constant 0 : i32
    %c0_i32_0 = arith.constant 0 : i32
    return %arg0, %c0_i32 : i32, i32
  }
  func.func @transform_2(%arg0: i32) -> (i32, i32) {
    %c0_i32 = arith.constant 0 : i32
    %c0_i32_0 = arith.constant 0 : i32
    return %arg0, %c0_i32 : i32, i32
  }
  func.func @transform_3(%arg0: i32) -> (i32, i32) {
    %c0_i32 = arith.constant 0 : i32
    %c0_i32_0 = arith.constant 0 : i32
    %c0_i32_1 = arith.constant 0 : i32
    return %c0_i32, %c0_i32_0 : i32, i32
  }
  func.func @transform_4(%arg0: i32) -> (i32, i32) {
    %c0_i32 = arith.constant 0 : i32
    %c0_i32_0 = arith.constant 0 : i32
    %c0_i32_1 = arith.constant 0 : i32
    return %c0_i32, %c0_i32_0 : i32, i32
  }
  func.func @transform_5(%arg0: i32) -> (i32, i32) {
    %c0_i32 = arith.constant 0 : i32
    %c0_i32_0 = arith.constant 0 : i32
    %c0_i32_1 = arith.constant 0 : i32
    return %c0_i32, %c0_i32_0 : i32, i32
  }
  func.func @transform_6(%arg0: i32) -> (i32, i32) {
    %c0_i32 = arith.constant 0 : i32
    %c0_i32_0 = arith.constant 0 : i32
    %c0_i32_1 = arith.constant 0 : i32
    return %c0_i32, %c0_i32_0 : i32, i32
  }
  func.func @transform_7(%arg0: i32) -> (i32, i32) {
    %c0_i32 = arith.constant 0 : i32
    %c0_i32_0 = arith.constant 0 : i32
    %c0_i32_1 = arith.constant 0 : i32
    return %c0_i32, %c0_i32_0 : i32, i32
  }
  func.func @transform_8(%arg0: i32) -> (i32, i32) {
    %c0_i32 = arith.constant 0 : i32
    %c0_i32_0 = arith.constant 0 : i32
    return %arg0, %c0_i32 : i32, i32
  }
}

</mosaic_0001>

<sc_bundles>
// kernel: kernel.11.cloned.1.call-start
scs
__scs_entry_jumppad:
0x0: {  	(pc) =	sbr.rel $0x88, $3  }
0x1: {  	(tag) =	ssettag $0x0;
	lr =	simm.s32 $0x1  }
0x2: {  	[smem:$0x3F95] =	sst lr;
	_ =	strace $0xD0000000  }
0x3: {  	_ = 	snop  }
0x4: {  	_ = 	snop  }
0x5: {  	_ = 	snop  }
0x6: {  	_ = 	snop  }
0x7: {  	_ = 	snop  }
__scs_overlays_trampoline_lowered:
0x8: {  	[smem:$0x3FA4] =	sst s0  }
0x9: {  	[smem:$0x3FA5] =	sst s1  }
0xa: {  	[smem:$0x3FA6] =	sst s2  }
0xb: {  	[smem:$0x3FA7] =	sst s3  }
0xc: {  	[smem:$0x3FA8] =	sst s4  }
0xd: {  	[smem:$0x3FA9] =	sst s5  }
0xe: {  	[smem:$0x3FAA] =	sst s6  }
0xf: {  	[smem:$0x3FAB] =	sst s7  }
0x10: {  	[smem:$0x3FAC] =	sst s8  }
0x11: {  	[smem:$0x3FAD] =	sst s9;
	s0 =	simm.s32 @!p0 $0x0  }
0x12: {  	s1 =	sld [smem:$0x3F93];
	s0 =	simm.s32 @p0 $0x1  }
0x13: {  	[smem:$0x3FAE] =	sst s0;
	s0 =	simm.s32 @!p1 $0x0  }
0x14: {  	s2 =	sld [smem:$0x3F92];
	s0 =	simm.s32 @p1 $0x1  }
0x15: {  	[smem:$0x3FAF] =	sst s0;
	s0 =	simm.s32 @!p2 $0x0  }
0x16: {  	s3 =	sld [smem:$0x3FDB];
	s0 =	simm.s32 @p2 $0x1  }
0x17: {  	s4 =	simm.s32 $0x1BF5;
	[smem:$0x3FB1] =	sst s0  }
0x18: {  	s0 =	sld [smem:$0x3F94];
	_ =	swait.ge [sflag:s4], $0x0  }
0x19: {  	s7 =	sld [smem:$0x3F95]  }
0x1a: {  	s8 =	sadd.s32 $0xFFFFE003, lr  }
0x1b: {  	s9 =	sadd.s32 $0xFFFFFEF7, lr;
	s5 =	simm.s32 $0xFFFFFFFF;
	p2 =	slt.u32 s8, $0xFFFFF086  }
0x1c: {  	p1 =	slt.u32 s9, $0xF7A;
	s5 =	simm.s32 @!p2 $0x0  }
0x1d: {  	s5 =	simm.s32 @p1 $0x1;
	p0 =	seq.s32 s7, s2  }
0x1e: {  	s7 =	smul.u32 @!p0 $0xF7A, s2;
	p2 =	seq.s32 @!p0 s5, $0x0  }
0x1f: {  	s9 =	smul.u32 $0xF7A, s1;
	s8 =	simm.s32 @!p0 $0x1BF5;
	p2 =	por !p2, p0  }
0x20: {  	[sflag:s8] =	ssyncset.s32 @!p0 $0xFFFFF086;
	s6 =	sadd.s32 @!p0 s3, s7;
	s7 =	simm.s32 @!p0 $0x108  }
0x21: {  	s3 =	sadd.s32 s3, s9;
	s6 =	sadd.s32 @!p0 $0x88, s6;
	s7 =	simm.s32 @p2 $0x1082  }
0x22: {  	[simem:s7], [sflag:s8] =	dma.local @!p0 [hbm:s6], $0xF7A  }
0x23: {  	s9 =	sor.u32 $0xD0000000, s2;
	s6 =	simm.s32 $0x108;
	_ =	swait.ge @!p0 [sflag:s8], $0x0  }
0x24: {  	s3 =	sadd.s32 $0x88, s3;
	s6 =	simm.s32 @!p1 $0x1082;
	[sflag:s4] =	ssyncset.s32 $0xFFFFF086  }
0x25: {  	[simem:s6], [sflag:s4] =	dma.local [hbm:s3], $0xF7A  }
0x26: {  	[smem:$0x3F95] =	sst s1;
	(tag) =	ssettag s2;
	_ =	strace s9  }
0x27: {  	s1 =	sld [smem:$0x3FA5]  }
0x28: {  	s2 =	sld [smem:$0x3FA6]  }
0x29: {  	s4 =	sld [smem:$0x3FA8]  }
0x2a: {  	p0 =	seq.s32 s5, $0x0;
	s5 =	sld [smem:$0x3FA9]  }
0x2b: {  	s6 =	sld [smem:$0x3FAA]  }
0x2c: {  	s7 =	sld [smem:$0x3FAB]  }
0x2d: {  	s3 =	simm.s32 $0x108;
	s8 =	sld [smem:$0x3FAC]  }
0x2e: {  	s3 =	simm.s32 @!p0 $0x1082;
	s9 =	sld [smem:$0x3FAD]  }
0x2f: {  	lr =	sadd.s32 s0, s3;
	s0 =	sld [smem:$0x3FA4]  }
0x30: {  	s3 =	sld [smem:$0x3FA7]  }
0x31: {  	[smem:$0x3FB0] =	sst s10  }
0x32: {  	s10 =	sld [smem:$0x3FAE];
	_ =	sdelay $0x3  }
0x33: {  	p0 =	seq.s32 s10, $0x1;
	s10 =	sld [smem:$0x3FB0];
	_ =	sdelay $0x3  }
0x34: {  	[smem:$0x3FB0] =	sst s10  }
0x35: {  	s10 =	sld [smem:$0x3FAF];
	_ =	sdelay $0x3  }
0x36: {  	p1 =	seq.s32 s10, $0x1;
	s10 =	sld [smem:$0x3FB0];
	_ =	sdelay $0x3  }
0x37: {  	[smem:$0x3FB0] =	sst s10  }
0x38: {  	s10 =	sld [smem:$0x3FB1]  }
0x39: {  	_ = 	snop;
	(pc) =	sbr.ind lr, $3  }
0x3a: {  	_ = 	snop  }
0x3b: {  	_ = 	snop  }
0x3c: {  	p2 =	seq.s32 s10, $0x1;
	s10 =	sld [smem:$0x3FB0]  }
0x3d: {  	_ =	shalt  }
0x3e: {  	_ =	shalt  }
0x3f: {  	_ =	shalt  }
0x40: {  	_ =	shalt  }
0x41: {  	_ =	shalt  }
0x42: {  	_ =	shalt  }
0x43: {  	_ =	shalt  }
0x44: {  	_ =	shalt  }
0x45: {  	_ =	shalt  }
0x46: {  	_ =	shalt  }
0x47: {  	_ =	shalt  }
0x48: {  	_ =	shalt  }
0x49: {  	_ =	shalt  }
0x4a: {  	_ =	shalt  }
0x4b: {  	_ =	shalt  }
0x4c: {  	_ =	shalt  }
0x4d: {  	_ =	shalt  }
0x4e: {  	_ =	shalt  }
0x4f: {  	_ =	shalt  }
0x50: {  	_ =	shalt  }
0x51: {  	_ =	shalt  }
0x52: {  	_ =	shalt  }
0x53: {  	_ =	shalt  }
0x54: {  	_ =	shalt  }
0x55: {  	_ =	shalt  }
0x56: {  	_ =	shalt  }
0x57: {  	_ =	shalt  }
0x58: {  	_ =	shalt  }
0x59: {  	_ =	shalt  }
0x5a: {  	_ =	shalt  }
0x5b: {  	_ =	shalt  }
0x5c: {  	_ =	shalt  }
0x5d: {  	_ =	shalt  }
0x5e: {  	_ =	shalt  }
0x5f: {  	_ =	shalt  }
0x60: {  	_ =	shalt  }
0x61: {  	_ =	shalt  }
0x62: {  	_ =	shalt  }
0x63: {  	_ =	shalt  }
0x64: {  	_ =	shalt  }
0x65: {  	_ =	shalt  }
0x66: {  	_ =	shalt  }
0x67: {  	_ =	shalt  }
0x68: {  	_ =	shalt  }
0x69: {  	_ =	shalt  }
0x6a: {  	_ =	shalt  }
0x6b: {  	_ =	shalt  }
0x6c: {  	_ =	shalt  }
0x6d: {  	_ =	shalt  }
0x6e: {  	_ =	shalt  }
0x6f: {  	_ =	shalt  }
0x70: {  	_ =	shalt  }
0x71: {  	_ =	shalt  }
0x72: {  	_ =	shalt  }
0x73: {  	_ =	shalt  }
0x74: {  	_ =	shalt  }
0x75: {  	_ =	shalt  }
0x76: {  	_ =	shalt  }
0x77: {  	_ =	shalt  }
0x78: {  	_ =	shalt  }
0x79: {  	_ =	shalt  }
0x7a: {  	_ =	shalt  }
0x7b: {  	_ =	shalt  }
0x7c: {  	_ =	shalt  }
0x7d: {  	_ =	shalt  }
0x7e: {  	_ =	shalt  }
0x7f: {  	_ =	shalt  }
0x80: {  	_ =	shalt  }
0x81: {  	_ =	shalt  }
0x82: {  	_ =	shalt  }
0x83: {  	_ =	shalt  }
0x84: {  	_ =	shalt  }
0x85: {  	_ =	shalt  }
0x86: {  	_ =	shalt  }
0x87: {  	_ =	shalt  }
.Lfunc_end0:
.L_simem_size_0:
called_computation.1_lowered:
.L_overlay_start_0:
0x88: {  	s2 =	sld [smem:$0x3FD9]  }
0x89: {  	s3 =	sld [smem:$0x3FFE];
	_ =	sdelay $0x1  }
0x8a: {  	s1 =	srdreg.scid  }
0x8b: {  	s0 =	sand.u32 $0x1, s1  }
0x8c: {  	s16 =	sshll.u32 s0, $0xA;
	s2 =	sadd.s32 s3, s2  }
0x8d: {  	s2 =	sadd.s32 s2, s16  }
0x8e: {  	[smem:$0x3FBC] =	sst s2  }
0x8f: {  	_ = 	snop  }
0x90: {  	(tm) =	ssettm $0x1  }
0x91: {  	s17 =	sld [smem:$0x3FFB];
	_ =	sdelay $0x3  }
0x92: {  	_ =	strace s17  }
0x93: {  	s2 =	sld [smem:$0x3FFC];
	_ =	sdelay $0x3  }
0x94: {  	_ =	strace s2  }
0x95: {  	s2 =	sld [smem:$0x3FFD];
	_ =	sdelay $0x3  }
0x96: {  	_ =	strace s2  }
0x97: {  	_ =	strace $0x8FFFFFFF  }
0x98: {  	s18 =	sld [smem:$0x3FDB];
	_ =	sdelay $0x1  }
0x99: {  	s19 =	simm.s32 $_scs_section_size  }
0x9a: {  	s4 =	simm.s32 $_size__tile_overlayer_lowered;
	s5 =	simm.s32 $_tile_overlayer_lowered  }
0x9b: {  	s22 =	simm.s32 $0x1BFF;
	s21 =	sshll.u32 s5, $0x1;
	s2 =	sadd.s32 s19, s18  }
0x9c: {  	s6 =	simm.s32 $0x0;
	s20 =	sshll.u32 s4, $0x1;
	s4 =	sadd.s32 s21, s2  }
0x9d: {  	[timem:s6], [sflag:s22] =	dma.local [hbm:s4], s20  }
0x9e: {  	_ =	swait.ge [sflag:s22], s20  }
0x9f: {  	s3 =	ssub.s32 $0x0, s20;
	[sflag:s22] =	ssyncset.done $0x0  }
0xa0: {  	[sflag:s22] =	ssyncadd.s32 s3;
	_ =	sdelay $0x1  }
0xa1: {  	s23 =	simm.s32 $0x1B8B  }
0xa2: {  	_ =	swait.ge [sflag:s23], $0x1  }
0xa3: {  	[sflag:s23] =	ssyncset.done $0x0  }
0xa4: {  	s25 =	simm.s32 $0x1B8E;
	s24 =	sld [smem:$0x3FFE];
	[sflag:s23] =	ssyncadd.s32 $0xFFFFFFFF  }
0xa5: {  	s26 =	simm.s32 $execute0_lowered;
	[smem:$0x3FD2] =	sst s25  }
0xa6: {  	s4 =	sshll.u32 s26, $0x1;
	_ =	strace $0x80000049;
	[dreg:$0x1] =	wrdreg $0xFFFFFFFF  }
0xa7: {  	s28 =	simm.s32 $_size_execute0_lowered;
	s2 =	sadd.s32 s2, s4;
	[dreg:$0x0] =	wrdreg $0x0  }
0xa8: {  	s4 =	sshll.u32 s28, $0x1;
	[dreg:$0x2] =	wrdreg s2  }
0xa9: {  	[dreg:$0x3] =	wrdreg s4  }
0xaa: {  	[dreg:$0x4] =	wrdreg $0xC0  }
0xab: {  	_ =	task [dreg:s6], $0x5FFFF  }
0xac: {  	[dreg:$0x1] =	wrdreg $0xFFFFFFFF  }
0xad: {  	[dreg:$0x0] =	wrdreg $0x60  }
0xae: {  	[dreg:$0x2] =	wrdreg s24  }
0xaf: {  	[dreg:$0x3] =	wrdreg $0x72100  }
0xb0: {  	[dreg:$0x4] =	wrdreg $0x9  }
0xb1: {  	_ =	task.clear_ibuf [dreg:s6], $0x5FFFF;
	_ =	strace $0x90000049  }
0xb2: {  	s29 =	simm.s32 $0x9;
	_ =	strace $0x8000004B  }
0xb3: {  	_ =	swait.ge [sflag:s29], $0x1  }
0xb4: {  	[sflag:s29] =	ssyncadd.s32 $0xFFFFFFFF  }
0xb5: {  	_ =	strace $0x9000004B  }
0xb6: {  	_ =	sfence  }
0xb7: {  	s30 =	sld [smem:$0x0];
	_ =	sdelay $0x2  }
0xb8: {  	s31 =	sshll.u32 s1, $0xD;
	s1 =	sshrl.u32 s1, $0x2  }
0xb9: {  	s3 =	sand.u32 $0x4000, s31;
	s1 =	sadd.s32 s1, s30  }
0xba: {  	s0 =	sor.u32 s3, s0;
	s1 =	sshll.u32 s1, $0x11  }
0xbb: {  	s0 =	sor.u32 s1, s0  }
0xbc: {  	s0 =	sadd.s32 $0x8F2B, s0  }
0xbd: {  	[sflag:s0] =	ssyncadd.remote.s32 $0x1  }
0xbe: {  	_ =	sfence.sel $0xFFFF  }
0xbf: {  	[dreg:$0x0] =	wrdreg $0xFFFFFFFF;
	(pc) =	sbr.abs _section_cstart, $3  }
0xc0: {  	[dreg:$0x1] =	wrdreg $0xFFFFFFFF  }
0xc1: {  	_ =	task.clear_ibuf [dreg:s6], $0x2FFFF;
	_ =	strace $0x9FFFFFFF  }
0xc2: {  	(tm) =	ssettm $0x7FFFFFFF  }
0xc3: {  	_ =	shalt  }
tec
execute0_lowered:
.L_overlay_start_1:
0x0: {  	(tag) =	ssettag $0x1  }
0x1: {  	s0 =	rddreg [dreg:$0x0]  }
0x2: {  	s1 =	rddreg [dreg:$0x1];
	s2 =	simm.s32 $0x0;
	s6 =	srdreg.scid  }
0x3: {  	s5 =	stileid.u32;
	s22 =	simm.s32 $0x2;
	s25 =	simm.s32 $0x1  }
0x4: {  	[smem:$0x7FF] =	sst s2;
	s3 =	sadd.s32 $0x114E00, s0;
	s4 =	sadd.s32 $0x5B000, s0  }
0x5: {  	s15 =	sand.u32 $0x1, s6;
	s6 =	sadd.s32 $0x78A00, s0;
	s16 =	smul.u32 $0x13800, s5  }
0x6: {  	s7 =	sadd.s32 $0x2E00, s0;
	s0 =	sadd.s32 $0x128800, s0;
	s10 =	smul.u32 $0x4E20, s5  }
0x7: {  	s13 =	sadd.s32 $0x138000, s1;
	p0 =	sne.s32 s5, $0x0;
	s21 =	smul.u32 $0x138800, s15  }
0x8: {  	_ =	strace $0x8000004A;
	s8 =	ssub.s32 $0x2, s15;
	s14 =	smul.u32 $0x4E200, s15  }
0x9: {  	s23 =	sshll.u32 s15, $0x1;
	s24 =	sshllo.u32 s15, $0x1;
	s9 =	sshrl.u32 s8, $0x1  }
0xa: {  	s17 =	sadd.s32 $0x6400, s16;
	s18 =	sadd.s32 $0xC800, s16;
	s19 =	sadd.s32 $0x12C00, s16  }
0xb: {  	v0 =	vmov s23;
	v1 =	vmov s24;
	s23 =	simm.s32 $0xC8;
	s24 =	simm.s32 $0x190;
	s20 =	ssub.s32 s8, s9  }
0xc: {  	s8 =	sadd.s32 s16, s1;
	s9 =	sadd.s32 s17, s1;
	s11 =	sadd.s32 s18, s1  }
0xd: {  	s12 =	sadd.s32 s19, s1;
	s16 =	sadd.s32 s16, s21;
	s17 =	sadd.s32 s21, s17  }
0xe: {  	s29 =	sadd.s32 s21, s18;
	s30 =	sadd.s32 s21, s19;
	s31 =	sshrl.u32 s21, $0x3  }
0xf: {  	s21 =	simm.s32 $0xE10;
	s26 =	sshrl.u32 s16, $0x3;
	s28 =	sshrl.u32 s17, $0x3  }
0x10: {  	s17 =	sshrl.u32 s29, $0x3;
	s18 =	sshrl.u32 s30, $0x3;
	s19 =	sadd.s32 s0, s31  }
0x11: {  	s20 =	smax.u32 s20, $0x1;
	s15 =	sadd.s32 s0, s26;
	s16 =	sadd.s32 s0, s28  }
0x12: {  	v2 =	vimm.f32 $0.0e+00;
	s17 =	sadd.s32 s0, s17;
	s18 =	sadd.s32 s0, s18;
	s19 =	sadd.s32 $0x27000, s19  }
.LBB2_1:
0x13: {  	s0 =	simm.s32 $0x0;
	s26 =	simm.s32 $0x200  }
.LBB2_2:
0x14: {  	p1 =	sne.s32 s26, $0x18E00;
	[tilespmem:s0+$0xE80] =	vst v2  }
0x15: {  	[tilespmem:s0+$0xE10] =	vst v2  }
0x16: {  	[tilespmem:s0+$0xE20] =	vst v2  }
.Ltmp0:
0x17: {  	[tilespmem:s0+$0xE30] =	vst v2;
	(pc) =	sbr.rel @p1 .LBB2_2-.Ltmp0, $4  }
0x18: {  	[tilespmem:s0+$0xE40] =	vst v2  }
0x19: {  	[tilespmem:s0+$0xE50] =	vst v2  }
0x1a: {  	[tilespmem:s0+$0xE60] =	vst v2  }
0x1b: {  	[tilespmem:s0+$0xE70] =	vst v2;
	s0 =	sshra.s32 s26, $0x2;
	s26 =	sadd.s32 $0x200, s26  }
0x1c: {  	[tilespmem:s0+$0xE80] =	vst v2  }
0x1d: {  	[tilespmem:s0+$0xE10] =	vst v2  }
0x1e: {  	[tilespmem:s0+$0xE20] =	vst v2  }
0x1f: {  	[tilespmem:s0+$0xE30] =	vst v2  }
0x20: {  	[tilespmem:s0+$0xE40] =	vst v2  }
0x21: {  	[tilespmem:s0+$0xE50] =	vst v2  }
0x22: {  	[tilespmem:s0+$0xE60] =	vst v2  }
0x23: {  	[tilespmem:s0+$0xE70] =	vst v2  }
0x24: {  	[spmem:s8] =	stream.linear.scatter [tilespmem:s21], [sflag:$0x2], $0x6400, $0x38;
	[tilespmem:$0x1AA90] =	vst v63  }
0x25: {  	_ =	swait.ge [sflag:s22], $0x6400  }
0x26: {  	[sflag:s22] =	ssyncset.done $0x0  }
0x27: {  	[sflag:s22] =	ssyncadd.s32 $0xFFFF9C00  }
0x28: {  	[spmem:s9] =	stream.linear.scatter [tilespmem:s21], [sflag:$0x2], $0x6400, $0x38;
	[tilespmem:$0x1AA90] =	vst v63  }
0x29: {  	_ =	swait.ge [sflag:s22], $0x6400  }
0x2a: {  	[sflag:s22] =	ssyncset.done $0x0  }
0x2b: {  	[sflag:s22] =	ssyncadd.s32 $0xFFFF9C00  }
0x2c: {  	[spmem:s11] =	stream.linear.scatter [tilespmem:s21], [sflag:$0x2], $0x6400, $0x38;
	[tilespmem:$0x1AA90] =	vst v63  }
0x2d: {  	_ =	swait.ge [sflag:s22], $0x6400  }
0x2e: {  	[sflag:s22] =	ssyncset.done $0x0  }
0x2f: {  	[sflag:s22] =	ssyncadd.s32 $0xFFFF9C00  }
0x30: {  	[spmem:s12] =	stream.linear.scatter [tilespmem:s21], [sflag:$0x2], $0xC00, $0x38;
	[tilespmem:$0x1AA90] =	vst v63  }
0x31: {  	_ =	swait.ge [sflag:s22], $0xC00  }
0x32: {  	[sflag:s22] =	ssyncset.done $0x0  }
0x33: {  	s0 =	simm.s32 @!p0 $0xE10;
	[sflag:s22] =	ssyncadd.s32 $0xFFFFF400  }
0x34: {  	[spmem:s13] =	stream.linear.scatter @!p0 [tilespmem:s0], [sflag:$0x2], $0x800, $0x38;
	[tilespmem:$0x1AA90] =	vst v63  }
0x35: {  	s0 =	simm.s32 @!p0 $0x2  }
0x36: {  	_ =	swait.ge @!p0 [sflag:s0], $0x800  }
0x37: {  	[sflag:s0] =	ssyncset.done @!p0 $0x0  }
0x38: {  	[sflag:s0] =	ssyncadd.s32 @!p0 $0xFFFFF800  }
0x39: {  	s26 =	simm.s32 $0x0;
	s28 =	simm.s32 $0x0;
	[bflag:$0x0] =	sbarrier.arrive $0xFFFF  }
.LBB2_4:
0x3a: {  	s0 =	smul.u32 $0xC8, s28;
	_ =	sdelay $0x1  }
0x3b: {  	s0 =	sadd.s32 s10, s0  }
0x3c: {  	s29 =	sadd.s32 s14, s0  }
0x3d: {  	s29 =	sshrl.u32 s29, $0x3  }
0x3e: {  	s29 =	sadd.s32 s3, s29  }
0x3f: {  	[tilespmem:s26], [sflag:$0x2] =	stream.linear.gather [hbm4b:s29+s26], $0xC8, $0x38;
	[tilespmem:$0x1AA90] =	vst v63  }
0x40: {  	_ =	swait.ge [sflag:s22], $0xC8  }
0x41: {  	s29 =	sshrl.u32 s0, $0x3;
	[sflag:s22] =	ssyncset.done $0x0  }
0x42: {  	s29 =	sadd.s32 s4, s29;
	[sflag:s22] =	ssyncadd.s32 $0xFFFFFF38  }
0x43: {  	[tilespmem:s23], [sflag:$0x2] =	stream.linear.gather [hbm4b:s29+s26], $0xC8, $0x38;
	[tilespmem:$0x1AA90] =	vst v63  }
0x44: {  	_ =	swait.ge [sflag:s22], $0xC8  }
0x45: {  	s0 =	sshll.u32 s0, $0x1;
	[sflag:s22] =	ssyncset.done $0x0  }
0x46: {  	s5 =	simm.s32 $0x0;
	s0 =	sadd.s32 s6, s0;
	[sflag:s22] =	ssyncadd.s32 $0xFFFFFF38  }
0x47: {  	[tilespmem:s24], [sflag:$0x2] =	stream.linear.gather [hbm4b:s0+s26], $0xC80, $0x38;
	[tilespmem:$0x1AA90] =	vst v63  }
0x48: {  	v3 =	vor.u32 s5, v0;
	_ =	swait.ge [sflag:s22], $0xC80  }
0x49: {  	v3 =	vbroadcast v3, $0x0;
	[sflag:s22] =	ssyncset.done $0x0  }
0x4a: {  	[sflag:s22] =	ssyncadd.s32 $0xFFFFF380  }
0x4b: {  	[tilespmem:s21], [sflag:$0x1] =	stream.indirect.gather [hbm4b:s7+s23], $0x80, s26, s23, $0xb8;
	[tilespmem:$0x1AA90] =	vst v63  }
0x4c: {  	_ =	swait.ge [sflag:s25], $0x6400  }
0x4d: {  	[sflag:s25] =	ssyncset.done $0x0  }
0x4e: {  	[sflag:s25] =	ssyncadd.s32 $0xFFFF9C00  }
0x4f: {  	s29 =	simm.s32 $0xE50;
	v3 =	vld.idx.msk [tilespmem:v3+s24+$0x0], $0xffff  }
0x50: {  	v4 =	vld [tilespmem:s29+$0xFFFFFFC0]  }
0x51: {  	v5 =	vld [tilespmem:s29+$0xFFFFFFF0]  }
0x52: {  	v6 =	vld [tilespmem:s29+$0xFFFFFFD0]  }
0x53: {  	v7 =	vld [tilespmem:s29+$0xFFFFFFE0]  }
0x54: {  	v8 =	vor.u32 s5, v1  }
0x55: {  	v8 =	vbroadcast v8, $0x0;
	v4 =	vmul.f32 v4, v3  }
0x56: {  	v5 =	vmul.f32 v5, v3  }
0x57: {  	[tilespmem:s29+$0xFFFFFFC0] =	vst v4;
	v4 =	vmul.f32 v6, v3  }
0x58: {  	v3 =	vmul.f32 v7, v3;
	[tilespmem:s29+$0xFFFFFFF0] =	vst v5  }
0x59: {  	v5 =	vld [tilespmem:s29+$0x10];
	[tilespmem:s29+$0xFFFFFFD0] =	vst v4  }
0x5a: {  	[tilespmem:s29+$0xFFFFFFE0] =	vst v3;
	v4 =	vld [tilespmem:s29+$0x0]  }
0x5b: {  	v3 =	vld.idx.msk [tilespmem:v8+s24+$0x0], $0xffff  }
0x5c: {  	v7 =	vld [tilespmem:s29+$0x20]  }
0x5d: {  	s31 =	simm.s32 $0x2;
	s30 =	simm.s32 $0xE50;
	s0 =	simm.s32 $0x10;
	v6 =	vld [tilespmem:s29+$0x30]  }
.LBB2_5:
0x5e: {  	p1 =	sne.s32 s31, $0xC7  }
0x5f: {  	v8 =	vor.u32 s0, v0;
	s29 =	sadd.s32 $0x80, s29;
	s5 =	smov.u32 s31;
	s31 =	sadd.s32 $0x1, s31  }
0x60: {  	v4 =	vmul.f32 v4, v3;
	v8 =	vbroadcast v8, $0x0  }
0x61: {  	v5 =	vmul.f32 v5, v3;
	v7 =	vmul.f32 v7, v3  }
0x62: {  	[tilespmem:s30+$0x0] =	vst v4;
	v3 =	vmul.f32 v6, v3  }
0x63: {  	[tilespmem:s30+$0x10] =	vst v5  }
0x64: {  	[tilespmem:s30+$0x20] =	vst v7  }
0x65: {  	v4 =	vld [tilespmem:s29+$0xFFFFFFF0];
	[tilespmem:s30+$0x30] =	vst v3;
	s30 =	smov.u32 s29  }
0x66: {  	v3 =	vld.idx.msk [tilespmem:v8+s24+$0x0], $0xffff  }
0x67: {  	v5 =	vld [tilespmem:s29+$0xFFFFFFC0]  }
0x68: {  	v6 =	vld [tilespmem:s29+$0xFFFFFFE0]  }
0x69: {  	v7 =	vld [tilespmem:s29+$0xFFFFFFD0];
	_ =	sdelay $0x1  }
0x6a: {  	v8 =	vor.u32 s0, v1  }
0x6b: {  	v8 =	vbroadcast v8, $0x0;
	v5 =	vmul.f32 v5, v3  }
0x6c: {  	v4 =	vmul.f32 v4, v3;
	v6 =	vmul.f32 v6, v3  }
0x6d: {  	[tilespmem:s29+$0xFFFFFFC0] =	vst v5;
	v3 =	vmul.f32 v7, v3  }
0x6e: {  	[tilespmem:s29+$0xFFFFFFF0] =	vst v4  }
0x6f: {  	[tilespmem:s29+$0xFFFFFFD0] =	vst v3  }
0x70: {  	[tilespmem:s29+$0xFFFFFFE0] =	vst v6;
	v4 =	vld [tilespmem:s29+$0x0]  }
.Ltmp1:
0x71: {  	v3 =	vld.idx.msk [tilespmem:v8+s24+$0x0], $0xffff;
	(pc) =	sbr.rel @p1 .LBB2_5-.Ltmp1, $4  }
0x72: {  	v5 =	vld [tilespmem:s29+$0x10]  }
0x73: {  	v7 =	vld [tilespmem:s29+$0x20]  }
0x74: {  	v6 =	vld [tilespmem:s29+$0x30]  }
0x75: {  	s0 =	sshll.u32 s5, $0x4  }
0x76: {  	v8 =	vor.u32 s0, v0  }
0x77: {  	v4 =	vmul.f32 v4, v3;
	v8 =	vbroadcast v8, $0x0  }
0x78: {  	v5 =	vmul.f32 v5, v3  }
0x79: {  	v7 =	vmul.f32 v7, v3;
	[tilespmem:s30+$0x0] =	vst v4  }
0x7a: {  	v3 =	vmul.f32 v6, v3;
	[tilespmem:s30+$0x10] =	vst v5  }
0x7b: {  	s5 =	sadd.s32 $0x80, s29;
	[tilespmem:s30+$0x20] =	vst v7  }
0x7c: {  	v56 =	vld [tilespmem:s5+$0xFFFFFFC0];
	[tilespmem:s30+$0x30] =	vst v3  }
0x7d: {  	v3 =	vld.idx.msk [tilespmem:v8+s24+$0x0], $0xffff  }
0x7e: {  	v5 =	vld [tilespmem:s5+$0xFFFFFFF0]  }
0x7f: {  	v57 =	vld [tilespmem:s5+$0xFFFFFFD0]  }
0x80: {  	v58 =	vld [tilespmem:s5+$0xFFFFFFE0]  }
0x81: {  	v59 =	vor.u32 s0, v1  }
0x82: {  	v8 =	vbroadcast v59, $0x0;
	v4 =	vmul.f32 v56, v3  }
0x83: {  	v5 =	vmul.f32 v5, v3  }
0x84: {  	v60 =	vmul.f32 v57, v3;
	[tilespmem:s5+$0xFFFFFFC0] =	vst v4  }
0x85: {  	v3 =	vmul.f32 v58, v3;
	[tilespmem:s5+$0xFFFFFFF0] =	vst v5  }
0x86: {  	[tilespmem:s5+$0xFFFFFFD0] =	vst v60  }
0x87: {  	[tilespmem:s5+$0xFFFFFFE0] =	vst v3;
	v3 =	vld [tilespmem:s5+$0x0]  }
0x88: {  	v4 =	vld.idx.msk [tilespmem:v8+s24+$0x0], $0xffff  }
0x89: {  	v61 =	vld [tilespmem:s5+$0x10]  }
0x8a: {  	v62 =	vld [tilespmem:s5+$0x20]  }
0x8b: {  	v63 =	vld [tilespmem:s5+$0x30];
	_ =	sdelay $0x1  }
0x8c: {  	v3 =	vmul.f32 v3, v4  }
0x8d: {  	v5 =	vmul.f32 v61, v4  }
0x8e: {  	v6 =	vmul.f32 v62, v4;
	[tilespmem:s5+$0x0] =	vst v3  }
0x8f: {  	s28 =	sadd.s32 $0x1, s28;
	v3 =	vmul.f32 v63, v4;
	[tilespmem:s5+$0x10] =	vst v5  }
0x90: {  	p1 =	sne.s32 s28, $0x64;
	[tilespmem:s5+$0x20] =	vst v6  }
.Ltmp2:
0x91: {  	[tilespmem:s5+$0x30] =	vst v3;
	(pc) =	sbr.rel @p1 .LBB2_4-.Ltmp2, $4  }
0x92: {  	[spmem:s1] =	stream.indirect.scatter.add.f32 [tilespmem:s21], [sflag:$0x2], $0x80, s23, s23, $0xb8;
	[tilespmem:$0x1AA90] =	vst v63  }
0x93: {  	_ =	swait.ge [sflag:s22], $0x6400  }
0x94: {  	[sflag:s22] =	ssyncset.done $0x0  }
0x95: {  	[sflag:s22] =	ssyncadd.s32 $0xFFFF9C00  }
0x96: {  	s0 =	stileid.u32  }
0x97: {  	s0 =	sshll.u32 s0, $0x6  }
0x98: {  	[bflag:$0x0] =	sbarrier.arrive $0xFFFF;
	s5 =	sshrl.u32 s8, $0x3;
	s0 =	sor.u32 $0x1C02, s0  }
0x99: {  	[hbm:s15], [sflag:s0] =	dma.local [spmem:s5], $0xC80  }
0x9a: {  	_ =	swait.ge [sflag:s22], $0xC80  }
0x9b: {  	[sflag:s22] =	ssyncset.done $0x0  }
0x9c: {  	s29 =	sshrl.u32 s9, $0x3;
	[sflag:s22] =	ssyncadd.s32 $0xFFFFF380  }
0x9d: {  	[hbm:s16], [sflag:s0] =	dma.local [spmem:s29], $0xC80  }
0x9e: {  	_ =	swait.ge [sflag:s22], $0xC80  }
0x9f: {  	[sflag:s22] =	ssyncset.done $0x0  }
0xa0: {  	s30 =	sshrl.u32 s11, $0x3;
	[sflag:s22] =	ssyncadd.s32 $0xFFFFF380  }
0xa1: {  	[hbm:s17], [sflag:s0] =	dma.local [spmem:s30], $0xC80  }
0xa2: {  	_ =	swait.ge [sflag:s22], $0xC80  }
0xa3: {  	[sflag:s22] =	ssyncset.done $0x0  }
0xa4: {  	s31 =	sshrl.u32 s12, $0x3;
	[sflag:s22] =	ssyncadd.s32 $0xFFFFF380  }
0xa5: {  	[hbm:s18], [sflag:s0] =	dma.local [spmem:s31], $0x180  }
0xa6: {  	_ =	swait.ge [sflag:s22], $0x180  }
0xa7: {  	s2 =	sadd.s32 $0x1, s2;
	[sflag:s22] =	ssyncset.done $0x0  }
0xa8: {  	p1 =	sne.s32 s2, s20;
	s5 =	sshrl.u32 @!p0 s13, $0x3;
	[sflag:s22] =	ssyncadd.s32 $0xFFFFFE80  }
0xa9: {  	[hbm:s19], [sflag:s0] =	dma.local @!p0 [spmem:s5], $0x100  }
.Ltmp3:
0xaa: {  	_ = 	snop;
	(pc) =	sbr.rel @p1 .LBB2_1-.Ltmp3, $4  }
0xab: {  	s0 =	simm.s32 @!p0 $0x2  }
0xac: {  	_ =	swait.ge @!p0 [sflag:s0], $0x100  }
0xad: {  	[sflag:s0] =	ssyncset.done @!p0 $0x0  }
0xae: {  	[sflag:s0] =	ssyncadd.s32 @!p0 $0xFFFFFF00  }
0xaf: {  	_ =	sfence.sel $0x180000  }
0xb0: {  	[bflag:$0x0] =	sbarrier.arrive $0xFFFF  }
0xb1: {  	_ =	strace $0x9000004A  }
0xb2: {  	[bflag:$0x2] =	sbarrier.arrive $0xFFFF  }
0xb3: {  	s0 =	rddreg [dreg:$0x2]  }
0xb4: {  	s0 =	sadd.s32 @!p0 $0x100000, s0  }
0xb5: {  	[sflag:s0] =	ssyncadd.tile.s32 @!p0 $0x1;
	_ =	shalt  }
.Lfunc_end2:
_tile_overlayer_lowered:
.L_overlay_start_2:
0xb6: {  	(tag) =	ssettag $0x2  }
0xb7: {  	s0 =	rddreg [dreg:$0x0];
	s2 =	stileid.u32  }
0xb8: {  	s1 =	rddreg [dreg:$0x1];
	p0 =	sne.s32 s2, $0x0  }
0xb9: {  	s3 =	rddreg [dreg:$0x2];
	[bflag:$0x3] =	sbarrier.arrive $0xFFFF;
	s2 =	simm.s32 @!p0 $0x1C02  }
0xba: {  	[timem:s3], [sflag:s2] =	dma.local @!p0 [hbm:s0], s1  }
0xbb: {  	s0 =	simm.s32 @!p0 $0x2  }
0xbc: {  	_ =	swait.ge @!p0 [sflag:s0], s1  }
0xbd: {  	s1 =	ssub.s32 @!p0 $0x0, s1;
	[sflag:s0] =	ssyncset.done @!p0 $0x0  }
0xbe: {  	[sflag:s0] =	ssyncadd.s32 @!p0 s1  }
0xbf: {  	[bflag:$0x3] =	sbarrier.arrive $0xFFFF  }
0xc0: {  	_ =	shalt  }

// kernel: kernel.14.cloned.1.call-start
scs
__scs_entry_jumppad:
0x0: {  	(pc) =	sbr.rel $0x88, $3  }
0x1: {  	(tag) =	ssettag $0x0;
	lr =	simm.s32 $0x1  }
0x2: {  	[smem:$0x3F95] =	sst lr;
	_ =	strace $0xD0000000  }
0x3: {  	_ = 	snop  }
0x4: {  	_ = 	snop  }
0x5: {  	_ = 	snop  }
0x6: {  	_ = 	snop  }
0x7: {  	_ = 	snop  }
__scs_overlays_trampoline_lowered:
0x8: {  	[smem:$0x3FA4] =	sst s0  }
0x9: {  	[smem:$0x3FA5] =	sst s1  }
0xa: {  	[smem:$0x3FA6] =	sst s2  }
0xb: {  	[smem:$0x3FA7] =	sst s3  }
0xc: {  	[smem:$0x3FA8] =	sst s4  }
0xd: {  	[smem:$0x3FA9] =	sst s5  }
0xe: {  	[smem:$0x3FAA] =	sst s6  }
0xf: {  	[smem:$0x3FAB] =	sst s7  }
0x10: {  	[smem:$0x3FAC] =	sst s8  }
0x11: {  	[smem:$0x3FAD] =	sst s9;
	s0 =	simm.s32 @!p0 $0x0  }
0x12: {  	s1 =	sld [smem:$0x3F93];
	s0 =	simm.s32 @p0 $0x1  }
0x13: {  	[smem:$0x3FAE] =	sst s0;
	s0 =	simm.s32 @!p1 $0x0  }
0x14: {  	s2 =	sld [smem:$0x3F92];
	s0 =	simm.s32 @p1 $0x1  }
0x15: {  	[smem:$0x3FAF] =	sst s0;
	s0 =	simm.s32 @!p2 $0x0  }
0x16: {  	s3 =	sld [smem:$0x3FDB];
	s0 =	simm.s32 @p2 $0x1  }
0x17: {  	s4 =	simm.s32 $0x1BF5;
	[smem:$0x3FB1] =	sst s0  }
0x18: {  	s0 =	sld [smem:$0x3F94];
	_ =	swait.ge [sflag:s4], $0x0  }
0x19: {  	s7 =	sld [smem:$0x3F95]  }
0x1a: {  	s8 =	sadd.s32 $0xFFFFE003, lr  }
0x1b: {  	s9 =	sadd.s32 $0xFFFFFEF7, lr;
	s5 =	simm.s32 $0xFFFFFFFF;
	p2 =	slt.u32 s8, $0xFFFFF086  }
0x1c: {  	p1 =	slt.u32 s9, $0xF7A;
	s5 =	simm.s32 @!p2 $0x0  }
0x1d: {  	s5 =	simm.s32 @p1 $0x1;
	p0 =	seq.s32 s7, s2  }
0x1e: {  	s7 =	smul.u32 @!p0 $0xF7A, s2;
	p2 =	seq.s32 @!p0 s5, $0x0  }
0x1f: {  	s9 =	smul.u32 $0xF7A, s1;
	s8 =	simm.s32 @!p0 $0x1BF5;
	p2 =	por !p2, p0  }
0x20: {  	[sflag:s8] =	ssyncset.s32 @!p0 $0xFFFFF086;
	s6 =	sadd.s32 @!p0 s3, s7;
	s7 =	simm.s32 @!p0 $0x108  }
0x21: {  	s3 =	sadd.s32 s3, s9;
	s6 =	sadd.s32 @!p0 $0x88, s6;
	s7 =	simm.s32 @p2 $0x1082  }
0x22: {  	[simem:s7], [sflag:s8] =	dma.local @!p0 [hbm:s6], $0xF7A  }
0x23: {  	s9 =	sor.u32 $0xD0000000, s2;
	s6 =	simm.s32 $0x108;
	_ =	swait.ge @!p0 [sflag:s8], $0x0  }
0x24: {  	s3 =	sadd.s32 $0x88, s3;
	s6 =	simm.s32 @!p1 $0x1082;
	[sflag:s4] =	ssyncset.s32 $0xFFFFF086  }
0x25: {  	[simem:s6], [sflag:s4] =	dma.local [hbm:s3], $0xF7A  }
0x26: {  	[smem:$0x3F95] =	sst s1;
	(tag) =	ssettag s2;
	_ =	strace s9  }
0x27: {  	s1 =	sld [smem:$0x3FA5]  }
0x28: {  	s2 =	sld [smem:$0x3FA6]  }
0x29: {  	s4 =	sld [smem:$0x3FA8]  }
0x2a: {  	p0 =	seq.s32 s5, $0x0;
	s5 =	sld [smem:$0x3FA9]  }
0x2b: {  	s6 =	sld [smem:$0x3FAA]  }
0x2c: {  	s7 =	sld [smem:$0x3FAB]  }
0x2d: {  	s3 =	simm.s32 $0x108;
	s8 =	sld [smem:$0x3FAC]  }
0x2e: {  	s3 =	simm.s32 @!p0 $0x1082;
	s9 =	sld [smem:$0x3FAD]  }
0x2f: {  	lr =	sadd.s32 s0, s3;
	s0 =	sld [smem:$0x3FA4]  }
0x30: {  	s3 =	sld [smem:$0x3FA7]  }
0x31: {  	[smem:$0x3FB0] =	sst s10  }
0x32: {  	s10 =	sld [smem:$0x3FAE];
	_ =	sdelay $0x3  }
0x33: {  	p0 =	seq.s32 s10, $0x1;
	s10 =	sld [smem:$0x3FB0];
	_ =	sdelay $0x3  }
0x34: {  	[smem:$0x3FB0] =	sst s10  }
0x35: {  	s10 =	sld [smem:$0x3FAF];
	_ =	sdelay $0x3  }
0x36: {  	p1 =	seq.s32 s10, $0x1;
	s10 =	sld [smem:$0x3FB0];
	_ =	sdelay $0x3  }
0x37: {  	[smem:$0x3FB0] =	sst s10  }
0x38: {  	s10 =	sld [smem:$0x3FB1]  }
0x39: {  	_ = 	snop;
	(pc) =	sbr.ind lr, $3  }
0x3a: {  	_ = 	snop  }
0x3b: {  	_ = 	snop  }
0x3c: {  	p2 =	seq.s32 s10, $0x1;
	s10 =	sld [smem:$0x3FB0]  }
0x3d: {  	_ =	shalt  }
0x3e: {  	_ =	shalt  }
0x3f: {  	_ =	shalt  }
0x40: {  	_ =	shalt  }
0x41: {  	_ =	shalt  }
0x42: {  	_ =	shalt  }
0x43: {  	_ =	shalt  }
0x44: {  	_ =	shalt  }
0x45: {  	_ =	shalt  }
0x46: {  	_ =	shalt  }
0x47: {  	_ =	shalt  }
0x48: {  	_ =	shalt  }
0x49: {  	_ =	shalt  }
0x4a: {  	_ =	shalt  }
0x4b: {  	_ =	shalt  }
0x4c: {  	_ =	shalt  }
0x4d: {  	_ =	shalt  }
0x4e: {  	_ =	shalt  }
0x4f: {  	_ =	shalt  }
0x50: {  	_ =	shalt  }
0x51: {  	_ =	shalt  }
0x52: {  	_ =	shalt  }
0x53: {  	_ =	shalt  }
0x54: {  	_ =	shalt  }
0x55: {  	_ =	shalt  }
0x56: {  	_ =	shalt  }
0x57: {  	_ =	shalt  }
0x58: {  	_ =	shalt  }
0x59: {  	_ =	shalt  }
0x5a: {  	_ =	shalt  }
0x5b: {  	_ =	shalt  }
0x5c: {  	_ =	shalt  }
0x5d: {  	_ =	shalt  }
0x5e: {  	_ =	shalt  }
0x5f: {  	_ =	shalt  }
0x60: {  	_ =	shalt  }
0x61: {  	_ =	shalt  }
0x62: {  	_ =	shalt  }
0x63: {  	_ =	shalt  }
0x64: {  	_ =	shalt  }
0x65: {  	_ =	shalt  }
0x66: {  	_ =	shalt  }
0x67: {  	_ =	shalt  }
0x68: {  	_ =	shalt  }
0x69: {  	_ =	shalt  }
0x6a: {  	_ =	shalt  }
0x6b: {  	_ =	shalt  }
0x6c: {  	_ =	shalt  }
0x6d: {  	_ =	shalt  }
0x6e: {  	_ =	shalt  }
0x6f: {  	_ =	shalt  }
0x70: {  	_ =	shalt  }
0x71: {  	_ =	shalt  }
0x72: {  	_ =	shalt  }
0x73: {  	_ =	shalt  }
0x74: {  	_ =	shalt  }
0x75: {  	_ =	shalt  }
0x76: {  	_ =	shalt  }
0x77: {  	_ =	shalt  }
0x78: {  	_ =	shalt  }
0x79: {  	_ =	shalt  }
0x7a: {  	_ =	shalt  }
0x7b: {  	_ =	shalt  }
0x7c: {  	_ =	shalt  }
0x7d: {  	_ =	shalt  }
0x7e: {  	_ =	shalt  }
0x7f: {  	_ =	shalt  }
0x80: {  	_ =	shalt  }
0x81: {  	_ =	shalt  }
0x82: {  	_ =	shalt  }
0x83: {  	_ =	shalt  }
0x84: {  	_ =	shalt  }
0x85: {  	_ =	shalt  }
0x86: {  	_ =	shalt  }
0x87: {  	_ =	shalt  }
.Lfunc_end0:
.L_simem_size_0:
called_computation.2_lowered:
.L_overlay_start_0:
0x88: {  	s2 =	sld [smem:$0x3FD9]  }
0x89: {  	s3 =	sld [smem:$0x3FFE];
	_ =	sdelay $0x1  }
0x8a: {  	s1 =	srdreg.scid  }
0x8b: {  	s0 =	sand.u32 $0x1, s1  }
0x8c: {  	s16 =	sshll.u32 s0, $0xA;
	s2 =	sadd.s32 s3, s2  }
0x8d: {  	s2 =	sadd.s32 s2, s16  }
0x8e: {  	[smem:$0x3FBC] =	sst s2  }
0x8f: {  	_ = 	snop  }
0x90: {  	(tm) =	ssettm $0x1  }
0x91: {  	s17 =	sld [smem:$0x3FFB];
	_ =	sdelay $0x3  }
0x92: {  	_ =	strace s17  }
0x93: {  	s2 =	sld [smem:$0x3FFC];
	_ =	sdelay $0x3  }
0x94: {  	_ =	strace s2  }
0x95: {  	s2 =	sld [smem:$0x3FFD];
	_ =	sdelay $0x3  }
0x96: {  	_ =	strace s2  }
0x97: {  	_ =	strace $0x8FFFFFFF  }
0x98: {  	s18 =	sld [smem:$0x3FDB];
	_ =	sdelay $0x1  }
0x99: {  	s19 =	simm.s32 $_scs_section_size  }
0x9a: {  	s4 =	simm.s32 $_size__tile_overlayer_lowered;
	s5 =	simm.s32 $_tile_overlayer_lowered  }
0x9b: {  	s22 =	simm.s32 $0x1BFF;
	s21 =	sshll.u32 s5, $0x1;
	s2 =	sadd.s32 s19, s18  }
0x9c: {  	s6 =	simm.s32 $0x0;
	s20 =	sshll.u32 s4, $0x1;
	s4 =	sadd.s32 s21, s2  }
0x9d: {  	[timem:s6], [sflag:s22] =	dma.local [hbm:s4], s20  }
0x9e: {  	_ =	swait.ge [sflag:s22], s20  }
0x9f: {  	s3 =	ssub.s32 $0x0, s20;
	[sflag:s22] =	ssyncset.done $0x0  }
0xa0: {  	[sflag:s22] =	ssyncadd.s32 s3;
	_ =	sdelay $0x1  }
0xa1: {  	s23 =	simm.s32 $0x1B8B  }
0xa2: {  	_ =	swait.ge [sflag:s23], $0x1  }
0xa3: {  	[sflag:s23] =	ssyncset.done $0x0  }
0xa4: {  	s25 =	simm.s32 $0x1B8E;
	s24 =	sld [smem:$0x3FFE];
	[sflag:s23] =	ssyncadd.s32 $0xFFFFFFFF  }
0xa5: {  	s26 =	simm.s32 $execute0_lowered;
	[smem:$0x3FD2] =	sst s25  }
0xa6: {  	s4 =	sshll.u32 s26, $0x1;
	_ =	strace $0x8000004C;
	[dreg:$0x1] =	wrdreg $0xFFFFFFFF  }
0xa7: {  	s28 =	simm.s32 $_size_execute0_lowered;
	s2 =	sadd.s32 s2, s4;
	[dreg:$0x0] =	wrdreg $0x0  }
0xa8: {  	s4 =	sshll.u32 s28, $0x1;
	[dreg:$0x2] =	wrdreg s2  }
0xa9: {  	[dreg:$0x3] =	wrdreg s4  }
0xaa: {  	[dreg:$0x4] =	wrdreg $0xC0  }
0xab: {  	_ =	task [dreg:s6], $0x5FFFF  }
0xac: {  	[dreg:$0x1] =	wrdreg $0xFFFFFFFF  }
0xad: {  	[dreg:$0x0] =	wrdreg $0x60  }
0xae: {  	[dreg:$0x2] =	wrdreg s24  }
0xaf: {  	[dreg:$0x3] =	wrdreg $0x67200  }
0xb0: {  	[dreg:$0x4] =	wrdreg $0x9  }
0xb1: {  	_ =	task.clear_ibuf [dreg:s6], $0x5FFFF;
	_ =	strace $0x9000004C  }
0xb2: {  	s29 =	simm.s32 $0x9;
	_ =	strace $0x8000004E  }
0xb3: {  	_ =	swait.ge [sflag:s29], $0x1  }
0xb4: {  	[sflag:s29] =	ssyncadd.s32 $0xFFFFFFFF  }
0xb5: {  	_ =	strace $0x9000004E  }
0xb6: {  	_ =	sfence  }
0xb7: {  	s30 =	sld [smem:$0x0];
	_ =	sdelay $0x2  }
0xb8: {  	s31 =	sshll.u32 s1, $0xD;
	s1 =	sshrl.u32 s1, $0x2  }
0xb9: {  	s3 =	sand.u32 $0x4000, s31;
	s1 =	sadd.s32 s1, s30  }
0xba: {  	s0 =	sor.u32 s3, s0;
	s1 =	sshll.u32 s1, $0x11  }
0xbb: {  	s0 =	sor.u32 s1, s0  }
0xbc: {  	s0 =	sadd.s32 $0x8F2B, s0  }
0xbd: {  	[sflag:s0] =	ssyncadd.remote.s32 $0x1  }
0xbe: {  	_ =	sfence.sel $0xFFFF  }
0xbf: {  	[dreg:$0x0] =	wrdreg $0xFFFFFFFF;
	(pc) =	sbr.abs _section_cstart, $3  }
0xc0: {  	[dreg:$0x1] =	wrdreg $0xFFFFFFFF  }
0xc1: {  	_ =	task.clear_ibuf [dreg:s6], $0x2FFFF;
	_ =	strace $0x9FFFFFFF  }
0xc2: {  	(tm) =	ssettm $0x7FFFFFFF  }
0xc3: {  	_ =	shalt  }
tec
execute0_lowered:
.L_overlay_start_1:
0x0: {  	(tag) =	ssettag $0x1  }
0x1: {  	s0 =	srdreg.scid;
	s5 =	rddreg [dreg:$0x0]  }
0x2: {  	s1 =	stileid.u32;
	s2 =	rddreg [dreg:$0x1]  }
0x3: {  	s3 =	simm.s32 $0x0;
	s14 =	simm.s32 $0x320;
	s15 =	simm.s32 $0x2  }
0x4: {  	s16 =	simm.s32 $0x190;
	s17 =	simm.s32 $0x1;
	s18 =	simm.s32 $0x0  }
0x5: {  	s6 =	sand.u32 $0x1, s0;
	s7 =	smul.u32 $0x2710, s1;
	s0 =	rddreg [dreg:$0x2]  }
0x6: {  	[smem:$0x7FF] =	sst s3;
	s8 =	smul.u32 $0x9C00, s1;
	s9 =	sadd.s32 $0x6EC00, s5  }
0x7: {  	p0 =	sne.s32 s1, $0x0;
	s4 =	smul.u32 $0x27100, s6;
	s30 =	ssub.s32 $0x2, s6  }
0x8: {  	_ =	strace $0x8000004D;
	s12 =	smul.u32 $0x9C400, s6;
	s31 =	sshrl.u32 s30, $0x1  }
0x9: {  	s10 =	sadd.s32 $0x6400, s8;
	s4 =	sadd.s32 s7, s4;
	s11 =	ssub.s32 s30, s31  }
0xa: {  	s6 =	sadd.s32 s10, s2;
	s10 =	sadd.s32 s12, s10;
	s4 =	sshrl.u32 s4, $0x3  }
0xb: {  	s7 =	sadd.s32 $0x9C000, s2;
	s10 =	sshrl.u32 s10, $0x3;
	s13 =	sadd.s32 s4, s5  }
0xc: {  	s4 =	sadd.s32 $0x2A000, s5;
	s5 =	sadd.s32 s8, s2;
	s8 =	sadd.s32 s8, s12  }
0xd: {  	s11 =	smax.u32 s11, $0x1;
	s12 =	sshrl.u32 s12, $0x3;
	s8 =	sshrl.u32 s8, $0x3  }
0xe: {  	s12 =	sadd.s32 s9, s12;
	s8 =	sadd.s32 s9, s8;
	s9 =	sadd.s32 s9, s10  }
0xf: {  	v0 =	vimm.f32 $0.0e+00;
	s10 =	sadd.s32 $0x13800, s12;
	s12 =	sadd.s32 $0x5B000, s13;
	s13 =	sadd.s32 $0x64E00, s13  }
.LBB2_1:
0x10: {  	s20 =	simm.s32 $0x100;
	s19 =	simm.s32 $0x0  }
.LBB2_2:
0x11: {  	p1 =	sne.s32 s20, $0x18F00;
	[tilespmem:s19+$0x350] =	vst v0;
	s21 =	smov.u32 s20;
	s20 =	sadd.s32 $0x100, s20  }
.Ltmp0:
0x12: {  	[tilespmem:s19+$0x340] =	vst v0;
	(pc) =	sbr.rel @p1 .LBB2_2-.Ltmp0, $3  }
0x13: {  	[tilespmem:s19+$0x320] =	vst v0  }
0x14: {  	[tilespmem:s19+$0x330] =	vst v0;
	_ =	sdelay $0x1  }
0x15: {  	s19 =	sshra.s32 s21, $0x2  }
0x16: {  	[tilespmem:s19+$0x350] =	vst v0  }
0x17: {  	[tilespmem:s19+$0x340] =	vst v0  }
0x18: {  	[tilespmem:s19+$0x320] =	vst v0  }
0x19: {  	[tilespmem:s19+$0x330] =	vst v0  }
0x1a: {  	[spmem:s5] =	stream.linear.scatter [tilespmem:s14], [sflag:$0x2], $0x6400, $0x38;
	[tilespmem:$0x10360] =	vst v63  }
0x1b: {  	_ =	swait.ge [sflag:s15], $0x6400  }
0x1c: {  	[sflag:s15] =	ssyncset.done $0x0  }
0x1d: {  	[sflag:s15] =	ssyncadd.s32 $0xFFFF9C00  }
0x1e: {  	[spmem:s6] =	stream.linear.scatter [tilespmem:s14], [sflag:$0x2], $0x3800, $0x38;
	[tilespmem:$0x10360] =	vst v63  }
0x1f: {  	_ =	swait.ge [sflag:s15], $0x3800  }
0x20: {  	[sflag:s15] =	ssyncset.done $0x0  }
0x21: {  	s19 =	simm.s32 @!p0 $0x320;
	[sflag:s15] =	ssyncadd.s32 $0xFFFFC800  }
0x22: {  	[spmem:s7] =	stream.linear.scatter @!p0 [tilespmem:s19], [sflag:$0x2], $0x400, $0x38;
	[tilespmem:$0x10360] =	vst v63  }
0x23: {  	s19 =	simm.s32 @!p0 $0x2  }
0x24: {  	_ =	swait.ge @!p0 [sflag:s19], $0x400  }
0x25: {  	[sflag:s19] =	ssyncset.done @!p0 $0x0  }
0x26: {  	[sflag:s19] =	ssyncadd.s32 @!p0 $0xFFFFFC00  }
0x27: {  	s30 =	sadd.s32 $0x0, s13;
	[bflag:$0x0] =	sbarrier.arrive $0xFFFF  }
0x28: {  	[tilespmem:s3], [sflag:$0x2] =	stream.linear.gather [hbm4b:s30+s3], $0x190, $0x38;
	[tilespmem:$0x10360] =	vst v63  }
0x29: {  	_ =	swait.ge [sflag:s15], $0x190  }
0x2a: {  	[sflag:s15] =	ssyncset.done $0x0  }
0x2b: {  	s31 =	sadd.s32 $0x0, s12;
	[sflag:s15] =	ssyncadd.s32 $0xFFFFFE70  }
0x2c: {  	[tilespmem:s16], [sflag:$0x2] =	stream.linear.gather [hbm4b:s31+s3], $0x190, $0x38;
	[tilespmem:$0x10360] =	vst v63  }
0x2d: {  	_ =	swait.ge [sflag:s15], $0x190  }
0x2e: {  	[sflag:s15] =	ssyncset.done $0x0  }
0x2f: {  	[sflag:s15] =	ssyncadd.s32 $0xFFFFFE70  }
0x30: {  	[tilespmem:s14], [sflag:$0x1] =	stream.indirect.gather [hbm4b:s4+s16], $0x40, s3, s16, $0xb8;
	[tilespmem:$0x10360] =	vst v63  }
0x31: {  	_ =	swait.ge [sflag:s17], $0x6400  }
0x32: {  	[sflag:s17] =	ssyncset.done $0x0  }
0x33: {  	[sflag:s17] =	ssyncadd.s32 $0xFFFF9C00  }
0x34: {  	[spmem:s2] =	stream.indirect.scatter.add.f32 [tilespmem:s14], [sflag:$0x2], $0x40, s16, s16, $0xb8;
	[tilespmem:$0x10360] =	vst v63  }
0x35: {  	_ =	swait.ge [sflag:s15], $0x6400  }
0x36: {  	s20 =	simm.s32 $0x64;
	s19 =	simm.s32 $0x32;
	[sflag:s15] =	ssyncset.done $0x0  }
.LBB2_4:
0x37: {  	s21 =	sadd.s32 s19, s13  }
0x38: {  	[sflag:s15] =	ssyncadd.s32 $0xFFFF9C00;
	s22 =	smov.u32 s20;
	s23 =	sadd.s32 $0x32, s20  }
0x39: {  	[tilespmem:s3], [sflag:$0x2] =	stream.linear.gather [hbm4b:s21+s3], $0x190, $0x38;
	[tilespmem:$0x10360] =	vst v63  }
0x3a: {  	p1 =	sne.s32 s20, $0x4B0;
	_ =	swait.ge [sflag:s15], $0x190  }
0x3b: {  	[sflag:s15] =	ssyncset.done $0x0  }
0x3c: {  	s20 =	sadd.s32 s19, s12;
	s19 =	smov.u32 s22;
	[sflag:s15] =	ssyncadd.s32 $0xFFFFFE70  }
0x3d: {  	[tilespmem:s16], [sflag:$0x2] =	stream.linear.gather [hbm4b:s20+s3], $0x190, $0x38;
	[tilespmem:$0x10360] =	vst v63  }
0x3e: {  	_ =	swait.ge [sflag:s15], $0x190  }
0x3f: {  	[sflag:s15] =	ssyncset.done $0x0  }
0x40: {  	[sflag:s15] =	ssyncadd.s32 $0xFFFFFE70  }
0x41: {  	[tilespmem:s14], [sflag:$0x1] =	stream.indirect.gather [hbm4b:s4+s16], $0x40, s3, s16, $0xb8;
	[tilespmem:$0x10360] =	vst v63  }
0x42: {  	_ =	swait.ge [sflag:s17], $0x6400  }
.Ltmp1:
0x43: {  	[sflag:s17] =	ssyncset.done $0x0;
	(pc) =	sbr.rel @p1 .LBB2_4-.Ltmp1, $4  }
0x44: {  	[sflag:s17] =	ssyncadd.s32 $0xFFFF9C00  }
0x45: {  	[spmem:s2] =	stream.indirect.scatter.add.f32 [tilespmem:s14], [sflag:$0x2], $0x40, s16, s16, $0xb8;
	[tilespmem:$0x10360] =	vst v63  }
0x46: {  	_ =	swait.ge [sflag:s15], $0x6400  }
0x47: {  	s20 =	smov.u32 s23;
	[sflag:s15] =	ssyncset.done $0x0  }
0x48: {  	s20 =	sadd.s32 s19, s13;
	[sflag:s15] =	ssyncadd.s32 $0xFFFF9C00  }
0x49: {  	[tilespmem:s3], [sflag:$0x2] =	stream.linear.gather [hbm4b:s20+s3], $0x190, $0x38;
	[tilespmem:$0x10360] =	vst v63  }
0x4a: {  	_ =	swait.ge [sflag:s15], $0x190  }
0x4b: {  	[sflag:s15] =	ssyncset.done $0x0  }
0x4c: {  	s28 =	sadd.s32 s19, s12;
	[sflag:s15] =	ssyncadd.s32 $0xFFFFFE70  }
0x4d: {  	[tilespmem:s16], [sflag:$0x2] =	stream.linear.gather [hbm4b:s28+s3], $0x190, $0x38;
	[tilespmem:$0x10360] =	vst v63  }
0x4e: {  	_ =	swait.ge [sflag:s15], $0x190  }
0x4f: {  	[sflag:s15] =	ssyncset.done $0x0  }
0x50: {  	[sflag:s15] =	ssyncadd.s32 $0xFFFFFE70  }
0x51: {  	[tilespmem:s14], [sflag:$0x1] =	stream.indirect.gather [hbm4b:s4+s16], $0x40, s3, s16, $0xb8;
	[tilespmem:$0x10360] =	vst v63  }
0x52: {  	_ =	swait.ge [sflag:s17], $0x6400  }
0x53: {  	[sflag:s17] =	ssyncset.done $0x0  }
0x54: {  	[sflag:s17] =	ssyncadd.s32 $0xFFFF9C00  }
0x55: {  	[spmem:s2] =	stream.indirect.scatter.add.f32 [tilespmem:s14], [sflag:$0x2], $0x40, s16, s16, $0xb8;
	[tilespmem:$0x10360] =	vst v63  }
0x56: {  	_ =	swait.ge [sflag:s15], $0x6400  }
0x57: {  	[sflag:s15] =	ssyncset.done $0x0  }
0x58: {  	s29 =	sshll.u32 s1, $0x6;
	[sflag:s15] =	ssyncadd.s32 $0xFFFF9C00  }
0x59: {  	s30 =	sshrl.u32 s5, $0x3;
	s19 =	sor.u32 $0x1C02, s29;
	[bflag:$0x0] =	sbarrier.arrive $0xFFFF  }
0x5a: {  	[hbm:s8], [sflag:s19] =	dma.local [spmem:s30], $0xC80  }
0x5b: {  	_ =	swait.ge [sflag:s15], $0xC80  }
0x5c: {  	[sflag:s15] =	ssyncset.done $0x0  }
0x5d: {  	s31 =	sshrl.u32 s6, $0x3;
	[sflag:s15] =	ssyncadd.s32 $0xFFFFF380  }
0x5e: {  	[hbm:s9], [sflag:s19] =	dma.local [spmem:s31], $0x700  }
0x5f: {  	_ =	swait.ge [sflag:s15], $0x700  }
0x60: {  	s18 =	sadd.s32 $0x1, s18;
	[sflag:s15] =	ssyncset.done $0x0  }
0x61: {  	s20 =	sshrl.u32 @!p0 s7, $0x3;
	p1 =	sne.s32 s18, s11;
	[sflag:s15] =	ssyncadd.s32 $0xFFFFF900  }
0x62: {  	[hbm:s10], [sflag:s19] =	dma.local @!p0 [spmem:s20], $0x80  }
.Ltmp2:
0x63: {  	_ = 	snop;
	(pc) =	sbr.rel @p1 .LBB2_1-.Ltmp2, $4  }
0x64: {  	s19 =	simm.s32 @!p0 $0x2  }
0x65: {  	_ =	swait.ge @!p0 [sflag:s19], $0x80  }
0x66: {  	[sflag:s19] =	ssyncset.done @!p0 $0x0  }
0x67: {  	[sflag:s19] =	ssyncadd.s32 @!p0 $0xFFFFFF80  }
0x68: {  	_ =	sfence.sel $0x180000  }
0x69: {  	[bflag:$0x0] =	sbarrier.arrive $0xFFFF  }
0x6a: {  	_ =	strace $0x9000004D  }
0x6b: {  	s0 =	sadd.s32 @!p0 $0x100000, s0;
	[bflag:$0x2] =	sbarrier.arrive $0xFFFF  }
0x6c: {  	[sflag:s0] =	ssyncadd.tile.s32 @!p0 $0x1;
	_ =	shalt  }
.Lfunc_end2:
_tile_overlayer_lowered:
.L_overlay_start_2:
0x6d: {  	(tag) =	ssettag $0x2  }
0x6e: {  	s0 =	rddreg [dreg:$0x0];
	s2 =	stileid.u32  }
0x6f: {  	s1 =	rddreg [dreg:$0x1];
	p0 =	sne.s32 s2, $0x0  }
0x70: {  	s3 =	rddreg [dreg:$0x2];
	[bflag:$0x3] =	sbarrier.arrive $0xFFFF;
	s2 =	simm.s32 @!p0 $0x1C02  }
0x71: {  	[timem:s3], [sflag:s2] =	dma.local @!p0 [hbm:s0], s1  }
0x72: {  	s0 =	simm.s32 @!p0 $0x2  }
0x73: {  	_ =	swait.ge @!p0 [sflag:s0], s1  }
0x74: {  	s1 =	ssub.s32 @!p0 $0x0, s1;
	[sflag:s0] =	ssyncset.done @!p0 $0x0  }
0x75: {  	[sflag:s0] =	ssyncadd.s32 @!p0 s1  }
0x76: {  	[bflag:$0x3] =	sbarrier.arrive $0xFFFF  }
0x77: {  	_ =	shalt  }

// kernel: kernel.8.cloned.1.call-start
scs
__scs_entry_jumppad:
0x0: {  	(pc) =	sbr.rel $0x88, $3  }
0x1: {  	(tag) =	ssettag $0x0;
	lr =	simm.s32 $0x1  }
0x2: {  	[smem:$0x3F95] =	sst lr;
	_ =	strace $0xD0000000  }
0x3: {  	_ = 	snop  }
0x4: {  	_ = 	snop  }
0x5: {  	_ = 	snop  }
0x6: {  	_ = 	snop  }
0x7: {  	_ = 	snop  }
__scs_overlays_trampoline_lowered:
0x8: {  	[smem:$0x3FA4] =	sst s0  }
0x9: {  	[smem:$0x3FA5] =	sst s1  }
0xa: {  	[smem:$0x3FA6] =	sst s2  }
0xb: {  	[smem:$0x3FA7] =	sst s3  }
0xc: {  	[smem:$0x3FA8] =	sst s4  }
0xd: {  	[smem:$0x3FA9] =	sst s5  }
0xe: {  	[smem:$0x3FAA] =	sst s6  }
0xf: {  	[smem:$0x3FAB] =	sst s7  }
0x10: {  	[smem:$0x3FAC] =	sst s8  }
0x11: {  	[smem:$0x3FAD] =	sst s9;
	s0 =	simm.s32 @!p0 $0x0  }
0x12: {  	s1 =	sld [smem:$0x3F93];
	s0 =	simm.s32 @p0 $0x1  }
0x13: {  	[smem:$0x3FAE] =	sst s0;
	s0 =	simm.s32 @!p1 $0x0  }
0x14: {  	s2 =	sld [smem:$0x3F92];
	s0 =	simm.s32 @p1 $0x1  }
0x15: {  	[smem:$0x3FAF] =	sst s0;
	s0 =	simm.s32 @!p2 $0x0  }
0x16: {  	s3 =	sld [smem:$0x3FDB];
	s0 =	simm.s32 @p2 $0x1  }
0x17: {  	s4 =	simm.s32 $0x1BF5;
	[smem:$0x3FB1] =	sst s0  }
0x18: {  	s0 =	sld [smem:$0x3F94];
	_ =	swait.ge [sflag:s4], $0x0  }
0x19: {  	s7 =	sld [smem:$0x3F95]  }
0x1a: {  	s8 =	sadd.s32 $0xFFFFE003, lr  }
0x1b: {  	s9 =	sadd.s32 $0xFFFFFEF7, lr;
	s5 =	simm.s32 $0xFFFFFFFF;
	p2 =	slt.u32 s8, $0xFFFFF086  }
0x1c: {  	p1 =	slt.u32 s9, $0xF7A;
	s5 =	simm.s32 @!p2 $0x0  }
0x1d: {  	s5 =	simm.s32 @p1 $0x1;
	p0 =	seq.s32 s7, s2  }
0x1e: {  	s7 =	smul.u32 @!p0 $0xF7A, s2;
	p2 =	seq.s32 @!p0 s5, $0x0  }
0x1f: {  	s9 =	smul.u32 $0xF7A, s1;
	s8 =	simm.s32 @!p0 $0x1BF5;
	p2 =	por !p2, p0  }
0x20: {  	[sflag:s8] =	ssyncset.s32 @!p0 $0xFFFFF086;
	s6 =	sadd.s32 @!p0 s3, s7;
	s7 =	simm.s32 @!p0 $0x108  }
0x21: {  	s3 =	sadd.s32 s3, s9;
	s6 =	sadd.s32 @!p0 $0x88, s6;
	s7 =	simm.s32 @p2 $0x1082  }
0x22: {  	[simem:s7], [sflag:s8] =	dma.local @!p0 [hbm:s6], $0xF7A  }
0x23: {  	s9 =	sor.u32 $0xD0000000, s2;
	s6 =	simm.s32 $0x108;
	_ =	swait.ge @!p0 [sflag:s8], $0x0  }
0x24: {  	s3 =	sadd.s32 $0x88, s3;
	s6 =	simm.s32 @!p1 $0x1082;
	[sflag:s4] =	ssyncset.s32 $0xFFFFF086  }
0x25: {  	[simem:s6], [sflag:s4] =	dma.local [hbm:s3], $0xF7A  }
0x26: {  	[smem:$0x3F95] =	sst s1;
	(tag) =	ssettag s2;
	_ =	strace s9  }
0x27: {  	s1 =	sld [smem:$0x3FA5]  }
0x28: {  	s2 =	sld [smem:$0x3FA6]  }
0x29: {  	s4 =	sld [smem:$0x3FA8]  }
0x2a: {  	p0 =	seq.s32 s5, $0x0;
	s5 =	sld [smem:$0x3FA9]  }
0x2b: {  	s6 =	sld [smem:$0x3FAA]  }
0x2c: {  	s7 =	sld [smem:$0x3FAB]  }
0x2d: {  	s3 =	simm.s32 $0x108;
	s8 =	sld [smem:$0x3FAC]  }
0x2e: {  	s3 =	simm.s32 @!p0 $0x1082;
	s9 =	sld [smem:$0x3FAD]  }
0x2f: {  	lr =	sadd.s32 s0, s3;
	s0 =	sld [smem:$0x3FA4]  }
0x30: {  	s3 =	sld [smem:$0x3FA7]  }
0x31: {  	[smem:$0x3FB0] =	sst s10  }
0x32: {  	s10 =	sld [smem:$0x3FAE];
	_ =	sdelay $0x3  }
0x33: {  	p0 =	seq.s32 s10, $0x1;
	s10 =	sld [smem:$0x3FB0];
	_ =	sdelay $0x3  }
0x34: {  	[smem:$0x3FB0] =	sst s10  }
0x35: {  	s10 =	sld [smem:$0x3FAF];
	_ =	sdelay $0x3  }
0x36: {  	p1 =	seq.s32 s10, $0x1;
	s10 =	sld [smem:$0x3FB0];
	_ =	sdelay $0x3  }
0x37: {  	[smem:$0x3FB0] =	sst s10  }
0x38: {  	s10 =	sld [smem:$0x3FB1]  }
0x39: {  	_ = 	snop;
	(pc) =	sbr.ind lr, $3  }
0x3a: {  	_ = 	snop  }
0x3b: {  	_ = 	snop  }
0x3c: {  	p2 =	seq.s32 s10, $0x1;
	s10 =	sld [smem:$0x3FB0]  }
0x3d: {  	_ =	shalt  }
0x3e: {  	_ =	shalt  }
0x3f: {  	_ =	shalt  }
0x40: {  	_ =	shalt  }
0x41: {  	_ =	shalt  }
0x42: {  	_ =	shalt  }
0x43: {  	_ =	shalt  }
0x44: {  	_ =	shalt  }
0x45: {  	_ =	shalt  }
0x46: {  	_ =	shalt  }
0x47: {  	_ =	shalt  }
0x48: {  	_ =	shalt  }
0x49: {  	_ =	shalt  }
0x4a: {  	_ =	shalt  }
0x4b: {  	_ =	shalt  }
0x4c: {  	_ =	shalt  }
0x4d: {  	_ =	shalt  }
0x4e: {  	_ =	shalt  }
0x4f: {  	_ =	shalt  }
0x50: {  	_ =	shalt  }
0x51: {  	_ =	shalt  }
0x52: {  	_ =	shalt  }
0x53: {  	_ =	shalt  }
0x54: {  	_ =	shalt  }
0x55: {  	_ =	shalt  }
0x56: {  	_ =	shalt  }
0x57: {  	_ =	shalt  }
0x58: {  	_ =	shalt  }
0x59: {  	_ =	shalt  }
0x5a: {  	_ =	shalt  }
0x5b: {  	_ =	shalt  }
0x5c: {  	_ =	shalt  }
0x5d: {  	_ =	shalt  }
0x5e: {  	_ =	shalt  }
0x5f: {  	_ =	shalt  }
0x60: {  	_ =	shalt  }
0x61: {  	_ =	shalt  }
0x62: {  	_ =	shalt  }
0x63: {  	_ =	shalt  }
0x64: {  	_ =	shalt  }
0x65: {  	_ =	shalt  }
0x66: {  	_ =	shalt  }
0x67: {  	_ =	shalt  }
0x68: {  	_ =	shalt  }
0x69: {  	_ =	shalt  }
0x6a: {  	_ =	shalt  }
0x6b: {  	_ =	shalt  }
0x6c: {  	_ =	shalt  }
0x6d: {  	_ =	shalt  }
0x6e: {  	_ =	shalt  }
0x6f: {  	_ =	shalt  }
0x70: {  	_ =	shalt  }
0x71: {  	_ =	shalt  }
0x72: {  	_ =	shalt  }
0x73: {  	_ =	shalt  }
0x74: {  	_ =	shalt  }
0x75: {  	_ =	shalt  }
0x76: {  	_ =	shalt  }
0x77: {  	_ =	shalt  }
0x78: {  	_ =	shalt  }
0x79: {  	_ =	shalt  }
0x7a: {  	_ =	shalt  }
0x7b: {  	_ =	shalt  }
0x7c: {  	_ =	shalt  }
0x7d: {  	_ =	shalt  }
0x7e: {  	_ =	shalt  }
0x7f: {  	_ =	shalt  }
0x80: {  	_ =	shalt  }
0x81: {  	_ =	shalt  }
0x82: {  	_ =	shalt  }
0x83: {  	_ =	shalt  }
0x84: {  	_ =	shalt  }
0x85: {  	_ =	shalt  }
0x86: {  	_ =	shalt  }
0x87: {  	_ =	shalt  }
.Lfunc_end0:
.L_simem_size_0:
called_computation_lowered:
.L_overlay_start_0:
0x88: {  	s2 =	sld [smem:$0x3FD9]  }
0x89: {  	s3 =	sld [smem:$0x3FFE];
	_ =	sdelay $0x1  }
0x8a: {  	s1 =	srdreg.scid  }
0x8b: {  	s0 =	sand.u32 $0x1, s1  }
0x8c: {  	s16 =	sshll.u32 s0, $0xA;
	s2 =	sadd.s32 s3, s2  }
0x8d: {  	s2 =	sadd.s32 s2, s16  }
0x8e: {  	[smem:$0x3FBC] =	sst s2  }
0x8f: {  	_ = 	snop  }
0x90: {  	(tm) =	ssettm $0x1  }
0x91: {  	s17 =	sld [smem:$0x3FFB];
	_ =	sdelay $0x3  }
0x92: {  	_ =	strace s17  }
0x93: {  	s2 =	sld [smem:$0x3FFC];
	_ =	sdelay $0x3  }
0x94: {  	_ =	strace s2  }
0x95: {  	s2 =	sld [smem:$0x3FFD];
	_ =	sdelay $0x3  }
0x96: {  	_ =	strace s2  }
0x97: {  	_ =	strace $0x8FFFFFFF  }
0x98: {  	s18 =	sld [smem:$0x3FDB];
	_ =	sdelay $0x1  }
0x99: {  	s19 =	simm.s32 $_scs_section_size  }
0x9a: {  	s4 =	simm.s32 $_size__tile_overlayer_lowered;
	s5 =	simm.s32 $_tile_overlayer_lowered  }
0x9b: {  	s22 =	simm.s32 $0x1BFF;
	s21 =	sshll.u32 s5, $0x1;
	s2 =	sadd.s32 s19, s18  }
0x9c: {  	s6 =	simm.s32 $0x0;
	s20 =	sshll.u32 s4, $0x1;
	s4 =	sadd.s32 s21, s2  }
0x9d: {  	[timem:s6], [sflag:s22] =	dma.local [hbm:s4], s20  }
0x9e: {  	_ =	swait.ge [sflag:s22], s20  }
0x9f: {  	s3 =	ssub.s32 $0x0, s20;
	[sflag:s22] =	ssyncset.done $0x0  }
0xa0: {  	[sflag:s22] =	ssyncadd.s32 s3;
	_ =	sdelay $0x1  }
0xa1: {  	s23 =	simm.s32 $0x1B8B  }
0xa2: {  	_ =	swait.ge [sflag:s23], $0x1  }
0xa3: {  	[sflag:s23] =	ssyncset.done $0x0  }
0xa4: {  	s25 =	simm.s32 $0x1B8E;
	s24 =	sld [smem:$0x3FFE];
	[sflag:s23] =	ssyncadd.s32 $0xFFFFFFFF  }
0xa5: {  	s26 =	simm.s32 $execute0_lowered;
	[smem:$0x3FD2] =	sst s25  }
0xa6: {  	s4 =	sshll.u32 s26, $0x1;
	_ =	strace $0x80000046;
	[dreg:$0x1] =	wrdreg $0xFFFFFFFF  }
0xa7: {  	s28 =	simm.s32 $_size_execute0_lowered;
	s2 =	sadd.s32 s2, s4;
	[dreg:$0x0] =	wrdreg $0x0  }
0xa8: {  	s4 =	sshll.u32 s28, $0x1;
	[dreg:$0x2] =	wrdreg s2  }
0xa9: {  	[dreg:$0x3] =	wrdreg s4  }
0xaa: {  	[dreg:$0x4] =	wrdreg $0xC0  }
0xab: {  	_ =	task [dreg:s6], $0x5FFFF  }
0xac: {  	[dreg:$0x1] =	wrdreg $0xFFFFFFFF  }
0xad: {  	[dreg:$0x0] =	wrdreg $0x60  }
0xae: {  	[dreg:$0x2] =	wrdreg s24  }
0xaf: {  	[dreg:$0x3] =	wrdreg $0x4E200  }
0xb0: {  	[dreg:$0x4] =	wrdreg $0x9  }
0xb1: {  	_ =	task.clear_ibuf [dreg:s6], $0x5FFFF;
	_ =	strace $0x90000046  }
0xb2: {  	s29 =	simm.s32 $0x9;
	_ =	strace $0x80000048  }
0xb3: {  	_ =	swait.ge [sflag:s29], $0x1  }
0xb4: {  	[sflag:s29] =	ssyncadd.s32 $0xFFFFFFFF  }
0xb5: {  	_ =	strace $0x90000048  }
0xb6: {  	_ =	sfence  }
0xb7: {  	s30 =	sld [smem:$0x0];
	_ =	sdelay $0x2  }
0xb8: {  	s31 =	sshll.u32 s1, $0xD;
	s1 =	sshrl.u32 s1, $0x2  }
0xb9: {  	s3 =	sand.u32 $0x4000, s31;
	s1 =	sadd.s32 s1, s30  }
0xba: {  	s0 =	sor.u32 s3, s0;
	s1 =	sshll.u32 s1, $0x11  }
0xbb: {  	s0 =	sor.u32 s1, s0  }
0xbc: {  	s0 =	sadd.s32 $0x8F2B, s0  }
0xbd: {  	[sflag:s0] =	ssyncadd.remote.s32 $0x1  }
0xbe: {  	_ =	sfence.sel $0xFFFF  }
0xbf: {  	[dreg:$0x0] =	wrdreg $0xFFFFFFFF;
	(pc) =	sbr.abs _section_cstart, $3  }
0xc0: {  	[dreg:$0x1] =	wrdreg $0xFFFFFFFF  }
0xc1: {  	_ =	task.clear_ibuf [dreg:s6], $0x2FFFF;
	_ =	strace $0x9FFFFFFF  }
0xc2: {  	(tm) =	ssettm $0x7FFFFFFF  }
0xc3: {  	_ =	shalt  }
tec
execute0_lowered:
.L_overlay_start_1:
0x0: {  	(tag) =	ssettag $0x1  }
0x1: {  	s0 =	rddreg [dreg:$0x0]  }
0x2: {  	s1 =	rddreg [dreg:$0x1]  }
0x3: {  	s2 =	simm.s32 $0x0;
	s5 =	srdreg.scid;
	s17 =	stileid.u32  }
0x4: {  	s18 =	simm.s32 $0x3;
	s19 =	simm.s32 $0x190;
	s20 =	simm.s32 $0x320  }
0x5: {  	s21 =	simm.s32 $0x1C20;
	s22 =	simm.s32 $0x1;
	s23 =	simm.s32 $0x2  }
0x6: {  	s24 =	simm.s32 $0x0;
	s25 =	simm.s32 $0x0;
	[smem:$0x7FF] =	sst s2  }
0x7: {  	s3 =	sadd.s32 $0x64E00, s0;
	s4 =	sadd.s32 $0x5B000, s0;
	s6 =	sand.u32 $0x1, s5  }
0x8: {  	s5 =	sadd.s32 $0x56000, s0;
	s7 =	sadd.s32 $0x51000, s0;
	s13 =	smul.u32 $0x2700, s17  }
0x9: {  	s8 =	sadd.s32 $0x78A00, s0;
	s0 =	sadd.s32 $0x6EC00, s0;
	s11 =	sadd.s32 $0x27000, s1  }
0xa: {  	p0 =	sne.s32 s17, $0x0;
	_ =	strace $0x80000047;
	s9 =	ssub.s32 $0x2, s6  }
0xb: {  	s31 =	sshll.u32 s6, $0x4;
	s6 =	smul.u32 $0x27100, s6;
	s10 =	sshrl.u32 s9, $0x1  }
0xc: {  	s14 =	sadd.s32 $0x1900, s13;
	s12 =	sor.u32 s17, s31;
	s17 =	simm.s32 $0x3520  }
0xd: {  	s16 =	ssub.s32 s9, s10;
	s9 =	sadd.s32 s13, s1;
	s10 =	sadd.s32 s14, s1  }
0xe: {  	s12 =	smul.u32 $0x2710, s12;
	s13 =	sadd.s32 s13, s6;
	s14 =	sadd.s32 s6, s14  }
0xf: {  	s6 =	sshrl.u32 s6, $0x3;
	s13 =	sshrl.u32 s13, $0x3;
	s14 =	sshrl.u32 s14, $0x3  }
0x10: {  	v0 =	vimm.f32 $0.0e+00;
	vm0 =	vcmask $0x1310;
	s6 =	sadd.s32 s0, s6;
	s16 =	smax.u32 s16, $0x1;
	s13 =	sadd.s32 s0, s13  }
0x11: {  	v1 =	vsel vm0, $0x3F800000, v0;
	vm0 =	vmmov $0xf;
	s14 =	sadd.s32 s0, s14;
	s15 =	sadd.s32 $0x4E00, s6;
	[dreg:$0x3] =	wrdreg s13  }
.LBB2_1:
0x12: {  	s0 =	simm.s32 $0x40;
	s6 =	simm.s32 $0x0  }
.LBB2_2:
0x13: {  	p1 =	sne.s32 s0, $0x63C0;
	[tilespmem:s6+$0x3520] =	vst v0;
	s6 =	smov.u32 s0;
	s0 =	sadd.s32 $0x40, s0  }
.Ltmp0:
0x14: {  	(pc) =	sbr.rel @p1 .LBB2_2-.Ltmp0, $2  }
0x15: {  	_ =	sdelay $0x2  }
0x16: {  	s6 =	sshra.s32 s6, $0x2  }
0x17: {  	[tilespmem:s6+$0x3520] =	vst v0  }
0x18: {  	[spmem:s9] =	stream.linear.scatter [tilespmem:s17], [sflag:$0x3], $0x1900, $0x38;
	[tilespmem:$0x7530] =	vst v63  }
0x19: {  	_ =	swait.ge [sflag:s18], $0x1900  }
0x1a: {  	[sflag:s18] =	ssyncset.done $0x0  }
0x1b: {  	[sflag:s18] =	ssyncadd.s32 $0xFFFFE700  }
0x1c: {  	[spmem:s10] =	stream.linear.scatter [tilespmem:s17], [sflag:$0x3], $0xE00, $0x38;
	[tilespmem:$0x7530] =	vst v63  }
0x1d: {  	_ =	swait.ge [sflag:s18], $0xE00  }
0x1e: {  	[sflag:s18] =	ssyncset.done $0x0  }
0x1f: {  	s0 =	simm.s32 @!p0 $0x3520;
	[sflag:s18] =	ssyncadd.s32 $0xFFFFF200  }
0x20: {  	[spmem:s11] =	stream.linear.scatter @!p0 [tilespmem:s0], [sflag:$0x3], $0x100, $0x38;
	[tilespmem:$0x7530] =	vst v63  }
0x21: {  	s0 =	simm.s32 @!p0 $0x3  }
0x22: {  	_ =	swait.ge @!p0 [sflag:s0], $0x100  }
0x23: {  	[sflag:s0] =	ssyncset.done @!p0 $0x0  }
0x24: {  	[sflag:s0] =	ssyncadd.s32 @!p0 $0xFFFFFF00  }
0x25: {  	s26 =	simm.s32 $0x0;
	[bflag:$0x0] =	sbarrier.arrive $0xFFFF  }
.LBB2_4:
0x26: {  	s0 =	smul.u32 $0x190, s26;
	_ =	sdelay $0x1  }
0x27: {  	s28 =	sadd.s32 s12, s0  }
0x28: {  	s0 =	sshrl.u32 s28, $0x3  }
0x29: {  	s6 =	sadd.s32 s3, s0  }
0x2a: {  	[tilespmem:s25], [sflag:$0x3] =	stream.linear.gather [hbm4b:s6+s25], $0x190, $0x38;
	[tilespmem:$0x7530] =	vst v63  }
0x2b: {  	_ =	swait.ge [sflag:s18], $0x190  }
0x2c: {  	[sflag:s18] =	ssyncset.done $0x0  }
0x2d: {  	s0 =	sadd.s32 s4, s0;
	[sflag:s18] =	ssyncadd.s32 $0xFFFFFE70  }
0x2e: {  	[tilespmem:s19], [sflag:$0x3] =	stream.linear.gather [hbm4b:s0+s25], $0x190, $0x38;
	[tilespmem:$0x7530] =	vst v63  }
0x2f: {  	_ =	swait.ge [sflag:s18], $0x190  }
0x30: {  	[sflag:s18] =	ssyncset.done $0x0  }
0x31: {  	[sflag:s18] =	ssyncadd.s32 $0xFFFFFE70  }
0x32: {  	[tilespmem:s20], [sflag:$0x1] =	stream.indirect.gather [hbm4b:s5+s19], $0x10, s25, s19, $0xb8;
	[tilespmem:$0x7530] =	vst v63  }
0x33: {  	_ = 	snop  }
0x34: {  	[tilespmem:s21], [sflag:$0x2] =	stream.indirect.gather [hbm4b:s7+s19], $0x10, s19, s19, $0xb8;
	[tilespmem:$0x7530] =	vst v63  }
0x35: {  	_ =	swait.ge [sflag:s22], $0x1900  }
0x36: {  	[sflag:s22] =	ssyncset.done $0x0  }
0x37: {  	[sflag:s22] =	ssyncadd.s32 $0xFFFFE700  }
0x38: {  	_ =	swait.ge [sflag:s23], $0x1900  }
0x39: {  	[sflag:s23] =	ssyncset.done $0x0  }
0x3a: {  	s30 =	simm.s32 $0x0;
	[sflag:s23] =	ssyncadd.s32 $0xFFFFE700  }
0x3b: {  	v2 =	vld [tilespmem:s30+$0x320]  }
0x3c: {  	v3 =	vld [tilespmem:s30+$0x1C20];
	_ =	sdelay $0x4  }
0x3d: {  	v2 =	vadd.f32 v3, v2  }
0x3e: {  	s29 =	simm.s32 $0x10  }
0x3f: {  	v4 =	vld [tilespmem:s29+$0x320];
	v3 =	vmul.f32 $2.000000030e-01, v2  }
0x40: {  	v5 =	vld [tilespmem:s29+$0x1C20];
	vm1 =	vgt.f32 v2, $0.0e+00  }
0x41: {  	v2 =	vsel vm1, v2, v3  }
0x42: {  	s31 =	simm.s32 $0x20;
	v2 =	vmul.f32 $1.442695020e+00, v2  }
0x43: {  	v3 =	vld [tilespmem:s31+$0x320]  }
0x44: {  	(erf) = vpow2.f32 v2;
	v2 =	vld [tilespmem:s31+$0x1C20]  }
0x45: {  	v4 =	vadd.f32 v5, v4;
	_ =	sdelay $0x1  }
0x46: {  	v5 =	vmul.f32 $2.000000030e-01, v4  }
0x47: {  	vm1 =	vgt.f32 v4, $0.0e+00  }
0x48: {  	v6 =	vadd.f32 v2, v3;
	v2 =	vsel vm1, v4, v5  }
0x49: {  	s0 =	simm.s32 $0x30;
	v3 =	vmul.f32 $1.442695020e+00, v2  }
0x4a: {  	v2 =	vld [tilespmem:s0+$0x320];
	v4 =	vmul.f32 $2.000000030e-01, v6  }
0x4b: {  	(erf) = vpow2.f32 v3;
	v3 =	vld [tilespmem:s0+$0x1C20];
	_ =	sdelay $0x1  }
0x4c: {  	vm1 =	vgt.f32 v6, $0.0e+00  }
0x4d: {  	s6 =	simm.s32 $0x100;
	v5 =	vsel vm1, v6, v4;
	v4 =	vpop (erf)  }
.LBB2_5:
0x4e: {  	s13 =	sshra.s32 s6, $0x2;
	v5 =	vmul.f32 $1.442695020e+00, v5;
	v4 =	vsel vm0, v4, v1;
	p1 =	sne.s32 s6, $0x63C0  }
.Ltmp1:
0x4f: {  	s6 =	sadd.s32 $0x40, s6;
	v6 =	vadd.f32 v3, v2;
	v2 =	vld [tilespmem:s13+$0x320];
	[tilespmem:s30+$0x3520] =	vst v4;
	(pc) =	sbr.rel @p1 .LBB2_5-.Ltmp1, $4  }
0x50: {  	s30 =	smov.u32 s29;
	s29 =	smov.u32 s31;
	s31 =	smov.u32 s0;
	v3 =	vld [tilespmem:s13+$0x1C20];
	(erf) = vpow2.f32 v5  }
0x51: {  	s0 =	smov.u32 s13;
	v7 =	vmul.f32 $2.000000030e-01, v6  }
0x52: {  	vm1 =	vgt.f32 v6, $0.0e+00  }
0x53: {  	v5 =	vsel vm1, v6, v7;
	v4 =	vpop (erf)  }
0x54: {  	_ = 	snop  }
0x55: {  	v2 =	vadd.f32 v3, v2;
	_ =	sdelay $0x1  }
0x56: {  	v3 =	vmul.f32 $2.000000030e-01, v2  }
0x57: {  	vm1 =	vgt.f32 v2, $0.0e+00  }
0x58: {  	v2 =	vsel vm1, v2, v3;
	v3 =	vmul.f32 $1.442695020e+00, v5  }
0x59: {  	v2 =	vmul.f32 $1.442695020e+00, v2  }
0x5a: {  	(erf) = vpow2.f32 v3  }
0x5b: {  	(erf) = vpow2.f32 v2;
	_ =	sdelay $0x4  }
0x5c: {  	v3 =	vsel vm0, v4, v1;
	_ =	sdelay $0x1  }
0x5d: {  	v2 =	vpop (erf)  }
0x5e: {  	[tilespmem:s30+$0x3520] =	vst v3;
	v2 =	vsel vm0, v2, v1;
	v3 =	vpop (erf)  }
0x5f: {  	[tilespmem:s29+$0x3520] =	vst v2;
	v2 =	vsel vm0, v3, v1;
	v3 =	vpop (erf)  }
0x60: {  	[tilespmem:s31+$0x3520] =	vst v2;
	v2 =	vsel vm0, v3, v1  }
0x61: {  	[tilespmem:s0+$0x3520] =	vst v2  }
0x62: {  	[spmem:s1] =	stream.indirect.scatter.add.f32 [tilespmem:s17], [sflag:$0x3], $0x10, s19, s19, $0xb8;
	[tilespmem:$0x7530] =	vst v63  }
0x63: {  	s26 =	sadd.s32 $0x1, s26;
	_ =	swait.ge [sflag:s18], $0x1900  }
0x64: {  	p1 =	sne.s32 s26, $0x19;
	s31 =	sshll.u32 s28, $0x1;
	[sflag:s18] =	ssyncset.done $0x0  }
.Ltmp2:
0x65: {  	s0 =	sadd.s32 s8, s31;
	[sflag:s18] =	ssyncadd.s32 $0xFFFFE700;
	(pc) =	sbr.rel @p1 .LBB2_4-.Ltmp2, $4  }
0x66: {  	[hbm4b:s0+s2] =	stream.linear.scatter [tilespmem:s17], [sflag:$0x3], $0x1900, $0x38;
	[tilespmem:$0x7530] =	vst v63  }
0x67: {  	_ =	swait.ge [sflag:s18], $0x1900  }
0x68: {  	[sflag:s18] =	ssyncset.done $0x0  }
0x69: {  	[sflag:s18] =	ssyncadd.s32 $0xFFFFE700  }
0x6a: {  	s0 =	stileid.u32  }
0x6b: {  	[bflag:$0x0] =	sbarrier.arrive $0xFFFF;
	s0 =	sshll.u32 s0, $0x6  }
0x6c: {  	s6 =	sshrl.u32 s9, $0x3;
	s13 =	rddreg [dreg:$0x3];
	s0 =	sor.u32 $0x1C03, s0  }
0x6d: {  	[hbm:s13], [sflag:s0] =	dma.local [spmem:s6], $0x320  }
0x6e: {  	_ =	swait.ge [sflag:s18], $0x320  }
0x6f: {  	[sflag:s18] =	ssyncset.done $0x0  }
0x70: {  	s31 =	sshrl.u32 s10, $0x3;
	[sflag:s18] =	ssyncadd.s32 $0xFFFFFCE0  }
0x71: {  	[hbm:s14], [sflag:s0] =	dma.local [spmem:s31], $0x1C0  }
0x72: {  	_ =	swait.ge [sflag:s18], $0x1C0  }
0x73: {  	s24 =	sadd.s32 $0x1, s24;
	[sflag:s18] =	ssyncset.done $0x0  }
0x74: {  	p1 =	sne.s32 s24, s16;
	s6 =	sshrl.u32 @!p0 s11, $0x3;
	[sflag:s18] =	ssyncadd.s32 $0xFFFFFE40  }
0x75: {  	[hbm:s15], [sflag:s0] =	dma.local @!p0 [spmem:s6], $0x20  }
.Ltmp3:
0x76: {  	_ = 	snop;
	(pc) =	sbr.rel @p1 .LBB2_1-.Ltmp3, $4  }
0x77: {  	s0 =	simm.s32 @!p0 $0x3  }
0x78: {  	_ =	swait.ge @!p0 [sflag:s0], $0x20  }
0x79: {  	[sflag:s0] =	ssyncset.done @!p0 $0x0  }
0x7a: {  	[sflag:s0] =	ssyncadd.s32 @!p0 $0xFFFFFFE0  }
0x7b: {  	_ =	sfence.sel $0x180000  }
0x7c: {  	[bflag:$0x0] =	sbarrier.arrive $0xFFFF  }
0x7d: {  	_ =	strace $0x90000047  }
0x7e: {  	[bflag:$0x2] =	sbarrier.arrive $0xFFFF  }
0x7f: {  	s0 =	rddreg [dreg:$0x2]  }
0x80: {  	s0 =	sadd.s32 @!p0 $0x100000, s0  }
0x81: {  	[sflag:s0] =	ssyncadd.tile.s32 @!p0 $0x1;
	_ =	shalt  }
.Lfunc_end2:
_tile_overlayer_lowered:
.L_overlay_start_2:
0x82: {  	(tag) =	ssettag $0x2  }
0x83: {  	s0 =	rddreg [dreg:$0x0];
	s2 =	stileid.u32  }
0x84: {  	s1 =	rddreg [dreg:$0x1];
	p0 =	sne.s32 s2, $0x0  }
0x85: {  	s3 =	rddreg [dreg:$0x2];
	[bflag:$0x3] =	sbarrier.arrive $0xFFFF;
	s2 =	simm.s32 @!p0 $0x1C03  }
0x86: {  	[timem:s3], [sflag:s2] =	dma.local @!p0 [hbm:s0], s1  }
0x87: {  	s0 =	simm.s32 @!p0 $0x3  }
0x88: {  	_ =	swait.ge @!p0 [sflag:s0], s1  }
0x89: {  	s1 =	ssub.s32 @!p0 $0x0, s1;
	[sflag:s0] =	ssyncset.done @!p0 $0x0  }
0x8a: {  	[sflag:s0] =	ssyncadd.s32 @!p0 s1  }
0x8b: {  	[bflag:$0x3] =	sbarrier.arrive $0xFFFF  }
0x8c: {  	_ =	shalt  }

</sc_bundles>
